<compile_context>
chip_gen: v7x
topology: tpu7x:2x2x1
jax: 0.10.2.dev20260603
libtpu: 0.0.44.dev20260713+nightly
codegen_flags: <defaults>
</compile_context>

<pallas_src>
import functools

import jax
import jax.numpy as jnp
from jax import lax
from jax.experimental import pallas as pl
from jax.experimental.pallas import tpu as pltpu
from jax.experimental.pallas import tpu_sc as plsc

_N = 1048576
_C = 128
_NBINS = 15
_NC = 2
_NS = 16
_NW = _NC * _NS
_CHUNK = 256
_GROUPS = _CHUNK // 16

_SC_ROWS = 638976
assert _SC_ROWS % (_NW * _CHUNK * 2) == 0
_SC_NCHUNK = _SC_ROWS // _NW // _CHUNK
_ROWS_PER_W = _SC_ROWS // _NW

_TC_R = 4096
_TC_NB = (_N - _SC_ROWS) // _TC_R
_TC_BLK0 = _SC_ROWS // _TC_R
assert _SC_ROWS + _TC_NB * _TC_R == _N and _SC_ROWS % _TC_R == 0

def _sc_body(sm_hbm, lbl_hbm, out_hbm,
             rows0, rows1, lbl0, lbl1, acc,
             sem_r0, sem_r1, sem_l0, sem_l1):
    wid = lax.axis_index("s") * _NC + lax.axis_index("c")
    base = wid * _ROWS_PER_W

    rows_bufs = (rows0, rows1)
    lbl_bufs = (lbl0, lbl1)
    sem_r = (sem_r0, sem_r1)
    sem_l = (sem_l0, sem_l1)

    lanes = lax.iota(jnp.int32, 16)
    zero16 = jnp.zeros((16,), jnp.float32)

    for t in range(48):
        acc[pl.ds(t * 16, 16)] = zero16

    def start(cur, b):
        r0 = base + cur * _CHUNK
        pltpu.async_copy(sm_hbm.at[pl.ds(r0 * _C, _CHUNK * _C)], rows_bufs[b],
                         sem_r[b])
        pltpu.async_copy(lbl_hbm.at[pl.ds(r0, _CHUNK)], lbl_bufs[b], sem_l[b])

    def wait(cur, b):
        r0 = base + cur * _CHUNK
        pltpu.make_async_copy(
            sm_hbm.at[pl.ds(r0 * _C, _CHUNK * _C)], rows_bufs[b], sem_r[b]).wait()
        pltpu.make_async_copy(
            lbl_hbm.at[pl.ds(r0, _CHUNK)], lbl_bufs[b], sem_l[b]).wait()

    nblk = _C // 16
    idx_pat = [lanes * _C + ((lanes + u) & 15) for u in range(16)]

    def compute(b):
        rows = rows_bufs[b]
        lblv = lbl_bufs[b]

        def gbody(g, _):
            gbase = g * (16 * _C)

            m_blks = []
            for bb in range(nblk):
                slb = rows.at[pl.ds(gbase + bb * 16, 15 * _C + 16)]
                mb = jnp.full((16,), -1.0, jnp.float32)
                for u in range(16):
                    v = plsc.load_gather(slb, [idx_pat[u]])
                    mb = jnp.maximum(mb, v)
                m_blks.append(mb)

            t1 = [jnp.maximum(m_blks[2 * i], m_blks[2 * i + 1]) for i in range(4)]
            t2 = [jnp.maximum(t1[0], t1[1]), jnp.maximum(t1[2], t1[3])]
            m = jnp.maximum(t2[0], t2[1])

            amb = jnp.zeros((16,), jnp.int32)
            for bb in range(nblk - 1, 0, -1):
                amb = jnp.where(m_blks[bb] == m,
                                jnp.full((16,), bb * 16, jnp.int32), amb)

            sl = rows.at[pl.ds(gbase, 16 * _C)]
            am = amb
            for u in range(15, -1, -1):
                idxfull = idx_pat[u] + amb
                v = plsc.load_gather(sl, [idxfull])
                am = jnp.where(v == m, idxfull & 127, am)

            lbl = lblv[pl.ds(g * 16, 16)]
            accv = jnp.where(am == lbl, 1.0, 0.0).astype(jnp.float32)

            bini = (m * jnp.float32(_NBINS)).astype(jnp.int32)
            binv = jnp.minimum(bini, _NBINS - 1)
            validf = jnp.where(m > 0.0, 1.0, 0.0).astype(jnp.float32)

            slot = binv * 16 + lanes
            plsc.addupdate_scatter(acc, [slot], validf)
            plsc.addupdate_scatter(acc, [slot + 256], m * validf)
            plsc.addupdate_scatter(acc, [slot + 512], accv * validf)
            return 0

        lax.fori_loop(0, _GROUPS, gbody, 0)

    start(0, 0)
    start(1, 1)

    def outer(it, _):
        i = it * 2
        for b in range(2):
            cur = i + b
            wait(cur, b)
            compute(b)

            @pl.when(cur + 2 < _SC_NCHUNK)
            def _prefetch():
                start(cur + 2, b)

        return 0

    lax.fori_loop(0, _SC_NCHUNK // 2, outer, 0)

    pltpu.sync_copy(acc, out_hbm.at[wid])


_sc_partials = functools.partial(
    pl.kernel,
    out_type=jax.ShapeDtypeStruct((_NW, 768), jnp.float32),
    mesh=plsc.VectorSubcoreMesh(core_axis_name="c", subcore_axis_name="s"),
    compiler_params=pltpu.CompilerParams(needs_layout_passes=False),
    scratch_types=[
        pltpu.VMEM((_CHUNK * _C,), jnp.float32),
        pltpu.VMEM((_CHUNK * _C,), jnp.float32),
        pltpu.VMEM((_CHUNK,), jnp.int32),
        pltpu.VMEM((_CHUNK,), jnp.int32),
        pltpu.VMEM((768,), jnp.float32),
        pltpu.SemaphoreType.DMA,
        pltpu.SemaphoreType.DMA,
        pltpu.SemaphoreType.DMA,
        pltpu.SemaphoreType.DMA,
    ],
)(_sc_body)


def _tc_body(lbl_ref, sm_ref, out_ref):
    i = pl.program_id(0)

    @pl.when(i == 0)
    def _init():
        out_ref[...] = jnp.zeros((8, 128), jnp.float32)

    xt = sm_ref[...].T
    conf = jnp.max(xt, axis=0, keepdims=True)
    iot = lax.broadcasted_iota(jnp.int32, (_C, _TC_R), 0)
    cand = jnp.where(xt == conf, iot, _C)
    pred = jnp.min(cand, axis=0, keepdims=True)

    lbl = lbl_ref[0]
    accv = jnp.where(pred == lbl, 1.0, 0.0).astype(jnp.float32)

    bini = (conf * jnp.float32(_NBINS)).astype(jnp.int32)
    t = jnp.where(conf > 0.0, jnp.minimum(bini, _NBINS - 1) + 1, 0)

    onehot = jnp.where(
        lax.broadcasted_iota(jnp.int32, (16, _TC_R), 0) == t, 1.0, 0.0
    ).astype(jnp.float32)
    vals = jnp.concatenate(
        [jnp.ones((1, _TC_R), jnp.float32), conf, accv], axis=0)
    stats = lax.dot_general(vals, onehot, (((1,), (1,)), ((), ())),
                            preferred_element_type=jnp.float32)
    out_ref[0:3, 0:16] = out_ref[0:3, 0:16] + stats


_tc_stats = pl.pallas_call(
    _tc_body,
    grid=(_TC_NB,),
    in_specs=[
        pl.BlockSpec((1, 1, _TC_R), lambda i: (_TC_BLK0 + i, 0, 0)),
        pl.BlockSpec((_TC_R, _C), lambda i: (_TC_BLK0 + i, 0)),
    ],
    out_specs=pl.BlockSpec((8, 128), lambda i: (0, 0)),
    out_shape=jax.ShapeDtypeStruct((8, 128), jnp.float32),
)


def kernel(softmaxes, labels):
    parts_sc = _sc_partials(softmaxes.reshape(-1), labels)
    parts_tc = _tc_stats(labels.reshape(-1, 1, _TC_R), softmaxes)
    s = jnp.sum(parts_sc, axis=0).reshape(48, 16).sum(axis=1)
    cnt = s[0:_NBINS] + parts_tc[0, 1:16]
    sum_conf = s[16:16 + _NBINS] + parts_tc[1, 1:16]
    sum_acc = s[32:32 + _NBINS] + parts_tc[2, 1:16]
    prop = cnt / _N
    safe = jnp.maximum(cnt, 1.0)
    contrib = jnp.abs(sum_conf / safe - sum_acc / safe) * prop
    ece = jnp.sum(jnp.where(prop > 0.0, contrib, 0.0))
    return ece.reshape(1)

# --- scband reference (transcript-rebuilt; emitter-appended) ---
"""Pipeline reference for scband-eceloss-10531259810371 (READ-ONLY COPY).

The authoritative reference and input builder live on the scoring server;
editing this copy changes nothing except your own understanding.
"""

import jax, jax.numpy as jnp
import numpy as np

N_BINS = 15
N = 1048576
C = 128


def setup_inputs(seed: int = 0) -> dict:
    key = jax.random.key(seed)
    k1, k2 = jax.random.split(key)
    softmaxes = jax.random.uniform(k1, (N, C), dtype=jnp.float32)
    labels = jax.random.randint(k2, (N,), 0, C, dtype=jnp.int32)
    return {"softmaxes": softmaxes, "labels": labels}


def reference(softmaxes, labels):
    # confidences, predictions = torch.max(softmaxes, 1)
    confidences = jnp.max(softmaxes, axis=1)
    predictions = jnp.argmax(softmaxes, axis=1)
    accuracies = (predictions == labels).astype(jnp.float32)

    boundaries = jnp.linspace(0.0, 1.0, N_BINS + 1)
    bin_lowers = boundaries[:-1]
    bin_uppers = boundaries[1:]

    ece = jnp.zeros((1,), dtype=jnp.float32)
    for i in range(N_BINS):
        in_bin = (confidences > bin_lowers[i]) & (confidences <= bin_uppers[i])
        in_binf = in_bin.astype(jnp.float32)
        prop_in_bin = jnp.mean(in_binf)
        cnt = jnp.sum(in_binf)
        safe_cnt = jnp.maximum(cnt, 1.0)
        accuracy_in_bin = jnp.sum(accuracies * in_binf) / safe_cnt
        avg_confidence_in_bin = jnp.sum(confidences * in_binf) / safe_cnt
        contrib = jnp.abs(avg_confidence_in_bin - accuracy_in_bin) * prop_in_bin
        ece = ece + jnp.where(prop_in_bin > 0.0, contrib, 0.0)
    return ece

if __name__ == "__main__":
    import jax
    _d = setup_inputs()
    print(jax.jit(kernel)(*tuple(_d.values())))

</pallas_src>

<mosaic_0001>
#map = affine_map<(d0, d1) -> (0)>
#map1 = affine_map<(d0, d1) -> (0, 0)>
module attributes {stable_mosaic.version = 14 : i64} {
  func.func @_sc_body(%arg0: i32, %arg1: i32, %arg2: memref<134217728xf32, #tpu.memory_space<hbm>>, %arg3: memref<1048576xi32, #tpu.memory_space<hbm>>, %arg4: memref<32x768xf32, #tpu.memory_space<hbm>>, %arg5: memref<32768xf32, #tpu.memory_space<vmem>>, %arg6: memref<32768xf32, #tpu.memory_space<vmem>>, %arg7: memref<256xi32, #tpu.memory_space<vmem>>, %arg8: memref<256xi32, #tpu.memory_space<vmem>>, %arg9: memref<768xf32, #tpu.memory_space<vmem>>, %arg10: memref<!tpu.dma_semaphore, #tpu.memory_space<semaphore_mem>>, %arg11: memref<!tpu.dma_semaphore, #tpu.memory_space<semaphore_mem>>, %arg12: memref<!tpu.dma_semaphore, #tpu.memory_space<semaphore_mem>>, %arg13: memref<!tpu.dma_semaphore, #tpu.memory_space<semaphore_mem>>) attributes {dimension_semantics = [#tpu.dimension_semantics<core_parallel>, #tpu.dimension_semantics<subcore_parallel>], iteration_bounds = array<i64: 2, 16>, scalar_prefetch = 0 : i64, scratch_operands = 9 : i64, tpu.core_type = #tpu.core_type<sc_vector_subcore>, window_params = [{transform_indices = #map}, {transform_indices = #map}, {transform_indices = #map1}]} {
    %mul3A = arith.constant 2 : i32
    %mul3A_0 = arith.muli %arg1, %mul3A : i32
    %add3A = arith.addi %mul3A_0, %arg0 : i32
    %mul3A_1 = arith.constant 19968 : i32
    %mul3A_2 = arith.muli %add3A, %mul3A_1 : i32
    %iota3A = tpu.iota {dimensions = array<i32: 0>} : vector<16xi32>
    %broadcast_in_dim3A = arith.constant 0.000000e+00 : f32
    %broadcast_in_dim3A_3 = vector.broadcast %broadcast_in_dim3A : f32 to vector<16xf32>
    %swap3A = arith.constant 0 : index
    %swap3A_4 = tpu.vector_load %arg9[%swap3A] {strides = array<i32>} : memref<768xf32, #tpu.memory_space<vmem>>, vector<16xf32>,
    tpu.vector_store %arg9[%swap3A], %broadcast_in_dim3A_3 {strides = array<i32>} : memref<768xf32, #tpu.memory_space<vmem>>, vector<16xf32>,
    %swap3A_5 = arith.constant 16 : index
    %swap3A_6 = tpu.vector_load %arg9[%swap3A_5] {strides = array<i32>} : memref<768xf32, #tpu.memory_space<vmem>>, vector<16xf32>,
    tpu.vector_store %arg9[%swap3A_5], %broadcast_in_dim3A_3 {strides = array<i32>} : memref<768xf32, #tpu.memory_space<vmem>>, vector<16xf32>,
    %swap3A_7 = arith.constant 32 : index
    %swap3A_8 = tpu.vector_load %arg9[%swap3A_7] {strides = array<i32>} : memref<768xf32, #tpu.memory_space<vmem>>, vector<16xf32>,
    tpu.vector_store %arg9[%swap3A_7], %broadcast_in_dim3A_3 {strides = array<i32>} : memref<768xf32, #tpu.memory_space<vmem>>, vector<16xf32>,
    %swap3A_9 = arith.constant 48 : index
    %swap3A_10 = tpu.vector_load %arg9[%swap3A_9] {strides = array<i32>} : memref<768xf32, #tpu.memory_space<vmem>>, vector<16xf32>,
    tpu.vector_store %arg9[%swap3A_9], %broadcast_in_dim3A_3 {strides = array<i32>} : memref<768xf32, #tpu.memory_space<vmem>>, vector<16xf32>,
    %swap3A_11 = arith.constant 64 : index
    %swap3A_12 = tpu.vector_load %arg9[%swap3A_11] {strides = array<i32>} : memref<768xf32, #tpu.memory_space<vmem>>, vector<16xf32>,
    tpu.vector_store %arg9[%swap3A_11], %broadcast_in_dim3A_3 {strides = array<i32>} : memref<768xf32, #tpu.memory_space<vmem>>, vector<16xf32>,
    %swap3A_13 = arith.constant 80 : index
    %swap3A_14 = tpu.vector_load %arg9[%swap3A_13] {strides = array<i32>} : memref<768xf32, #tpu.memory_space<vmem>>, vector<16xf32>,
    tpu.vector_store %arg9[%swap3A_13], %broadcast_in_dim3A_3 {strides = array<i32>} : memref<768xf32, #tpu.memory_space<vmem>>, vector<16xf32>,
    %swap3A_15 = arith.constant 96 : index
    %swap3A_16 = tpu.vector_load %arg9[%swap3A_15] {strides = array<i32>} : memref<768xf32, #tpu.memory_space<vmem>>, vector<16xf32>,
    tpu.vector_store %arg9[%swap3A_15], %broadcast_in_dim3A_3 {strides = array<i32>} : memref<768xf32, #tpu.memory_space<vmem>>, vector<16xf32>,
    %swap3A_17 = arith.constant 112 : index
    %swap3A_18 = tpu.vector_load %arg9[%swap3A_17] {strides = array<i32>} : memref<768xf32, #tpu.memory_space<vmem>>, vector<16xf32>,
    tpu.vector_store %arg9[%swap3A_17], %broadcast_in_dim3A_3 {strides = array<i32>} : memref<768xf32, #tpu.memory_space<vmem>>, vector<16xf32>,
    %swap3A_19 = arith.constant 128 : index
    %swap3A_20 = tpu.vector_load %arg9[%swap3A_19] {strides = array<i32>} : memref<768xf32, #tpu.memory_space<vmem>>, vector<16xf32>,
    tpu.vector_store %arg9[%swap3A_19], %broadcast_in_dim3A_3 {strides = array<i32>} : memref<768xf32, #tpu.memory_space<vmem>>, vector<16xf32>,
    %swap3A_21 = arith.constant 144 : index
    %swap3A_22 = tpu.vector_load %arg9[%swap3A_21] {strides = array<i32>} : memref<768xf32, #tpu.memory_space<vmem>>, vector<16xf32>,
    tpu.vector_store %arg9[%swap3A_21], %broadcast_in_dim3A_3 {strides = array<i32>} : memref<768xf32, #tpu.memory_space<vmem>>, vector<16xf32>,
    %swap3A_23 = arith.constant 160 : index
    %swap3A_24 = tpu.vector_load %arg9[%swap3A_23] {strides = array<i32>} : memref<768xf32, #tpu.memory_space<vmem>>, vector<16xf32>,
    tpu.vector_store %arg9[%swap3A_23], %broadcast_in_dim3A_3 {strides = array<i32>} : memref<768xf32, #tpu.memory_space<vmem>>, vector<16xf32>,
    %swap3A_25 = arith.constant 176 : index
    %swap3A_26 = tpu.vector_load %arg9[%swap3A_25] {strides = array<i32>} : memref<768xf32, #tpu.memory_space<vmem>>, vector<16xf32>,
    tpu.vector_store %arg9[%swap3A_25], %broadcast_in_dim3A_3 {strides = array<i32>} : memref<768xf32, #tpu.memory_space<vmem>>, vector<16xf32>,
    %swap3A_27 = arith.constant 192 : index
    %swap3A_28 = tpu.vector_load %arg9[%swap3A_27] {strides = array<i32>} : memref<768xf32, #tpu.memory_space<vmem>>, vector<16xf32>,
    tpu.vector_store %arg9[%swap3A_27], %broadcast_in_dim3A_3 {strides = array<i32>} : memref<768xf32, #tpu.memory_space<vmem>>, vector<16xf32>,
    %swap3A_29 = arith.constant 208 : index
    %swap3A_30 = tpu.vector_load %arg9[%swap3A_29] {strides = array<i32>} : memref<768xf32, #tpu.memory_space<vmem>>, vector<16xf32>,
    tpu.vector_store %arg9[%swap3A_29], %broadcast_in_dim3A_3 {strides = array<i32>} : memref<768xf32, #tpu.memory_space<vmem>>, vector<16xf32>,
    %swap3A_31 = arith.constant 224 : index
    %swap3A_32 = tpu.vector_load %arg9[%swap3A_31] {strides = array<i32>} : memref<768xf32, #tpu.memory_space<vmem>>, vector<16xf32>,
    tpu.vector_store %arg9[%swap3A_31], %broadcast_in_dim3A_3 {strides = array<i32>} : memref<768xf32, #tpu.memory_space<vmem>>, vector<16xf32>,
    %swap3A_33 = arith.constant 240 : index
    %swap3A_34 = tpu.vector_load %arg9[%swap3A_33] {strides = array<i32>} : memref<768xf32, #tpu.memory_space<vmem>>, vector<16xf32>,
    tpu.vector_store %arg9[%swap3A_33], %broadcast_in_dim3A_3 {strides = array<i32>} : memref<768xf32, #tpu.memory_space<vmem>>, vector<16xf32>,
    %swap3A_35 = arith.constant 256 : index
    %swap3A_36 = tpu.vector_load %arg9[%swap3A_35] {strides = array<i32>} : memref<768xf32, #tpu.memory_space<vmem>>, vector<16xf32>,
    tpu.vector_store %arg9[%swap3A_35], %broadcast_in_dim3A_3 {strides = array<i32>} : memref<768xf32, #tpu.memory_space<vmem>>, vector<16xf32>,
    %swap3A_37 = arith.constant 272 : index
    %swap3A_38 = tpu.vector_load %arg9[%swap3A_37] {strides = array<i32>} : memref<768xf32, #tpu.memory_space<vmem>>, vector<16xf32>,
    tpu.vector_store %arg9[%swap3A_37], %broadcast_in_dim3A_3 {strides = array<i32>} : memref<768xf32, #tpu.memory_space<vmem>>, vector<16xf32>,
    %swap3A_39 = arith.constant 288 : index
    %swap3A_40 = tpu.vector_load %arg9[%swap3A_39] {strides = array<i32>} : memref<768xf32, #tpu.memory_space<vmem>>, vector<16xf32>,
    tpu.vector_store %arg9[%swap3A_39], %broadcast_in_dim3A_3 {strides = array<i32>} : memref<768xf32, #tpu.memory_space<vmem>>, vector<16xf32>,
    %swap3A_41 = arith.constant 304 : index
    %swap3A_42 = tpu.vector_load %arg9[%swap3A_41] {strides = array<i32>} : memref<768xf32, #tpu.memory_space<vmem>>, vector<16xf32>,
    tpu.vector_store %arg9[%swap3A_41], %broadcast_in_dim3A_3 {strides = array<i32>} : memref<768xf32, #tpu.memory_space<vmem>>, vector<16xf32>,
    %swap3A_43 = arith.constant 320 : index
    %swap3A_44 = tpu.vector_load %arg9[%swap3A_43] {strides = array<i32>} : memref<768xf32, #tpu.memory_space<vmem>>, vector<16xf32>,
    tpu.vector_store %arg9[%swap3A_43], %broadcast_in_dim3A_3 {strides = array<i32>} : memref<768xf32, #tpu.memory_space<vmem>>, vector<16xf32>,
    %swap3A_45 = arith.constant 336 : index
    %swap3A_46 = tpu.vector_load %arg9[%swap3A_45] {strides = array<i32>} : memref<768xf32, #tpu.memory_space<vmem>>, vector<16xf32>,
    tpu.vector_store %arg9[%swap3A_45], %broadcast_in_dim3A_3 {strides = array<i32>} : memref<768xf32, #tpu.memory_space<vmem>>, vector<16xf32>,
    %swap3A_47 = arith.constant 352 : index
    %swap3A_48 = tpu.vector_load %arg9[%swap3A_47] {strides = array<i32>} : memref<768xf32, #tpu.memory_space<vmem>>, vector<16xf32>,
    tpu.vector_store %arg9[%swap3A_47], %broadcast_in_dim3A_3 {strides = array<i32>} : memref<768xf32, #tpu.memory_space<vmem>>, vector<16xf32>,
    %swap3A_49 = arith.constant 368 : index
    %swap3A_50 = tpu.vector_load %arg9[%swap3A_49] {strides = array<i32>} : memref<768xf32, #tpu.memory_space<vmem>>, vector<16xf32>,
    tpu.vector_store %arg9[%swap3A_49], %broadcast_in_dim3A_3 {strides = array<i32>} : memref<768xf32, #tpu.memory_space<vmem>>, vector<16xf32>,
    %swap3A_51 = arith.constant 384 : index
    %swap3A_52 = tpu.vector_load %arg9[%swap3A_51] {strides = array<i32>} : memref<768xf32, #tpu.memory_space<vmem>>, vector<16xf32>,
    tpu.vector_store %arg9[%swap3A_51], %broadcast_in_dim3A_3 {strides = array<i32>} : memref<768xf32, #tpu.memory_space<vmem>>, vector<16xf32>,
    %swap3A_53 = arith.constant 400 : index
    %swap3A_54 = tpu.vector_load %arg9[%swap3A_53] {strides = array<i32>} : memref<768xf32, #tpu.memory_space<vmem>>, vector<16xf32>,
    tpu.vector_store %arg9[%swap3A_53], %broadcast_in_dim3A_3 {strides = array<i32>} : memref<768xf32, #tpu.memory_space<vmem>>, vector<16xf32>,
    %swap3A_55 = arith.constant 416 : index
    %swap3A_56 = tpu.vector_load %arg9[%swap3A_55] {strides = array<i32>} : memref<768xf32, #tpu.memory_space<vmem>>, vector<16xf32>,
    tpu.vector_store %arg9[%swap3A_55], %broadcast_in_dim3A_3 {strides = array<i32>} : memref<768xf32, #tpu.memory_space<vmem>>, vector<16xf32>,
    %swap3A_57 = arith.constant 432 : index
    %swap3A_58 = tpu.vector_load %arg9[%swap3A_57] {strides = array<i32>} : memref<768xf32, #tpu.memory_space<vmem>>, vector<16xf32>,
    tpu.vector_store %arg9[%swap3A_57], %broadcast_in_dim3A_3 {strides = array<i32>} : memref<768xf32, #tpu.memory_space<vmem>>, vector<16xf32>,
    %swap3A_59 = arith.constant 448 : index
    %swap3A_60 = tpu.vector_load %arg9[%swap3A_59] {strides = array<i32>} : memref<768xf32, #tpu.memory_space<vmem>>, vector<16xf32>,
    tpu.vector_store %arg9[%swap3A_59], %broadcast_in_dim3A_3 {strides = array<i32>} : memref<768xf32, #tpu.memory_space<vmem>>, vector<16xf32>,
    %swap3A_61 = arith.constant 464 : index
    %swap3A_62 = tpu.vector_load %arg9[%swap3A_61] {strides = array<i32>} : memref<768xf32, #tpu.memory_space<vmem>>, vector<16xf32>,
    tpu.vector_store %arg9[%swap3A_61], %broadcast_in_dim3A_3 {strides = array<i32>} : memref<768xf32, #tpu.memory_space<vmem>>, vector<16xf32>,
    %swap3A_63 = arith.constant 480 : index
    %swap3A_64 = tpu.vector_load %arg9[%swap3A_63] {strides = array<i32>} : memref<768xf32, #tpu.memory_space<vmem>>, vector<16xf32>,
    tpu.vector_store %arg9[%swap3A_63], %broadcast_in_dim3A_3 {strides = array<i32>} : memref<768xf32, #tpu.memory_space<vmem>>, vector<16xf32>,
    %swap3A_65 = arith.constant 496 : index
    %swap3A_66 = tpu.vector_load %arg9[%swap3A_65] {strides = array<i32>} : memref<768xf32, #tpu.memory_space<vmem>>, vector<16xf32>,
    tpu.vector_store %arg9[%swap3A_65], %broadcast_in_dim3A_3 {strides = array<i32>} : memref<768xf32, #tpu.memory_space<vmem>>, vector<16xf32>,
    %swap3A_67 = arith.constant 512 : index
    %swap3A_68 = tpu.vector_load %arg9[%swap3A_67] {strides = array<i32>} : memref<768xf32, #tpu.memory_space<vmem>>, vector<16xf32>,
    tpu.vector_store %arg9[%swap3A_67], %broadcast_in_dim3A_3 {strides = array<i32>} : memref<768xf32, #tpu.memory_space<vmem>>, vector<16xf32>,
    %swap3A_69 = arith.constant 528 : index
    %swap3A_70 = tpu.vector_load %arg9[%swap3A_69] {strides = array<i32>} : memref<768xf32, #tpu.memory_space<vmem>>, vector<16xf32>,
    tpu.vector_store %arg9[%swap3A_69], %broadcast_in_dim3A_3 {strides = array<i32>} : memref<768xf32, #tpu.memory_space<vmem>>, vector<16xf32>,
    %swap3A_71 = arith.constant 544 : index
    %swap3A_72 = tpu.vector_load %arg9[%swap3A_71] {strides = array<i32>} : memref<768xf32, #tpu.memory_space<vmem>>, vector<16xf32>,
    tpu.vector_store %arg9[%swap3A_71], %broadcast_in_dim3A_3 {strides = array<i32>} : memref<768xf32, #tpu.memory_space<vmem>>, vector<16xf32>,
    %swap3A_73 = arith.constant 560 : index
    %swap3A_74 = tpu.vector_load %arg9[%swap3A_73] {strides = array<i32>} : memref<768xf32, #tpu.memory_space<vmem>>, vector<16xf32>,
    tpu.vector_store %arg9[%swap3A_73], %broadcast_in_dim3A_3 {strides = array<i32>} : memref<768xf32, #tpu.memory_space<vmem>>, vector<16xf32>,
    %swap3A_75 = arith.constant 576 : index
    %swap3A_76 = tpu.vector_load %arg9[%swap3A_75] {strides = array<i32>} : memref<768xf32, #tpu.memory_space<vmem>>, vector<16xf32>,
    tpu.vector_store %arg9[%swap3A_75], %broadcast_in_dim3A_3 {strides = array<i32>} : memref<768xf32, #tpu.memory_space<vmem>>, vector<16xf32>,
    %swap3A_77 = arith.constant 592 : index
    %swap3A_78 = tpu.vector_load %arg9[%swap3A_77] {strides = array<i32>} : memref<768xf32, #tpu.memory_space<vmem>>, vector<16xf32>,
    tpu.vector_store %arg9[%swap3A_77], %broadcast_in_dim3A_3 {strides = array<i32>} : memref<768xf32, #tpu.memory_space<vmem>>, vector<16xf32>,
    %swap3A_79 = arith.constant 608 : index
    %swap3A_80 = tpu.vector_load %arg9[%swap3A_79] {strides = array<i32>} : memref<768xf32, #tpu.memory_space<vmem>>, vector<16xf32>,
    tpu.vector_store %arg9[%swap3A_79], %broadcast_in_dim3A_3 {strides = array<i32>} : memref<768xf32, #tpu.memory_space<vmem>>, vector<16xf32>,
    %swap3A_81 = arith.constant 624 : index
    %swap3A_82 = tpu.vector_load %arg9[%swap3A_81] {strides = array<i32>} : memref<768xf32, #tpu.memory_space<vmem>>, vector<16xf32>,
    tpu.vector_store %arg9[%swap3A_81], %broadcast_in_dim3A_3 {strides = array<i32>} : memref<768xf32, #tpu.memory_space<vmem>>, vector<16xf32>,
    %swap3A_83 = arith.constant 640 : index
    %swap3A_84 = tpu.vector_load %arg9[%swap3A_83] {strides = array<i32>} : memref<768xf32, #tpu.memory_space<vmem>>, vector<16xf32>,
    tpu.vector_store %arg9[%swap3A_83], %broadcast_in_dim3A_3 {strides = array<i32>} : memref<768xf32, #tpu.memory_space<vmem>>, vector<16xf32>,
    %swap3A_85 = arith.constant 656 : index
    %swap3A_86 = tpu.vector_load %arg9[%swap3A_85] {strides = array<i32>} : memref<768xf32, #tpu.memory_space<vmem>>, vector<16xf32>,
    tpu.vector_store %arg9[%swap3A_85], %broadcast_in_dim3A_3 {strides = array<i32>} : memref<768xf32, #tpu.memory_space<vmem>>, vector<16xf32>,
    %swap3A_87 = arith.constant 672 : index
    %swap3A_88 = tpu.vector_load %arg9[%swap3A_87] {strides = array<i32>} : memref<768xf32, #tpu.memory_space<vmem>>, vector<16xf32>,
    tpu.vector_store %arg9[%swap3A_87], %broadcast_in_dim3A_3 {strides = array<i32>} : memref<768xf32, #tpu.memory_space<vmem>>, vector<16xf32>,
    %swap3A_89 = arith.constant 688 : index
    %swap3A_90 = tpu.vector_load %arg9[%swap3A_89] {strides = array<i32>} : memref<768xf32, #tpu.memory_space<vmem>>, vector<16xf32>,
    tpu.vector_store %arg9[%swap3A_89], %broadcast_in_dim3A_3 {strides = array<i32>} : memref<768xf32, #tpu.memory_space<vmem>>, vector<16xf32>,
    %swap3A_91 = arith.constant 704 : index
    %swap3A_92 = tpu.vector_load %arg9[%swap3A_91] {strides = array<i32>} : memref<768xf32, #tpu.memory_space<vmem>>, vector<16xf32>,
    tpu.vector_store %arg9[%swap3A_91], %broadcast_in_dim3A_3 {strides = array<i32>} : memref<768xf32, #tpu.memory_space<vmem>>, vector<16xf32>,
    %swap3A_93 = arith.constant 720 : index
    %swap3A_94 = tpu.vector_load %arg9[%swap3A_93] {strides = array<i32>} : memref<768xf32, #tpu.memory_space<vmem>>, vector<16xf32>,
    tpu.vector_store %arg9[%swap3A_93], %broadcast_in_dim3A_3 {strides = array<i32>} : memref<768xf32, #tpu.memory_space<vmem>>, vector<16xf32>,
    %swap3A_95 = arith.constant 736 : index
    %swap3A_96 = tpu.vector_load %arg9[%swap3A_95] {strides = array<i32>} : memref<768xf32, #tpu.memory_space<vmem>>, vector<16xf32>,
    tpu.vector_store %arg9[%swap3A_95], %broadcast_in_dim3A_3 {strides = array<i32>} : memref<768xf32, #tpu.memory_space<vmem>>, vector<16xf32>,
    %swap3A_97 = arith.constant 752 : index
    %swap3A_98 = tpu.vector_load %arg9[%swap3A_97] {strides = array<i32>} : memref<768xf32, #tpu.memory_space<vmem>>, vector<16xf32>,
    tpu.vector_store %arg9[%swap3A_97], %broadcast_in_dim3A_3 {strides = array<i32>} : memref<768xf32, #tpu.memory_space<vmem>>, vector<16xf32>,
    %mul3A_99 = arith.constant 128 : i32
    %mul3A_100 = vector.broadcast %mul3A_99 : i32 to vector<16xi32>
    %mul3A_101 = arith.muli %iota3A, %mul3A_100 : vector<16xi32>
    %add3A_102 = arith.constant 0 : i32
    %add3A_103 = vector.broadcast %add3A_102 : i32 to vector<16xi32>
    %add3A_104 = arith.addi %iota3A, %add3A_103 : vector<16xi32>
    %and3A = arith.constant 15 : i32
    %and3A_105 = vector.broadcast %and3A : i32 to vector<16xi32>
    %and3A_106 = arith.andi %add3A_104, %and3A_105 : vector<16xi32>
    %add3A_107 = arith.addi %mul3A_101, %and3A_106 : vector<16xi32>
    %mul3A_108 = arith.constant 128 : i32
    %mul3A_109 = vector.broadcast %mul3A_108 : i32 to vector<16xi32>
    %mul3A_110 = arith.muli %iota3A, %mul3A_109 : vector<16xi32>
    %add3A_111 = arith.constant 1 : i32
    %add3A_112 = vector.broadcast %add3A_111 : i32 to vector<16xi32>
    %add3A_113 = arith.addi %iota3A, %add3A_112 : vector<16xi32>
    %and3A_114 = arith.constant 15 : i32
    %and3A_115 = vector.broadcast %and3A_114 : i32 to vector<16xi32>
    %and3A_116 = arith.andi %add3A_113, %and3A_115 : vector<16xi32>
    %add3A_117 = arith.addi %mul3A_110, %and3A_116 : vector<16xi32>
    %mul3A_118 = arith.constant 128 : i32
    %mul3A_119 = vector.broadcast %mul3A_118 : i32 to vector<16xi32>
    %mul3A_120 = arith.muli %iota3A, %mul3A_119 : vector<16xi32>
    %add3A_121 = arith.constant 2 : i32
    %add3A_122 = vector.broadcast %add3A_121 : i32 to vector<16xi32>
    %add3A_123 = arith.addi %iota3A, %add3A_122 : vector<16xi32>
    %and3A_124 = arith.constant 15 : i32
    %and3A_125 = vector.broadcast %and3A_124 : i32 to vector<16xi32>
    %and3A_126 = arith.andi %add3A_123, %and3A_125 : vector<16xi32>
    %add3A_127 = arith.addi %mul3A_120, %and3A_126 : vector<16xi32>
    %mul3A_128 = arith.constant 128 : i32
    %mul3A_129 = vector.broadcast %mul3A_128 : i32 to vector<16xi32>
    %mul3A_130 = arith.muli %iota3A, %mul3A_129 : vector<16xi32>
    %add3A_131 = arith.constant 3 : i32
    %add3A_132 = vector.broadcast %add3A_131 : i32 to vector<16xi32>
    %add3A_133 = arith.addi %iota3A, %add3A_132 : vector<16xi32>
    %and3A_134 = arith.constant 15 : i32
    %and3A_135 = vector.broadcast %and3A_134 : i32 to vector<16xi32>
    %and3A_136 = arith.andi %add3A_133, %and3A_135 : vector<16xi32>
    %add3A_137 = arith.addi %mul3A_130, %and3A_136 : vector<16xi32>
    %mul3A_138 = arith.constant 128 : i32
    %mul3A_139 = vector.broadcast %mul3A_138 : i32 to vector<16xi32>
    %mul3A_140 = arith.muli %iota3A, %mul3A_139 : vector<16xi32>
    %add3A_141 = arith.constant 4 : i32
    %add3A_142 = vector.broadcast %add3A_141 : i32 to vector<16xi32>
    %add3A_143 = arith.addi %iota3A, %add3A_142 : vector<16xi32>
    %and3A_144 = arith.constant 15 : i32
    %and3A_145 = vector.broadcast %and3A_144 : i32 to vector<16xi32>
    %and3A_146 = arith.andi %add3A_143, %and3A_145 : vector<16xi32>
    %add3A_147 = arith.addi %mul3A_140, %and3A_146 : vector<16xi32>
    %mul3A_148 = arith.constant 128 : i32
    %mul3A_149 = vector.broadcast %mul3A_148 : i32 to vector<16xi32>
    %mul3A_150 = arith.muli %iota3A, %mul3A_149 : vector<16xi32>
    %add3A_151 = arith.constant 5 : i32
    %add3A_152 = vector.broadcast %add3A_151 : i32 to vector<16xi32>
    %add3A_153 = arith.addi %iota3A, %add3A_152 : vector<16xi32>
    %and3A_154 = arith.constant 15 : i32
    %and3A_155 = vector.broadcast %and3A_154 : i32 to vector<16xi32>
    %and3A_156 = arith.andi %add3A_153, %and3A_155 : vector<16xi32>
    %add3A_157 = arith.addi %mul3A_150, %and3A_156 : vector<16xi32>
    %mul3A_158 = arith.constant 128 : i32
    %mul3A_159 = vector.broadcast %mul3A_158 : i32 to vector<16xi32>
    %mul3A_160 = arith.muli %iota3A, %mul3A_159 : vector<16xi32>
    %add3A_161 = arith.constant 6 : i32
    %add3A_162 = vector.broadcast %add3A_161 : i32 to vector<16xi32>
    %add3A_163 = arith.addi %iota3A, %add3A_162 : vector<16xi32>
    %and3A_164 = arith.constant 15 : i32
    %and3A_165 = vector.broadcast %and3A_164 : i32 to vector<16xi32>
    %and3A_166 = arith.andi %add3A_163, %and3A_165 : vector<16xi32>
    %add3A_167 = arith.addi %mul3A_160, %and3A_166 : vector<16xi32>
    %mul3A_168 = arith.constant 128 : i32
    %mul3A_169 = vector.broadcast %mul3A_168 : i32 to vector<16xi32>
    %mul3A_170 = arith.muli %iota3A, %mul3A_169 : vector<16xi32>
    %add3A_171 = arith.constant 7 : i32
    %add3A_172 = vector.broadcast %add3A_171 : i32 to vector<16xi32>
    %add3A_173 = arith.addi %iota3A, %add3A_172 : vector<16xi32>
    %and3A_174 = arith.constant 15 : i32
    %and3A_175 = vector.broadcast %and3A_174 : i32 to vector<16xi32>
    %and3A_176 = arith.andi %add3A_173, %and3A_175 : vector<16xi32>
    %add3A_177 = arith.addi %mul3A_170, %and3A_176 : vector<16xi32>
    %mul3A_178 = arith.constant 128 : i32
    %mul3A_179 = vector.broadcast %mul3A_178 : i32 to vector<16xi32>
    %mul3A_180 = arith.muli %iota3A, %mul3A_179 : vector<16xi32>
    %add3A_181 = arith.constant 8 : i32
    %add3A_182 = vector.broadcast %add3A_181 : i32 to vector<16xi32>
    %add3A_183 = arith.addi %iota3A, %add3A_182 : vector<16xi32>
    %and3A_184 = arith.constant 15 : i32
    %and3A_185 = vector.broadcast %and3A_184 : i32 to vector<16xi32>
    %and3A_186 = arith.andi %add3A_183, %and3A_185 : vector<16xi32>
    %add3A_187 = arith.addi %mul3A_180, %and3A_186 : vector<16xi32>
    %mul3A_188 = arith.constant 128 : i32
    %mul3A_189 = vector.broadcast %mul3A_188 : i32 to vector<16xi32>
    %mul3A_190 = arith.muli %iota3A, %mul3A_189 : vector<16xi32>
    %add3A_191 = arith.constant 9 : i32
    %add3A_192 = vector.broadcast %add3A_191 : i32 to vector<16xi32>
    %add3A_193 = arith.addi %iota3A, %add3A_192 : vector<16xi32>
    %and3A_194 = arith.constant 15 : i32
    %and3A_195 = vector.broadcast %and3A_194 : i32 to vector<16xi32>
    %and3A_196 = arith.andi %add3A_193, %and3A_195 : vector<16xi32>
    %add3A_197 = arith.addi %mul3A_190, %and3A_196 : vector<16xi32>
    %mul3A_198 = arith.constant 128 : i32
    %mul3A_199 = vector.broadcast %mul3A_198 : i32 to vector<16xi32>
    %mul3A_200 = arith.muli %iota3A, %mul3A_199 : vector<16xi32>
    %add3A_201 = arith.constant 10 : i32
    %add3A_202 = vector.broadcast %add3A_201 : i32 to vector<16xi32>
    %add3A_203 = arith.addi %iota3A, %add3A_202 : vector<16xi32>
    %and3A_204 = arith.constant 15 : i32
    %and3A_205 = vector.broadcast %and3A_204 : i32 to vector<16xi32>
    %and3A_206 = arith.andi %add3A_203, %and3A_205 : vector<16xi32>
    %add3A_207 = arith.addi %mul3A_200, %and3A_206 : vector<16xi32>
    %mul3A_208 = arith.constant 128 : i32
    %mul3A_209 = vector.broadcast %mul3A_208 : i32 to vector<16xi32>
    %mul3A_210 = arith.muli %iota3A, %mul3A_209 : vector<16xi32>
    %add3A_211 = arith.constant 11 : i32
    %add3A_212 = vector.broadcast %add3A_211 : i32 to vector<16xi32>
    %add3A_213 = arith.addi %iota3A, %add3A_212 : vector<16xi32>
    %and3A_214 = arith.constant 15 : i32
    %and3A_215 = vector.broadcast %and3A_214 : i32 to vector<16xi32>
    %and3A_216 = arith.andi %add3A_213, %and3A_215 : vector<16xi32>
    %add3A_217 = arith.addi %mul3A_210, %and3A_216 : vector<16xi32>
    %mul3A_218 = arith.constant 128 : i32
    %mul3A_219 = vector.broadcast %mul3A_218 : i32 to vector<16xi32>
    %mul3A_220 = arith.muli %iota3A, %mul3A_219 : vector<16xi32>
    %add3A_221 = arith.constant 12 : i32
    %add3A_222 = vector.broadcast %add3A_221 : i32 to vector<16xi32>
    %add3A_223 = arith.addi %iota3A, %add3A_222 : vector<16xi32>
    %and3A_224 = arith.constant 15 : i32
    %and3A_225 = vector.broadcast %and3A_224 : i32 to vector<16xi32>
    %and3A_226 = arith.andi %add3A_223, %and3A_225 : vector<16xi32>
    %add3A_227 = arith.addi %mul3A_220, %and3A_226 : vector<16xi32>
    %mul3A_228 = arith.constant 128 : i32
    %mul3A_229 = vector.broadcast %mul3A_228 : i32 to vector<16xi32>
    %mul3A_230 = arith.muli %iota3A, %mul3A_229 : vector<16xi32>
    %add3A_231 = arith.constant 13 : i32
    %add3A_232 = vector.broadcast %add3A_231 : i32 to vector<16xi32>
    %add3A_233 = arith.addi %iota3A, %add3A_232 : vector<16xi32>
    %and3A_234 = arith.constant 15 : i32
    %and3A_235 = vector.broadcast %and3A_234 : i32 to vector<16xi32>
    %and3A_236 = arith.andi %add3A_233, %and3A_235 : vector<16xi32>
    %add3A_237 = arith.addi %mul3A_230, %and3A_236 : vector<16xi32>
    %mul3A_238 = arith.constant 128 : i32
    %mul3A_239 = vector.broadcast %mul3A_238 : i32 to vector<16xi32>
    %mul3A_240 = arith.muli %iota3A, %mul3A_239 : vector<16xi32>
    %add3A_241 = arith.constant 14 : i32
    %add3A_242 = vector.broadcast %add3A_241 : i32 to vector<16xi32>
    %add3A_243 = arith.addi %iota3A, %add3A_242 : vector<16xi32>
    %and3A_244 = arith.constant 15 : i32
    %and3A_245 = vector.broadcast %and3A_244 : i32 to vector<16xi32>
    %and3A_246 = arith.andi %add3A_243, %and3A_245 : vector<16xi32>
    %add3A_247 = arith.addi %mul3A_240, %and3A_246 : vector<16xi32>
    %mul3A_248 = arith.constant 128 : i32
    %mul3A_249 = vector.broadcast %mul3A_248 : i32 to vector<16xi32>
    %mul3A_250 = arith.muli %iota3A, %mul3A_249 : vector<16xi32>
    %add3A_251 = arith.constant 15 : i32
    %add3A_252 = vector.broadcast %add3A_251 : i32 to vector<16xi32>
    %add3A_253 = arith.addi %iota3A, %add3A_252 : vector<16xi32>
    %and3A_254 = arith.constant 15 : i32
    %and3A_255 = vector.broadcast %and3A_254 : i32 to vector<16xi32>
    %and3A_256 = arith.andi %add3A_253, %and3A_255 : vector<16xi32>
    %add3A_257 = arith.addi %mul3A_250, %and3A_256 : vector<16xi32>
    %add3A_258 = arith.constant 0 : i32
    %add3A_259 = arith.addi %mul3A_2, %add3A_258 : i32
    %mul3A_260 = arith.constant 128 : i32
    %mul3A_261 = arith.muli %add3A_259, %mul3A_260 : i32
    %dma_start3A = tpu.memref_slice %arg2[%mul3A_261] : memref<134217728xf32, #tpu.memory_space<hbm>> -> memref<32768xf32, #tpu.memory_space<hbm>>
    %dma_start3A_262 = tpu.memref_slice %arg2[%mul3A_261] : memref<134217728xf32, #tpu.memory_space<hbm>> -> memref<32768xf32, #tpu.memory_space<hbm>>
    tpu.enqueue_dma source(%dma_start3A_262 : memref<32768xf32, #tpu.memory_space<hbm>>) target(%arg5 : memref<32768xf32, #tpu.memory_space<vmem>>) target_semaphore(%arg10 : memref<!tpu.dma_semaphore, #tpu.memory_space<semaphore_mem>>)
    %dma_start3A_263 = tpu.memref_slice %arg3[%add3A_259] : memref<1048576xi32, #tpu.memory_space<hbm>> -> memref<256xi32, #tpu.memory_space<hbm>>
    %dma_start3A_264 = tpu.memref_slice %arg3[%add3A_259] : memref<1048576xi32, #tpu.memory_space<hbm>> -> memref<256xi32, #tpu.memory_space<hbm>>
    tpu.enqueue_dma source(%dma_start3A_264 : memref<256xi32, #tpu.memory_space<hbm>>) target(%arg7 : memref<256xi32, #tpu.memory_space<vmem>>) target_semaphore(%arg12 : memref<!tpu.dma_semaphore, #tpu.memory_space<semaphore_mem>>)
    %add3A_265 = arith.constant 256 : i32
    %add3A_266 = arith.addi %mul3A_2, %add3A_265 : i32
    %mul3A_267 = arith.constant 128 : i32
    %mul3A_268 = arith.muli %add3A_266, %mul3A_267 : i32
    %dma_start3A_269 = tpu.memref_slice %arg2[%mul3A_268] : memref<134217728xf32, #tpu.memory_space<hbm>> -> memref<32768xf32, #tpu.memory_space<hbm>>
    %dma_start3A_270 = tpu.memref_slice %arg2[%mul3A_268] : memref<134217728xf32, #tpu.memory_space<hbm>> -> memref<32768xf32, #tpu.memory_space<hbm>>
    tpu.enqueue_dma source(%dma_start3A_270 : memref<32768xf32, #tpu.memory_space<hbm>>) target(%arg6 : memref<32768xf32, #tpu.memory_space<vmem>>) target_semaphore(%arg11 : memref<!tpu.dma_semaphore, #tpu.memory_space<semaphore_mem>>)
    %dma_start3A_271 = tpu.memref_slice %arg3[%add3A_266] : memref<1048576xi32, #tpu.memory_space<hbm>> -> memref<256xi32, #tpu.memory_space<hbm>>
    %dma_start3A_272 = tpu.memref_slice %arg3[%add3A_266] : memref<1048576xi32, #tpu.memory_space<hbm>> -> memref<256xi32, #tpu.memory_space<hbm>>
    tpu.enqueue_dma source(%dma_start3A_272 : memref<256xi32, #tpu.memory_space<hbm>>) target(%arg8 : memref<256xi32, #tpu.memory_space<vmem>>) target_semaphore(%arg13 : memref<!tpu.dma_semaphore, #tpu.memory_space<semaphore_mem>>)
    %scan3A = arith.constant 0 : i32
    %scan3A_273 = arith.constant 0 : i32
    %scan3A_274 = arith.constant 39 : i32
    %scan3A_275 = arith.addi %scan3A_273, %scan3A_274 : i32
    %scan3A_276 = arith.constant 1 : i32
    %scan3A_277 = scf.for %scan3A_279 = %scan3A_273 to %scan3A_275 step %scan3A_276 iter_args(%scan3A_280 = %scan3A) -> (i32)  : i32 {
      %mul3A_281 = arith.constant 2 : i32
      %mul3A_282 = arith.muli %scan3A_279, %mul3A_281 : i32
      %add3A_283 = arith.constant 0 : i32
      %add3A_284 = arith.addi %mul3A_282, %add3A_283 : i32
      %mul3A_285 = arith.constant 256 : i32
      %mul3A_286 = arith.muli %add3A_284, %mul3A_285 : i32
      %add3A_287 = arith.addi %mul3A_2, %mul3A_286 : i32
      %mul3A_288 = arith.constant 128 : i32
      %mul3A_289 = arith.muli %add3A_287, %mul3A_288 : i32
      %dma_wait3A = tpu.memref_slice %arg2[%mul3A_289] : memref<134217728xf32, #tpu.memory_space<hbm>> -> memref<32768xf32, #tpu.memory_space<hbm>>
      %dma_wait3A_290 = tpu.memref_slice %arg2[%mul3A_289] : memref<134217728xf32, #tpu.memory_space<hbm>> -> memref<32768xf32, #tpu.memory_space<hbm>>
      tpu.wait_dma2 semaphore(%arg10 : memref<!tpu.dma_semaphore, #tpu.memory_space<semaphore_mem>>) src(%dma_wait3A_290 : memref<32768xf32, #tpu.memory_space<hbm>>) dst(%arg5 : memref<32768xf32, #tpu.memory_space<vmem>>)
      %dma_wait3A_291 = tpu.memref_slice %arg3[%add3A_287] : memref<1048576xi32, #tpu.memory_space<hbm>> -> memref<256xi32, #tpu.memory_space<hbm>>
      %dma_wait3A_292 = tpu.memref_slice %arg3[%add3A_287] : memref<1048576xi32, #tpu.memory_space<hbm>> -> memref<256xi32, #tpu.memory_space<hbm>>
      tpu.wait_dma2 semaphore(%arg12 : memref<!tpu.dma_semaphore, #tpu.memory_space<semaphore_mem>>) src(%dma_wait3A_292 : memref<256xi32, #tpu.memory_space<hbm>>) dst(%arg7 : memref<256xi32, #tpu.memory_space<vmem>>)
      %scan3A_293 = arith.constant 0 : i32
      %scan3A_294 = arith.constant 0 : i32
      %scan3A_295 = arith.constant 16 : i32
      %scan3A_296 = arith.addi %scan3A_294, %scan3A_295 : i32
      %scan3A_297 = arith.constant 1 : i32
      %scan3A_298 = scf.for %scan3A_330 = %scan3A_294 to %scan3A_296 step %scan3A_297 iter_args(%scan3A_331 = %scan3A_293) -> (i32)  : i32 {
        %mul3A_332 = arith.constant 2048 : i32
        %mul3A_333 = arith.muli %scan3A_330, %mul3A_332 : i32
        %add3A_334 = arith.constant 0 : i32
        %add3A_335 = arith.addi %mul3A_333, %add3A_334 : i32
        %broadcast_in_dim3A_336 = arith.constant -1.000000e+00 : f32
        %broadcast_in_dim3A_337 = vector.broadcast %broadcast_in_dim3A_336 : f32 to vector<16xf32>
        %gather3A = tpu.memref_slice %arg5[%add3A_335] : memref<32768xf32, #tpu.memory_space<vmem>> -> memref<1936xf32, #tpu.memory_space<vmem>>
        %gather3A_338 = tpu.vector_load_idx %gather3A[%add3A_107] : memref<1936xf32, #tpu.memory_space<vmem>>[vector<16xi32>], vector<16xf32>,
        %max3A = arith.maximumf %broadcast_in_dim3A_337, %gather3A_338 : vector<16xf32>
        %gather3A_339 = tpu.memref_slice %arg5[%add3A_335] : memref<32768xf32, #tpu.memory_space<vmem>> -> memref<1936xf32, #tpu.memory_space<vmem>>
        %gather3A_340 = tpu.vector_load_idx %gather3A_339[%add3A_117] : memref<1936xf32, #tpu.memory_space<vmem>>[vector<16xi32>], vector<16xf32>,
        %max3A_341 = arith.maximumf %max3A, %gather3A_340 : vector<16xf32>
        %gather3A_342 = tpu.memref_slice %arg5[%add3A_335] : memref<32768xf32, #tpu.memory_space<vmem>> -> memref<1936xf32, #tpu.memory_space<vmem>>
        %gather3A_343 = tpu.vector_load_idx %gather3A_342[%add3A_127] : memref<1936xf32, #tpu.memory_space<vmem>>[vector<16xi32>], vector<16xf32>,
        %max3A_344 = arith.maximumf %max3A_341, %gather3A_343 : vector<16xf32>
        %gather3A_345 = tpu.memref_slice %arg5[%add3A_335] : memref<32768xf32, #tpu.memory_space<vmem>> -> memref<1936xf32, #tpu.memory_space<vmem>>
        %gather3A_346 = tpu.vector_load_idx %gather3A_345[%add3A_137] : memref<1936xf32, #tpu.memory_space<vmem>>[vector<16xi32>], vector<16xf32>,
        %max3A_347 = arith.maximumf %max3A_344, %gather3A_346 : vector<16xf32>
        %gather3A_348 = tpu.memref_slice %arg5[%add3A_335] : memref<32768xf32, #tpu.memory_space<vmem>> -> memref<1936xf32, #tpu.memory_space<vmem>>
        %gather3A_349 = tpu.vector_load_idx %gather3A_348[%add3A_147] : memref<1936xf32, #tpu.memory_space<vmem>>[vector<16xi32>], vector<16xf32>,
        %max3A_350 = arith.maximumf %max3A_347, %gather3A_349 : vector<16xf32>
        %gather3A_351 = tpu.memref_slice %arg5[%add3A_335] : memref<32768xf32, #tpu.memory_space<vmem>> -> memref<1936xf32, #tpu.memory_space<vmem>>
        %gather3A_352 = tpu.vector_load_idx %gather3A_351[%add3A_157] : memref<1936xf32, #tpu.memory_space<vmem>>[vector<16xi32>], vector<16xf32>,
        %max3A_353 = arith.maximumf %max3A_350, %gather3A_352 : vector<16xf32>
        %gather3A_354 = tpu.memref_slice %arg5[%add3A_335] : memref<32768xf32, #tpu.memory_space<vmem>> -> memref<1936xf32, #tpu.memory_space<vmem>>
        %gather3A_355 = tpu.vector_load_idx %gather3A_354[%add3A_167] : memref<1936xf32, #tpu.memory_space<vmem>>[vector<16xi32>], vector<16xf32>,
        %max3A_356 = arith.maximumf %max3A_353, %gather3A_355 : vector<16xf32>
        %gather3A_357 = tpu.memref_slice %arg5[%add3A_335] : memref<32768xf32, #tpu.memory_space<vmem>> -> memref<1936xf32, #tpu.memory_space<vmem>>
        %gather3A_358 = tpu.vector_load_idx %gather3A_357[%add3A_177] : memref<1936xf32, #tpu.memory_space<vmem>>[vector<16xi32>], vector<16xf32>,
        %max3A_359 = arith.maximumf %max3A_356, %gather3A_358 : vector<16xf32>
        %gather3A_360 = tpu.memref_slice %arg5[%add3A_335] : memref<32768xf32, #tpu.memory_space<vmem>> -> memref<1936xf32, #tpu.memory_space<vmem>>
        %gather3A_361 = tpu.vector_load_idx %gather3A_360[%add3A_187] : memref<1936xf32, #tpu.memory_space<vmem>>[vector<16xi32>], vector<16xf32>,
        %max3A_362 = arith.maximumf %max3A_359, %gather3A_361 : vector<16xf32>
        %gather3A_363 = tpu.memref_slice %arg5[%add3A_335] : memref<32768xf32, #tpu.memory_space<vmem>> -> memref<1936xf32, #tpu.memory_space<vmem>>
        %gather3A_364 = tpu.vector_load_idx %gather3A_363[%add3A_197] : memref<1936xf32, #tpu.memory_space<vmem>>[vector<16xi32>], vector<16xf32>,
        %max3A_365 = arith.maximumf %max3A_362, %gather3A_364 : vector<16xf32>
        %gather3A_366 = tpu.memref_slice %arg5[%add3A_335] : memref<32768xf32, #tpu.memory_space<vmem>> -> memref<1936xf32, #tpu.memory_space<vmem>>
        %gather3A_367 = tpu.vector_load_idx %gather3A_366[%add3A_207] : memref<1936xf32, #tpu.memory_space<vmem>>[vector<16xi32>], vector<16xf32>,
        %max3A_368 = arith.maximumf %max3A_365, %gather3A_367 : vector<16xf32>
        %gather3A_369 = tpu.memref_slice %arg5[%add3A_335] : memref<32768xf32, #tpu.memory_space<vmem>> -> memref<1936xf32, #tpu.memory_space<vmem>>
        %gather3A_370 = tpu.vector_load_idx %gather3A_369[%add3A_217] : memref<1936xf32, #tpu.memory_space<vmem>>[vector<16xi32>], vector<16xf32>,
        %max3A_371 = arith.maximumf %max3A_368, %gather3A_370 : vector<16xf32>
        %gather3A_372 = tpu.memref_slice %arg5[%add3A_335] : memref<32768xf32, #tpu.memory_space<vmem>> -> memref<1936xf32, #tpu.memory_space<vmem>>
        %gather3A_373 = tpu.vector_load_idx %gather3A_372[%add3A_227] : memref<1936xf32, #tpu.memory_space<vmem>>[vector<16xi32>], vector<16xf32>,
        %max3A_374 = arith.maximumf %max3A_371, %gather3A_373 : vector<16xf32>
        %gather3A_375 = tpu.memref_slice %arg5[%add3A_335] : memref<32768xf32, #tpu.memory_space<vmem>> -> memref<1936xf32, #tpu.memory_space<vmem>>
        %gather3A_376 = tpu.vector_load_idx %gather3A_375[%add3A_237] : memref<1936xf32, #tpu.memory_space<vmem>>[vector<16xi32>], vector<16xf32>,
        %max3A_377 = arith.maximumf %max3A_374, %gather3A_376 : vector<16xf32>
        %gather3A_378 = tpu.memref_slice %arg5[%add3A_335] : memref<32768xf32, #tpu.memory_space<vmem>> -> memref<1936xf32, #tpu.memory_space<vmem>>
        %gather3A_379 = tpu.vector_load_idx %gather3A_378[%add3A_247] : memref<1936xf32, #tpu.memory_space<vmem>>[vector<16xi32>], vector<16xf32>,
        %max3A_380 = arith.maximumf %max3A_377, %gather3A_379 : vector<16xf32>
        %gather3A_381 = tpu.memref_slice %arg5[%add3A_335] : memref<32768xf32, #tpu.memory_space<vmem>> -> memref<1936xf32, #tpu.memory_space<vmem>>
        %gather3A_382 = tpu.vector_load_idx %gather3A_381[%add3A_257] : memref<1936xf32, #tpu.memory_space<vmem>>[vector<16xi32>], vector<16xf32>,
        %max3A_383 = arith.maximumf %max3A_380, %gather3A_382 : vector<16xf32>
        %add3A_384 = arith.constant 16 : i32
        %add3A_385 = arith.addi %mul3A_333, %add3A_384 : i32
        %broadcast_in_dim3A_386 = arith.constant -1.000000e+00 : f32
        %broadcast_in_dim3A_387 = vector.broadcast %broadcast_in_dim3A_386 : f32 to vector<16xf32>
        %gather3A_388 = tpu.memref_slice %arg5[%add3A_385] : memref<32768xf32, #tpu.memory_space<vmem>> -> memref<1936xf32, #tpu.memory_space<vmem>>
        %gather3A_389 = tpu.vector_load_idx %gather3A_388[%add3A_107] : memref<1936xf32, #tpu.memory_space<vmem>>[vector<16xi32>], vector<16xf32>,
        %max3A_390 = arith.maximumf %broadcast_in_dim3A_387, %gather3A_389 : vector<16xf32>
        %gather3A_391 = tpu.memref_slice %arg5[%add3A_385] : memref<32768xf32, #tpu.memory_space<vmem>> -> memref<1936xf32, #tpu.memory_space<vmem>>
        %gather3A_392 = tpu.vector_load_idx %gather3A_391[%add3A_117] : memref<1936xf32, #tpu.memory_space<vmem>>[vector<16xi32>], vector<16xf32>,
        %max3A_393 = arith.maximumf %max3A_390, %gather3A_392 : vector<16xf32>
        %gather3A_394 = tpu.memref_slice %arg5[%add3A_385] : memref<32768xf32, #tpu.memory_space<vmem>> -> memref<1936xf32, #tpu.memory_space<vmem>>
        %gather3A_395 = tpu.vector_load_idx %gather3A_394[%add3A_127] : memref<1936xf32, #tpu.memory_space<vmem>>[vector<16xi32>], vector<16xf32>,
        %max3A_396 = arith.maximumf %max3A_393, %gather3A_395 : vector<16xf32>
        %gather3A_397 = tpu.memref_slice %arg5[%add3A_385] : memref<32768xf32, #tpu.memory_space<vmem>> -> memref<1936xf32, #tpu.memory_space<vmem>>
        %gather3A_398 = tpu.vector_load_idx %gather3A_397[%add3A_137] : memref<1936xf32, #tpu.memory_space<vmem>>[vector<16xi32>], vector<16xf32>,
        %max3A_399 = arith.maximumf %max3A_396, %gather3A_398 : vector<16xf32>
        %gather3A_400 = tpu.memref_slice %arg5[%add3A_385] : memref<32768xf32, #tpu.memory_space<vmem>> -> memref<1936xf32, #tpu.memory_space<vmem>>
        %gather3A_401 = tpu.vector_load_idx %gather3A_400[%add3A_147] : memref<1936xf32, #tpu.memory_space<vmem>>[vector<16xi32>], vector<16xf32>,
        %max3A_402 = arith.maximumf %max3A_399, %gather3A_401 : vector<16xf32>
        %gather3A_403 = tpu.memref_slice %arg5[%add3A_385] : memref<32768xf32, #tpu.memory_space<vmem>> -> memref<1936xf32, #tpu.memory_space<vmem>>
        %gather3A_404 = tpu.vector_load_idx %gather3A_403[%add3A_157] : memref<1936xf32, #tpu.memory_space<vmem>>[vector<16xi32>], vector<16xf32>,
        %max3A_405 = arith.maximumf %max3A_402, %gather3A_404 : vector<16xf32>
        %gather3A_406 = tpu.memref_slice %arg5[%add3A_385] : memref<32768xf32, #tpu.memory_space<vmem>> -> memref<1936xf32, #tpu.memory_space<vmem>>
        %gather3A_407 = tpu.vector_load_idx %gather3A_406[%add3A_167] : memref<1936xf32, #tpu.memory_space<vmem>>[vector<16xi32>], vector<16xf32>,
        %max3A_408 = arith.maximumf %max3A_405, %gather3A_407 : vector<16xf32>
        %gather3A_409 = tpu.memref_slice %arg5[%add3A_385] : memref<32768xf32, #tpu.memory_space<vmem>> -> memref<1936xf32, #tpu.memory_space<vmem>>
        %gather3A_410 = tpu.vector_load_idx %gather3A_409[%add3A_177] : memref<1936xf32, #tpu.memory_space<vmem>>[vector<16xi32>], vector<16xf32>,
        %max3A_411 = arith.maximumf %max3A_408, %gather3A_410 : vector<16xf32>
        %gather3A_412 = tpu.memref_slice %arg5[%add3A_385] : memref<32768xf32, #tpu.memory_space<vmem>> -> memref<1936xf32, #tpu.memory_space<vmem>>
        %gather3A_413 = tpu.vector_load_idx %gather3A_412[%add3A_187] : memref<1936xf32, #tpu.memory_space<vmem>>[vector<16xi32>], vector<16xf32>,
        %max3A_414 = arith.maximumf %max3A_411, %gather3A_413 : vector<16xf32>
        %gather3A_415 = tpu.memref_slice %arg5[%add3A_385] : memref<32768xf32, #tpu.memory_space<vmem>> -> memref<1936xf32, #tpu.memory_space<vmem>>
        %gather3A_416 = tpu.vector_load_idx %gather3A_415[%add3A_197] : memref<1936xf32, #tpu.memory_space<vmem>>[vector<16xi32>], vector<16xf32>,
        %max3A_417 = arith.maximumf %max3A_414, %gather3A_416 : vector<16xf32>
        %gather3A_418 = tpu.memref_slice %arg5[%add3A_385] : memref<32768xf32, #tpu.memory_space<vmem>> -> memref<1936xf32, #tpu.memory_space<vmem>>
        %gather3A_419 = tpu.vector_load_idx %gather3A_418[%add3A_207] : memref<1936xf32, #tpu.memory_space<vmem>>[vector<16xi32>], vector<16xf32>,
        %max3A_420 = arith.maximumf %max3A_417, %gather3A_419 : vector<16xf32>
        %gather3A_421 = tpu.memref_slice %arg5[%add3A_385] : memref<32768xf32, #tpu.memory_space<vmem>> -> memref<1936xf32, #tpu.memory_space<vmem>>
        %gather3A_422 = tpu.vector_load_idx %gather3A_421[%add3A_217] : memref<1936xf32, #tpu.memory_space<vmem>>[vector<16xi32>], vector<16xf32>,
        %max3A_423 = arith.maximumf %max3A_420, %gather3A_422 : vector<16xf32>
        %gather3A_424 = tpu.memref_slice %arg5[%add3A_385] : memref<32768xf32, #tpu.memory_space<vmem>> -> memref<1936xf32, #tpu.memory_space<vmem>>
        %gather3A_425 = tpu.vector_load_idx %gather3A_424[%add3A_227] : memref<1936xf32, #tpu.memory_space<vmem>>[vector<16xi32>], vector<16xf32>,
        %max3A_426 = arith.maximumf %max3A_423, %gather3A_425 : vector<16xf32>
        %gather3A_427 = tpu.memref_slice %arg5[%add3A_385] : memref<32768xf32, #tpu.memory_space<vmem>> -> memref<1936xf32, #tpu.memory_space<vmem>>
        %gather3A_428 = tpu.vector_load_idx %gather3A_427[%add3A_237] : memref<1936xf32, #tpu.memory_space<vmem>>[vector<16xi32>], vector<16xf32>,
        %max3A_429 = arith.maximumf %max3A_426, %gather3A_428 : vector<16xf32>
        %gather3A_430 = tpu.memref_slice %arg5[%add3A_385] : memref<32768xf32, #tpu.memory_space<vmem>> -> memref<1936xf32, #tpu.memory_space<vmem>>
        %gather3A_431 = tpu.vector_load_idx %gather3A_430[%add3A_247] : memref<1936xf32, #tpu.memory_space<vmem>>[vector<16xi32>], vector<16xf32>,
        %max3A_432 = arith.maximumf %max3A_429, %gather3A_431 : vector<16xf32>
        %gather3A_433 = tpu.memref_slice %arg5[%add3A_385] : memref<32768xf32, #tpu.memory_space<vmem>> -> memref<1936xf32, #tpu.memory_space<vmem>>
        %gather3A_434 = tpu.vector_load_idx %gather3A_433[%add3A_257] : memref<1936xf32, #tpu.memory_space<vmem>>[vector<16xi32>], vector<16xf32>,
        %max3A_435 = arith.maximumf %max3A_432, %gather3A_434 : vector<16xf32>
        %add3A_436 = arith.constant 32 : i32
        %add3A_437 = arith.addi %mul3A_333, %add3A_436 : i32
        %broadcast_in_dim3A_438 = arith.constant -1.000000e+00 : f32
        %broadcast_in_dim3A_439 = vector.broadcast %broadcast_in_dim3A_438 : f32 to vector<16xf32>
        %gather3A_440 = tpu.memref_slice %arg5[%add3A_437] : memref<32768xf32, #tpu.memory_space<vmem>> -> memref<1936xf32, #tpu.memory_space<vmem>>
        %gather3A_441 = tpu.vector_load_idx %gather3A_440[%add3A_107] : memref<1936xf32, #tpu.memory_space<vmem>>[vector<16xi32>], vector<16xf32>,
        %max3A_442 = arith.maximumf %broadcast_in_dim3A_439, %gather3A_441 : vector<16xf32>
        %gather3A_443 = tpu.memref_slice %arg5[%add3A_437] : memref<32768xf32, #tpu.memory_space<vmem>> -> memref<1936xf32, #tpu.memory_space<vmem>>
        %gather3A_444 = tpu.vector_load_idx %gather3A_443[%add3A_117] : memref<1936xf32, #tpu.memory_space<vmem>>[vector<16xi32>], vector<16xf32>,
        %max3A_445 = arith.maximumf %max3A_442, %gather3A_444 : vector<16xf32>
        %gather3A_446 = tpu.memref_slice %arg5[%add3A_437] : memref<32768xf32, #tpu.memory_space<vmem>> -> memref<1936xf32, #tpu.memory_space<vmem>>
        %gather3A_447 = tpu.vector_load_idx %gather3A_446[%add3A_127] : memref<1936xf32, #tpu.memory_space<vmem>>[vector<16xi32>], vector<16xf32>,
        %max3A_448 = arith.maximumf %max3A_445, %gather3A_447 : vector<16xf32>
        %gather3A_449 = tpu.memref_slice %arg5[%add3A_437] : memref<32768xf32, #tpu.memory_space<vmem>> -> memref<1936xf32, #tpu.memory_space<vmem>>
        %gather3A_450 = tpu.vector_load_idx %gather3A_449[%add3A_137] : memref<1936xf32, #tpu.memory_space<vmem>>[vector<16xi32>], vector<16xf32>,
        %max3A_451 = arith.maximumf %max3A_448, %gather3A_450 : vector<16xf32>
        %gather3A_452 = tpu.memref_slice %arg5[%add3A_437] : memref<32768xf32, #tpu.memory_space<vmem>> -> memref<1936xf32, #tpu.memory_space<vmem>>
        %gather3A_453 = tpu.vector_load_idx %gather3A_452[%add3A_147] : memref<1936xf32, #tpu.memory_space<vmem>>[vector<16xi32>], vector<16xf32>,
        %max3A_454 = arith.maximumf %max3A_451, %gather3A_453 : vector<16xf32>
        %gather3A_455 = tpu.memref_slice %arg5[%add3A_437] : memref<32768xf32, #tpu.memory_space<vmem>> -> memref<1936xf32, #tpu.memory_space<vmem>>
        %gather3A_456 = tpu.vector_load_idx %gather3A_455[%add3A_157] : memref<1936xf32, #tpu.memory_space<vmem>>[vector<16xi32>], vector<16xf32>,
        %max3A_457 = arith.maximumf %max3A_454, %gather3A_456 : vector<16xf32>
        %gather3A_458 = tpu.memref_slice %arg5[%add3A_437] : memref<32768xf32, #tpu.memory_space<vmem>> -> memref<1936xf32, #tpu.memory_space<vmem>>
        %gather3A_459 = tpu.vector_load_idx %gather3A_458[%add3A_167] : memref<1936xf32, #tpu.memory_space<vmem>>[vector<16xi32>], vector<16xf32>,
        %max3A_460 = arith.maximumf %max3A_457, %gather3A_459 : vector<16xf32>
        %gather3A_461 = tpu.memref_slice %arg5[%add3A_437] : memref<32768xf32, #tpu.memory_space<vmem>> -> memref<1936xf32, #tpu.memory_space<vmem>>
        %gather3A_462 = tpu.vector_load_idx %gather3A_461[%add3A_177] : memref<1936xf32, #tpu.memory_space<vmem>>[vector<16xi32>], vector<16xf32>,
        %max3A_463 = arith.maximumf %max3A_460, %gather3A_462 : vector<16xf32>
        %gather3A_464 = tpu.memref_slice %arg5[%add3A_437] : memref<32768xf32, #tpu.memory_space<vmem>> -> memref<1936xf32, #tpu.memory_space<vmem>>
        %gather3A_465 = tpu.vector_load_idx %gather3A_464[%add3A_187] : memref<1936xf32, #tpu.memory_space<vmem>>[vector<16xi32>], vector<16xf32>,
        %max3A_466 = arith.maximumf %max3A_463, %gather3A_465 : vector<16xf32>
        %gather3A_467 = tpu.memref_slice %arg5[%add3A_437] : memref<32768xf32, #tpu.memory_space<vmem>> -> memref<1936xf32, #tpu.memory_space<vmem>>
        %gather3A_468 = tpu.vector_load_idx %gather3A_467[%add3A_197] : memref<1936xf32, #tpu.memory_space<vmem>>[vector<16xi32>], vector<16xf32>,
        %max3A_469 = arith.maximumf %max3A_466, %gather3A_468 : vector<16xf32>
        %gather3A_470 = tpu.memref_slice %arg5[%add3A_437] : memref<32768xf32, #tpu.memory_space<vmem>> -> memref<1936xf32, #tpu.memory_space<vmem>>
        %gather3A_471 = tpu.vector_load_idx %gather3A_470[%add3A_207] : memref<1936xf32, #tpu.memory_space<vmem>>[vector<16xi32>], vector<16xf32>,
        %max3A_472 = arith.maximumf %max3A_469, %gather3A_471 : vector<16xf32>
        %gather3A_473 = tpu.memref_slice %arg5[%add3A_437] : memref<32768xf32, #tpu.memory_space<vmem>> -> memref<1936xf32, #tpu.memory_space<vmem>>
        %gather3A_474 = tpu.vector_load_idx %gather3A_473[%add3A_217] : memref<1936xf32, #tpu.memory_space<vmem>>[vector<16xi32>], vector<16xf32>,
        %max3A_475 = arith.maximumf %max3A_472, %gather3A_474 : vector<16xf32>
        %gather3A_476 = tpu.memref_slice %arg5[%add3A_437] : memref<32768xf32, #tpu.memory_space<vmem>> -> memref<1936xf32, #tpu.memory_space<vmem>>
        %gather3A_477 = tpu.vector_load_idx %gather3A_476[%add3A_227] : memref<1936xf32, #tpu.memory_space<vmem>>[vector<16xi32>], vector<16xf32>,
        %max3A_478 = arith.maximumf %max3A_475, %gather3A_477 : vector<16xf32>
        %gather3A_479 = tpu.memref_slice %arg5[%add3A_437] : memref<32768xf32, #tpu.memory_space<vmem>> -> memref<1936xf32, #tpu.memory_space<vmem>>
        %gather3A_480 = tpu.vector_load_idx %gather3A_479[%add3A_237] : memref<1936xf32, #tpu.memory_space<vmem>>[vector<16xi32>], vector<16xf32>,
        %max3A_481 = arith.maximumf %max3A_478, %gather3A_480 : vector<16xf32>
        %gather3A_482 = tpu.memref_slice %arg5[%add3A_437] : memref<32768xf32, #tpu.memory_space<vmem>> -> memref<1936xf32, #tpu.memory_space<vmem>>
        %gather3A_483 = tpu.vector_load_idx %gather3A_482[%add3A_247] : memref<1936xf32, #tpu.memory_space<vmem>>[vector<16xi32>], vector<16xf32>,
        %max3A_484 = arith.maximumf %max3A_481, %gather3A_483 : vector<16xf32>
        %gather3A_485 = tpu.memref_slice %arg5[%add3A_437] : memref<32768xf32, #tpu.memory_space<vmem>> -> memref<1936xf32, #tpu.memory_space<vmem>>
        %gather3A_486 = tpu.vector_load_idx %gather3A_485[%add3A_257] : memref<1936xf32, #tpu.memory_space<vmem>>[vector<16xi32>], vector<16xf32>,
        %max3A_487 = arith.maximumf %max3A_484, %gather3A_486 : vector<16xf32>
        %add3A_488 = arith.constant 48 : i32
        %add3A_489 = arith.addi %mul3A_333, %add3A_488 : i32
        %broadcast_in_dim3A_490 = arith.constant -1.000000e+00 : f32
        %broadcast_in_dim3A_491 = vector.broadcast %broadcast_in_dim3A_490 : f32 to vector<16xf32>
        %gather3A_492 = tpu.memref_slice %arg5[%add3A_489] : memref<32768xf32, #tpu.memory_space<vmem>> -> memref<1936xf32, #tpu.memory_space<vmem>>
        %gather3A_493 = tpu.vector_load_idx %gather3A_492[%add3A_107] : memref<1936xf32, #tpu.memory_space<vmem>>[vector<16xi32>], vector<16xf32>,
        %max3A_494 = arith.maximumf %broadcast_in_dim3A_491, %gather3A_493 : vector<16xf32>
        %gather3A_495 = tpu.memref_slice %arg5[%add3A_489] : memref<32768xf32, #tpu.memory_space<vmem>> -> memref<1936xf32, #tpu.memory_space<vmem>>
        %gather3A_496 = tpu.vector_load_idx %gather3A_495[%add3A_117] : memref<1936xf32, #tpu.memory_space<vmem>>[vector<16xi32>], vector<16xf32>,
        %max3A_497 = arith.maximumf %max3A_494, %gather3A_496 : vector<16xf32>
        %gather3A_498 = tpu.memref_slice %arg5[%add3A_489] : memref<32768xf32, #tpu.memory_space<vmem>> -> memref<1936xf32, #tpu.memory_space<vmem>>
        %gather3A_499 = tpu.vector_load_idx %gather3A_498[%add3A_127] : memref<1936xf32, #tpu.memory_space<vmem>>[vector<16xi32>], vector<16xf32>,
        %max3A_500 = arith.maximumf %max3A_497, %gather3A_499 : vector<16xf32>
        %gather3A_501 = tpu.memref_slice %arg5[%add3A_489] : memref<32768xf32, #tpu.memory_space<vmem>> -> memref<1936xf32, #tpu.memory_space<vmem>>
        %gather3A_502 = tpu.vector_load_idx %gather3A_501[%add3A_137] : memref<1936xf32, #tpu.memory_space<vmem>>[vector<16xi32>], vector<16xf32>,
        %max3A_503 = arith.maximumf %max3A_500, %gather3A_502 : vector<16xf32>
        %gather3A_504 = tpu.memref_slice %arg5[%add3A_489] : memref<32768xf32, #tpu.memory_space<vmem>> -> memref<1936xf32, #tpu.memory_space<vmem>>
        %gather3A_505 = tpu.vector_load_idx %gather3A_504[%add3A_147] : memref<1936xf32, #tpu.memory_space<vmem>>[vector<16xi32>], vector<16xf32>,
        %max3A_506 = arith.maximumf %max3A_503, %gather3A_505 : vector<16xf32>
        %gather3A_507 = tpu.memref_slice %arg5[%add3A_489] : memref<32768xf32, #tpu.memory_space<vmem>> -> memref<1936xf32, #tpu.memory_space<vmem>>
        %gather3A_508 = tpu.vector_load_idx %gather3A_507[%add3A_157] : memref<1936xf32, #tpu.memory_space<vmem>>[vector<16xi32>], vector<16xf32>,
        %max3A_509 = arith.maximumf %max3A_506, %gather3A_508 : vector<16xf32>
        %gather3A_510 = tpu.memref_slice %arg5[%add3A_489] : memref<32768xf32, #tpu.memory_space<vmem>> -> memref<1936xf32, #tpu.memory_space<vmem>>
        %gather3A_511 = tpu.vector_load_idx %gather3A_510[%add3A_167] : memref<1936xf32, #tpu.memory_space<vmem>>[vector<16xi32>], vector<16xf32>,
        %max3A_512 = arith.maximumf %max3A_509, %gather3A_511 : vector<16xf32>
        %gather3A_513 = tpu.memref_slice %arg5[%add3A_489] : memref<32768xf32, #tpu.memory_space<vmem>> -> memref<1936xf32, #tpu.memory_space<vmem>>
        %gather3A_514 = tpu.vector_load_idx %gather3A_513[%add3A_177] : memref<1936xf32, #tpu.memory_space<vmem>>[vector<16xi32>], vector<16xf32>,
        %max3A_515 = arith.maximumf %max3A_512, %gather3A_514 : vector<16xf32>
        %gather3A_516 = tpu.memref_slice %arg5[%add3A_489] : memref<32768xf32, #tpu.memory_space<vmem>> -> memref<1936xf32, #tpu.memory_space<vmem>>
        %gather3A_517 = tpu.vector_load_idx %gather3A_516[%add3A_187] : memref<1936xf32, #tpu.memory_space<vmem>>[vector<16xi32>], vector<16xf32>,
        %max3A_518 = arith.maximumf %max3A_515, %gather3A_517 : vector<16xf32>
        %gather3A_519 = tpu.memref_slice %arg5[%add3A_489] : memref<32768xf32, #tpu.memory_space<vmem>> -> memref<1936xf32, #tpu.memory_space<vmem>>
        %gather3A_520 = tpu.vector_load_idx %gather3A_519[%add3A_197] : memref<1936xf32, #tpu.memory_space<vmem>>[vector<16xi32>], vector<16xf32>,
        %max3A_521 = arith.maximumf %max3A_518, %gather3A_520 : vector<16xf32>
        %gather3A_522 = tpu.memref_slice %arg5[%add3A_489] : memref<32768xf32, #tpu.memory_space<vmem>> -> memref<1936xf32, #tpu.memory_space<vmem>>
        %gather3A_523 = tpu.vector_load_idx %gather3A_522[%add3A_207] : memref<1936xf32, #tpu.memory_space<vmem>>[vector<16xi32>], vector<16xf32>,
        %max3A_524 = arith.maximumf %max3A_521, %gather3A_523 : vector<16xf32>
        %gather3A_525 = tpu.memref_slice %arg5[%add3A_489] : memref<32768xf32, #tpu.memory_space<vmem>> -> memref<1936xf32, #tpu.memory_space<vmem>>
        %gather3A_526 = tpu.vector_load_idx %gather3A_525[%add3A_217] : memref<1936xf32, #tpu.memory_space<vmem>>[vector<16xi32>], vector<16xf32>,
        %max3A_527 = arith.maximumf %max3A_524, %gather3A_526 : vector<16xf32>
        %gather3A_528 = tpu.memref_slice %arg5[%add3A_489] : memref<32768xf32, #tpu.memory_space<vmem>> -> memref<1936xf32, #tpu.memory_space<vmem>>
        %gather3A_529 = tpu.vector_load_idx %gather3A_528[%add3A_227] : memref<1936xf32, #tpu.memory_space<vmem>>[vector<16xi32>], vector<16xf32>,
        %max3A_530 = arith.maximumf %max3A_527, %gather3A_529 : vector<16xf32>
        %gather3A_531 = tpu.memref_slice %arg5[%add3A_489] : memref<32768xf32, #tpu.memory_space<vmem>> -> memref<1936xf32, #tpu.memory_space<vmem>>
        %gather3A_532 = tpu.vector_load_idx %gather3A_531[%add3A_237] : memref<1936xf32, #tpu.memory_space<vmem>>[vector<16xi32>], vector<16xf32>,
        %max3A_533 = arith.maximumf %max3A_530, %gather3A_532 : vector<16xf32>
        %gather3A_534 = tpu.memref_slice %arg5[%add3A_489] : memref<32768xf32, #tpu.memory_space<vmem>> -> memref<1936xf32, #tpu.memory_space<vmem>>
        %gather3A_535 = tpu.vector_load_idx %gather3A_534[%add3A_247] : memref<1936xf32, #tpu.memory_space<vmem>>[vector<16xi32>], vector<16xf32>,
        %max3A_536 = arith.maximumf %max3A_533, %gather3A_535 : vector<16xf32>
        %gather3A_537 = tpu.memref_slice %arg5[%add3A_489] : memref<32768xf32, #tpu.memory_space<vmem>> -> memref<1936xf32, #tpu.memory_space<vmem>>
        %gather3A_538 = tpu.vector_load_idx %gather3A_537[%add3A_257] : memref<1936xf32, #tpu.memory_space<vmem>>[vector<16xi32>], vector<16xf32>,
        %max3A_539 = arith.maximumf %max3A_536, %gather3A_538 : vector<16xf32>
        %add3A_540 = arith.constant 64 : i32
        %add3A_541 = arith.addi %mul3A_333, %add3A_540 : i32
        %broadcast_in_dim3A_542 = arith.constant -1.000000e+00 : f32
        %broadcast_in_dim3A_543 = vector.broadcast %broadcast_in_dim3A_542 : f32 to vector<16xf32>
        %gather3A_544 = tpu.memref_slice %arg5[%add3A_541] : memref<32768xf32, #tpu.memory_space<vmem>> -> memref<1936xf32, #tpu.memory_space<vmem>>
        %gather3A_545 = tpu.vector_load_idx %gather3A_544[%add3A_107] : memref<1936xf32, #tpu.memory_space<vmem>>[vector<16xi32>], vector<16xf32>,
        %max3A_546 = arith.maximumf %broadcast_in_dim3A_543, %gather3A_545 : vector<16xf32>
        %gather3A_547 = tpu.memref_slice %arg5[%add3A_541] : memref<32768xf32, #tpu.memory_space<vmem>> -> memref<1936xf32, #tpu.memory_space<vmem>>
        %gather3A_548 = tpu.vector_load_idx %gather3A_547[%add3A_117] : memref<1936xf32, #tpu.memory_space<vmem>>[vector<16xi32>], vector<16xf32>,
        %max3A_549 = arith.maximumf %max3A_546, %gather3A_548 : vector<16xf32>
        %gather3A_550 = tpu.memref_slice %arg5[%add3A_541] : memref<32768xf32, #tpu.memory_space<vmem>> -> memref<1936xf32, #tpu.memory_space<vmem>>
        %gather3A_551 = tpu.vector_load_idx %gather3A_550[%add3A_127] : memref<1936xf32, #tpu.memory_space<vmem>>[vector<16xi32>], vector<16xf32>,
        %max3A_552 = arith.maximumf %max3A_549, %gather3A_551 : vector<16xf32>
        %gather3A_553 = tpu.memref_slice %arg5[%add3A_541] : memref<32768xf32, #tpu.memory_space<vmem>> -> memref<1936xf32, #tpu.memory_space<vmem>>
        %gather3A_554 = tpu.vector_load_idx %gather3A_553[%add3A_137] : memref<1936xf32, #tpu.memory_space<vmem>>[vector<16xi32>], vector<16xf32>,
        %max3A_555 = arith.maximumf %max3A_552, %gather3A_554 : vector<16xf32>
        %gather3A_556 = tpu.memref_slice %arg5[%add3A_541] : memref<32768xf32, #tpu.memory_space<vmem>> -> memref<1936xf32, #tpu.memory_space<vmem>>
        %gather3A_557 = tpu.vector_load_idx %gather3A_556[%add3A_147] : memref<1936xf32, #tpu.memory_space<vmem>>[vector<16xi32>], vector<16xf32>,
        %max3A_558 = arith.maximumf %max3A_555, %gather3A_557 : vector<16xf32>
        %gather3A_559 = tpu.memref_slice %arg5[%add3A_541] : memref<32768xf32, #tpu.memory_space<vmem>> -> memref<1936xf32, #tpu.memory_space<vmem>>
        %gather3A_560 = tpu.vector_load_idx %gather3A_559[%add3A_157] : memref<1936xf32, #tpu.memory_space<vmem>>[vector<16xi32>], vector<16xf32>,
        %max3A_561 = arith.maximumf %max3A_558, %gather3A_560 : vector<16xf32>
        %gather3A_562 = tpu.memref_slice %arg5[%add3A_541] : memref<32768xf32, #tpu.memory_space<vmem>> -> memref<1936xf32, #tpu.memory_space<vmem>>
        %gather3A_563 = tpu.vector_load_idx %gather3A_562[%add3A_167] : memref<1936xf32, #tpu.memory_space<vmem>>[vector<16xi32>], vector<16xf32>,
        %max3A_564 = arith.maximumf %max3A_561, %gather3A_563 : vector<16xf32>
        %gather3A_565 = tpu.memref_slice %arg5[%add3A_541] : memref<32768xf32, #tpu.memory_space<vmem>> -> memref<1936xf32, #tpu.memory_space<vmem>>
        %gather3A_566 = tpu.vector_load_idx %gather3A_565[%add3A_177] : memref<1936xf32, #tpu.memory_space<vmem>>[vector<16xi32>], vector<16xf32>,
        %max3A_567 = arith.maximumf %max3A_564, %gather3A_566 : vector<16xf32>
        %gather3A_568 = tpu.memref_slice %arg5[%add3A_541] : memref<32768xf32, #tpu.memory_space<vmem>> -> memref<1936xf32, #tpu.memory_space<vmem>>
        %gather3A_569 = tpu.vector_load_idx %gather3A_568[%add3A_187] : memref<1936xf32, #tpu.memory_space<vmem>>[vector<16xi32>], vector<16xf32>,
        %max3A_570 = arith.maximumf %max3A_567, %gather3A_569 : vector<16xf32>
        %gather3A_571 = tpu.memref_slice %arg5[%add3A_541] : memref<32768xf32, #tpu.memory_space<vmem>> -> memref<1936xf32, #tpu.memory_space<vmem>>
        %gather3A_572 = tpu.vector_load_idx %gather3A_571[%add3A_197] : memref<1936xf32, #tpu.memory_space<vmem>>[vector<16xi32>], vector<16xf32>,
        %max3A_573 = arith.maximumf %max3A_570, %gather3A_572 : vector<16xf32>
        %gather3A_574 = tpu.memref_slice %arg5[%add3A_541] : memref<32768xf32, #tpu.memory_space<vmem>> -> memref<1936xf32, #tpu.memory_space<vmem>>
        %gather3A_575 = tpu.vector_load_idx %gather3A_574[%add3A_207] : memref<1936xf32, #tpu.memory_space<vmem>>[vector<16xi32>], vector<16xf32>,
        %max3A_576 = arith.maximumf %max3A_573, %gather3A_575 : vector<16xf32>
        %gather3A_577 = tpu.memref_slice %arg5[%add3A_541] : memref<32768xf32, #tpu.memory_space<vmem>> -> memref<1936xf32, #tpu.memory_space<vmem>>
        %gather3A_578 = tpu.vector_load_idx %gather3A_577[%add3A_217] : memref<1936xf32, #tpu.memory_space<vmem>>[vector<16xi32>], vector<16xf32>,
        %max3A_579 = arith.maximumf %max3A_576, %gather3A_578 : vector<16xf32>
        %gather3A_580 = tpu.memref_slice %arg5[%add3A_541] : memref<32768xf32, #tpu.memory_space<vmem>> -> memref<1936xf32, #tpu.memory_space<vmem>>
        %gather3A_581 = tpu.vector_load_idx %gather3A_580[%add3A_227] : memref<1936xf32, #tpu.memory_space<vmem>>[vector<16xi32>], vector<16xf32>,
        %max3A_582 = arith.maximumf %max3A_579, %gather3A_581 : vector<16xf32>
        %gather3A_583 = tpu.memref_slice %arg5[%add3A_541] : memref<32768xf32, #tpu.memory_space<vmem>> -> memref<1936xf32, #tpu.memory_space<vmem>>
        %gather3A_584 = tpu.vector_load_idx %gather3A_583[%add3A_237] : memref<1936xf32, #tpu.memory_space<vmem>>[vector<16xi32>], vector<16xf32>,
        %max3A_585 = arith.maximumf %max3A_582, %gather3A_584 : vector<16xf32>
        %gather3A_586 = tpu.memref_slice %arg5[%add3A_541] : memref<32768xf32, #tpu.memory_space<vmem>> -> memref<1936xf32, #tpu.memory_space<vmem>>
        %gather3A_587 = tpu.vector_load_idx %gather3A_586[%add3A_247] : memref<1936xf32, #tpu.memory_space<vmem>>[vector<16xi32>], vector<16xf32>,
        %max3A_588 = arith.maximumf %max3A_585, %gather3A_587 : vector<16xf32>
        %gather3A_589 = tpu.memref_slice %arg5[%add3A_541] : memref<32768xf32, #tpu.memory_space<vmem>> -> memref<1936xf32, #tpu.memory_space<vmem>>
        %gather3A_590 = tpu.vector_load_idx %gather3A_589[%add3A_257] : memref<1936xf32, #tpu.memory_space<vmem>>[vector<16xi32>], vector<16xf32>,
        %max3A_591 = arith.maximumf %max3A_588, %gather3A_590 : vector<16xf32>
        %add3A_592 = arith.constant 80 : i32
        %add3A_593 = arith.addi %mul3A_333, %add3A_592 : i32
        %broadcast_in_dim3A_594 = arith.constant -1.000000e+00 : f32
        %broadcast_in_dim3A_595 = vector.broadcast %broadcast_in_dim3A_594 : f32 to vector<16xf32>
        %gather3A_596 = tpu.memref_slice %arg5[%add3A_593] : memref<32768xf32, #tpu.memory_space<vmem>> -> memref<1936xf32, #tpu.memory_space<vmem>>
        %gather3A_597 = tpu.vector_load_idx %gather3A_596[%add3A_107] : memref<1936xf32, #tpu.memory_space<vmem>>[vector<16xi32>], vector<16xf32>,
        %max3A_598 = arith.maximumf %broadcast_in_dim3A_595, %gather3A_597 : vector<16xf32>
        %gather3A_599 = tpu.memref_slice %arg5[%add3A_593] : memref<32768xf32, #tpu.memory_space<vmem>> -> memref<1936xf32, #tpu.memory_space<vmem>>
        %gather3A_600 = tpu.vector_load_idx %gather3A_599[%add3A_117] : memref<1936xf32, #tpu.memory_space<vmem>>[vector<16xi32>], vector<16xf32>,
        %max3A_601 = arith.maximumf %max3A_598, %gather3A_600 : vector<16xf32>
        %gather3A_602 = tpu.memref_slice %arg5[%add3A_593] : memref<32768xf32, #tpu.memory_space<vmem>> -> memref<1936xf32, #tpu.memory_space<vmem>>
        %gather3A_603 = tpu.vector_load_idx %gather3A_602[%add3A_127] : memref<1936xf32, #tpu.memory_space<vmem>>[vector<16xi32>], vector<16xf32>,
        %max3A_604 = arith.maximumf %max3A_601, %gather3A_603 : vector<16xf32>
        %gather3A_605 = tpu.memref_slice %arg5[%add3A_593] : memref<32768xf32, #tpu.memory_space<vmem>> -> memref<1936xf32, #tpu.memory_space<vmem>>
        %gather3A_606 = tpu.vector_load_idx %gather3A_605[%add3A_137] : memref<1936xf32, #tpu.memory_space<vmem>>[vector<16xi32>], vector<16xf32>,
        %max3A_607 = arith.maximumf %max3A_604, %gather3A_606 : vector<16xf32>
        %gather3A_608 = tpu.memref_slice %arg5[%add3A_593] : memref<32768xf32, #tpu.memory_space<vmem>> -> memref<1936xf32, #tpu.memory_space<vmem>>
        %gather3A_609 = tpu.vector_load_idx %gather3A_608[%add3A_147] : memref<1936xf32, #tpu.memory_space<vmem>>[vector<16xi32>], vector<16xf32>,
        %max3A_610 = arith.maximumf %max3A_607, %gather3A_609 : vector<16xf32>
        %gather3A_611 = tpu.memref_slice %arg5[%add3A_593] : memref<32768xf32, #tpu.memory_space<vmem>> -> memref<1936xf32, #tpu.memory_space<vmem>>
        %gather3A_612 = tpu.vector_load_idx %gather3A_611[%add3A_157] : memref<1936xf32, #tpu.memory_space<vmem>>[vector<16xi32>], vector<16xf32>,
        %max3A_613 = arith.maximumf %max3A_610, %gather3A_612 : vector<16xf32>
        %gather3A_614 = tpu.memref_slice %arg5[%add3A_593] : memref<32768xf32, #tpu.memory_space<vmem>> -> memref<1936xf32, #tpu.memory_space<vmem>>
        %gather3A_615 = tpu.vector_load_idx %gather3A_614[%add3A_167] : memref<1936xf32, #tpu.memory_space<vmem>>[vector<16xi32>], vector<16xf32>,
        %max3A_616 = arith.maximumf %max3A_613, %gather3A_615 : vector<16xf32>
        %gather3A_617 = tpu.memref_slice %arg5[%add3A_593] : memref<32768xf32, #tpu.memory_space<vmem>> -> memref<1936xf32, #tpu.memory_space<vmem>>
        %gather3A_618 = tpu.vector_load_idx %gather3A_617[%add3A_177] : memref<1936xf32, #tpu.memory_space<vmem>>[vector<16xi32>], vector<16xf32>,
        %max3A_619 = arith.maximumf %max3A_616, %gather3A_618 : vector<16xf32>
        %gather3A_620 = tpu.memref_slice %arg5[%add3A_593] : memref<32768xf32, #tpu.memory_space<vmem>> -> memref<1936xf32, #tpu.memory_space<vmem>>
        %gather3A_621 = tpu.vector_load_idx %gather3A_620[%add3A_187] : memref<1936xf32, #tpu.memory_space<vmem>>[vector<16xi32>], vector<16xf32>,
        %max3A_622 = arith.maximumf %max3A_619, %gather3A_621 : vector<16xf32>
        %gather3A_623 = tpu.memref_slice %arg5[%add3A_593] : memref<32768xf32, #tpu.memory_space<vmem>> -> memref<1936xf32, #tpu.memory_space<vmem>>
        %gather3A_624 = tpu.vector_load_idx %gather3A_623[%add3A_197] : memref<1936xf32, #tpu.memory_space<vmem>>[vector<16xi32>], vector<16xf32>,
        %max3A_625 = arith.maximumf %max3A_622, %gather3A_624 : vector<16xf32>
        %gather3A_626 = tpu.memref_slice %arg5[%add3A_593] : memref<32768xf32, #tpu.memory_space<vmem>> -> memref<1936xf32, #tpu.memory_space<vmem>>
        %gather3A_627 = tpu.vector_load_idx %gather3A_626[%add3A_207] : memref<1936xf32, #tpu.memory_space<vmem>>[vector<16xi32>], vector<16xf32>,
        %max3A_628 = arith.maximumf %max3A_625, %gather3A_627 : vector<16xf32>
        %gather3A_629 = tpu.memref_slice %arg5[%add3A_593] : memref<32768xf32, #tpu.memory_space<vmem>> -> memref<1936xf32, #tpu.memory_space<vmem>>
        %gather3A_630 = tpu.vector_load_idx %gather3A_629[%add3A_217] : memref<1936xf32, #tpu.memory_space<vmem>>[vector<16xi32>], vector<16xf32>,
        %max3A_631 = arith.maximumf %max3A_628, %gather3A_630 : vector<16xf32>
        %gather3A_632 = tpu.memref_slice %arg5[%add3A_593] : memref<32768xf32, #tpu.memory_space<vmem>> -> memref<1936xf32, #tpu.memory_space<vmem>>
        %gather3A_633 = tpu.vector_load_idx %gather3A_632[%add3A_227] : memref<1936xf32, #tpu.memory_space<vmem>>[vector<16xi32>], vector<16xf32>,
        %max3A_634 = arith.maximumf %max3A_631, %gather3A_633 : vector<16xf32>
        %gather3A_635 = tpu.memref_slice %arg5[%add3A_593] : memref<32768xf32, #tpu.memory_space<vmem>> -> memref<1936xf32, #tpu.memory_space<vmem>>
        %gather3A_636 = tpu.vector_load_idx %gather3A_635[%add3A_237] : memref<1936xf32, #tpu.memory_space<vmem>>[vector<16xi32>], vector<16xf32>,
        %max3A_637 = arith.maximumf %max3A_634, %gather3A_636 : vector<16xf32>
        %gather3A_638 = tpu.memref_slice %arg5[%add3A_593] : memref<32768xf32, #tpu.memory_space<vmem>> -> memref<1936xf32, #tpu.memory_space<vmem>>
        %gather3A_639 = tpu.vector_load_idx %gather3A_638[%add3A_247] : memref<1936xf32, #tpu.memory_space<vmem>>[vector<16xi32>], vector<16xf32>,
        %max3A_640 = arith.maximumf %max3A_637, %gather3A_639 : vector<16xf32>
        %gather3A_641 = tpu.memref_slice %arg5[%add3A_593] : memref<32768xf32, #tpu.memory_space<vmem>> -> memref<1936xf32, #tpu.memory_space<vmem>>
        %gather3A_642 = tpu.vector_load_idx %gather3A_641[%add3A_257] : memref<1936xf32, #tpu.memory_space<vmem>>[vector<16xi32>], vector<16xf32>,
        %max3A_643 = arith.maximumf %max3A_640, %gather3A_642 : vector<16xf32>
        %add3A_644 = arith.constant 96 : i32
        %add3A_645 = arith.addi %mul3A_333, %add3A_644 : i32
        %broadcast_in_dim3A_646 = arith.constant -1.000000e+00 : f32
        %broadcast_in_dim3A_647 = vector.broadcast %broadcast_in_dim3A_646 : f32 to vector<16xf32>
        %gather3A_648 = tpu.memref_slice %arg5[%add3A_645] : memref<32768xf32, #tpu.memory_space<vmem>> -> memref<1936xf32, #tpu.memory_space<vmem>>
        %gather3A_649 = tpu.vector_load_idx %gather3A_648[%add3A_107] : memref<1936xf32, #tpu.memory_space<vmem>>[vector<16xi32>], vector<16xf32>,
        %max3A_650 = arith.maximumf %broadcast_in_dim3A_647, %gather3A_649 : vector<16xf32>
        %gather3A_651 = tpu.memref_slice %arg5[%add3A_645] : memref<32768xf32, #tpu.memory_space<vmem>> -> memref<1936xf32, #tpu.memory_space<vmem>>
        %gather3A_652 = tpu.vector_load_idx %gather3A_651[%add3A_117] : memref<1936xf32, #tpu.memory_space<vmem>>[vector<16xi32>], vector<16xf32>,
        %max3A_653 = arith.maximumf %max3A_650, %gather3A_652 : vector<16xf32>
        %gather3A_654 = tpu.memref_slice %arg5[%add3A_645] : memref<32768xf32, #tpu.memory_space<vmem>> -> memref<1936xf32, #tpu.memory_space<vmem>>
        %gather3A_655 = tpu.vector_load_idx %gather3A_654[%add3A_127] : memref<1936xf32, #tpu.memory_space<vmem>>[vector<16xi32>], vector<16xf32>,
        %max3A_656 = arith.maximumf %max3A_653, %gather3A_655 : vector<16xf32>
        %gather3A_657 = tpu.memref_slice %arg5[%add3A_645] : memref<32768xf32, #tpu.memory_space<vmem>> -> memref<1936xf32, #tpu.memory_space<vmem>>
        %gather3A_658 = tpu.vector_load_idx %gather3A_657[%add3A_137] : memref<1936xf32, #tpu.memory_space<vmem>>[vector<16xi32>], vector<16xf32>,
        %max3A_659 = arith.maximumf %max3A_656, %gather3A_658 : vector<16xf32>
        %gather3A_660 = tpu.memref_slice %arg5[%add3A_645] : memref<32768xf32, #tpu.memory_space<vmem>> -> memref<1936xf32, #tpu.memory_space<vmem>>
        %gather3A_661 = tpu.vector_load_idx %gather3A_660[%add3A_147] : memref<1936xf32, #tpu.memory_space<vmem>>[vector<16xi32>], vector<16xf32>,
        %max3A_662 = arith.maximumf %max3A_659, %gather3A_661 : vector<16xf32>
        %gather3A_663 = tpu.memref_slice %arg5[%add3A_645] : memref<32768xf32, #tpu.memory_space<vmem>> -> memref<1936xf32, #tpu.memory_space<vmem>>
        %gather3A_664 = tpu.vector_load_idx %gather3A_663[%add3A_157] : memref<1936xf32, #tpu.memory_space<vmem>>[vector<16xi32>], vector<16xf32>,
        %max3A_665 = arith.maximumf %max3A_662, %gather3A_664 : vector<16xf32>
        %gather3A_666 = tpu.memref_slice %arg5[%add3A_645] : memref<32768xf32, #tpu.memory_space<vmem>> -> memref<1936xf32, #tpu.memory_space<vmem>>
        %gather3A_667 = tpu.vector_load_idx %gather3A_666[%add3A_167] : memref<1936xf32, #tpu.memory_space<vmem>>[vector<16xi32>], vector<16xf32>,
        %max3A_668 = arith.maximumf %max3A_665, %gather3A_667 : vector<16xf32>
        %gather3A_669 = tpu.memref_slice %arg5[%add3A_645] : memref<32768xf32, #tpu.memory_space<vmem>> -> memref<1936xf32, #tpu.memory_space<vmem>>
        %gather3A_670 = tpu.vector_load_idx %gather3A_669[%add3A_177] : memref<1936xf32, #tpu.memory_space<vmem>>[vector<16xi32>], vector<16xf32>,
        %max3A_671 = arith.maximumf %max3A_668, %gather3A_670 : vector<16xf32>
        %gather3A_672 = tpu.memref_slice %arg5[%add3A_645] : memref<32768xf32, #tpu.memory_space<vmem>> -> memref<1936xf32, #tpu.memory_space<vmem>>
        %gather3A_673 = tpu.vector_load_idx %gather3A_672[%add3A_187] : memref<1936xf32, #tpu.memory_space<vmem>>[vector<16xi32>], vector<16xf32>,
        %max3A_674 = arith.maximumf %max3A_671, %gather3A_673 : vector<16xf32>
        %gather3A_675 = tpu.memref_slice %arg5[%add3A_645] : memref<32768xf32, #tpu.memory_space<vmem>> -> memref<1936xf32, #tpu.memory_space<vmem>>
        %gather3A_676 = tpu.vector_load_idx %gather3A_675[%add3A_197] : memref<1936xf32, #tpu.memory_space<vmem>>[vector<16xi32>], vector<16xf32>,
        %max3A_677 = arith.maximumf %max3A_674, %gather3A_676 : vector<16xf32>
        %gather3A_678 = tpu.memref_slice %arg5[%add3A_645] : memref<32768xf32, #tpu.memory_space<vmem>> -> memref<1936xf32, #tpu.memory_space<vmem>>
        %gather3A_679 = tpu.vector_load_idx %gather3A_678[%add3A_207] : memref<1936xf32, #tpu.memory_space<vmem>>[vector<16xi32>], vector<16xf32>,
        %max3A_680 = arith.maximumf %max3A_677, %gather3A_679 : vector<16xf32>
        %gather3A_681 = tpu.memref_slice %arg5[%add3A_645] : memref<32768xf32, #tpu.memory_space<vmem>> -> memref<1936xf32, #tpu.memory_space<vmem>>
        %gather3A_682 = tpu.vector_load_idx %gather3A_681[%add3A_217] : memref<1936xf32, #tpu.memory_space<vmem>>[vector<16xi32>], vector<16xf32>,
        %max3A_683 = arith.maximumf %max3A_680, %gather3A_682 : vector<16xf32>
        %gather3A_684 = tpu.memref_slice %arg5[%add3A_645] : memref<32768xf32, #tpu.memory_space<vmem>> -> memref<1936xf32, #tpu.memory_space<vmem>>
        %gather3A_685 = tpu.vector_load_idx %gather3A_684[%add3A_227] : memref<1936xf32, #tpu.memory_space<vmem>>[vector<16xi32>], vector<16xf32>,
        %max3A_686 = arith.maximumf %max3A_683, %gather3A_685 : vector<16xf32>
        %gather3A_687 = tpu.memref_slice %arg5[%add3A_645] : memref<32768xf32, #tpu.memory_space<vmem>> -> memref<1936xf32, #tpu.memory_space<vmem>>
        %gather3A_688 = tpu.vector_load_idx %gather3A_687[%add3A_237] : memref<1936xf32, #tpu.memory_space<vmem>>[vector<16xi32>], vector<16xf32>,
        %max3A_689 = arith.maximumf %max3A_686, %gather3A_688 : vector<16xf32>
        %gather3A_690 = tpu.memref_slice %arg5[%add3A_645] : memref<32768xf32, #tpu.memory_space<vmem>> -> memref<1936xf32, #tpu.memory_space<vmem>>
        %gather3A_691 = tpu.vector_load_idx %gather3A_690[%add3A_247] : memref<1936xf32, #tpu.memory_space<vmem>>[vector<16xi32>], vector<16xf32>,
        %max3A_692 = arith.maximumf %max3A_689, %gather3A_691 : vector<16xf32>
        %gather3A_693 = tpu.memref_slice %arg5[%add3A_645] : memref<32768xf32, #tpu.memory_space<vmem>> -> memref<1936xf32, #tpu.memory_space<vmem>>
        %gather3A_694 = tpu.vector_load_idx %gather3A_693[%add3A_257] : memref<1936xf32, #tpu.memory_space<vmem>>[vector<16xi32>], vector<16xf32>,
        %max3A_695 = arith.maximumf %max3A_692, %gather3A_694 : vector<16xf32>
        %add3A_696 = arith.constant 112 : i32
        %add3A_697 = arith.addi %mul3A_333, %add3A_696 : i32
        %broadcast_in_dim3A_698 = arith.constant -1.000000e+00 : f32
        %broadcast_in_dim3A_699 = vector.broadcast %broadcast_in_dim3A_698 : f32 to vector<16xf32>
        %gather3A_700 = tpu.memref_slice %arg5[%add3A_697] : memref<32768xf32, #tpu.memory_space<vmem>> -> memref<1936xf32, #tpu.memory_space<vmem>>
        %gather3A_701 = tpu.vector_load_idx %gather3A_700[%add3A_107] : memref<1936xf32, #tpu.memory_space<vmem>>[vector<16xi32>], vector<16xf32>,
        %max3A_702 = arith.maximumf %broadcast_in_dim3A_699, %gather3A_701 : vector<16xf32>
        %gather3A_703 = tpu.memref_slice %arg5[%add3A_697] : memref<32768xf32, #tpu.memory_space<vmem>> -> memref<1936xf32, #tpu.memory_space<vmem>>
        %gather3A_704 = tpu.vector_load_idx %gather3A_703[%add3A_117] : memref<1936xf32, #tpu.memory_space<vmem>>[vector<16xi32>], vector<16xf32>,
        %max3A_705 = arith.maximumf %max3A_702, %gather3A_704 : vector<16xf32>
        %gather3A_706 = tpu.memref_slice %arg5[%add3A_697] : memref<32768xf32, #tpu.memory_space<vmem>> -> memref<1936xf32, #tpu.memory_space<vmem>>
        %gather3A_707 = tpu.vector_load_idx %gather3A_706[%add3A_127] : memref<1936xf32, #tpu.memory_space<vmem>>[vector<16xi32>], vector<16xf32>,
        %max3A_708 = arith.maximumf %max3A_705, %gather3A_707 : vector<16xf32>
        %gather3A_709 = tpu.memref_slice %arg5[%add3A_697] : memref<32768xf32, #tpu.memory_space<vmem>> -> memref<1936xf32, #tpu.memory_space<vmem>>
        %gather3A_710 = tpu.vector_load_idx %gather3A_709[%add3A_137] : memref<1936xf32, #tpu.memory_space<vmem>>[vector<16xi32>], vector<16xf32>,
        %max3A_711 = arith.maximumf %max3A_708, %gather3A_710 : vector<16xf32>
        %gather3A_712 = tpu.memref_slice %arg5[%add3A_697] : memref<32768xf32, #tpu.memory_space<vmem>> -> memref<1936xf32, #tpu.memory_space<vmem>>
        %gather3A_713 = tpu.vector_load_idx %gather3A_712[%add3A_147] : memref<1936xf32, #tpu.memory_space<vmem>>[vector<16xi32>], vector<16xf32>,
        %max3A_714 = arith.maximumf %max3A_711, %gather3A_713 : vector<16xf32>
        %gather3A_715 = tpu.memref_slice %arg5[%add3A_697] : memref<32768xf32, #tpu.memory_space<vmem>> -> memref<1936xf32, #tpu.memory_space<vmem>>
        %gather3A_716 = tpu.vector_load_idx %gather3A_715[%add3A_157] : memref<1936xf32, #tpu.memory_space<vmem>>[vector<16xi32>], vector<16xf32>,
        %max3A_717 = arith.maximumf %max3A_714, %gather3A_716 : vector<16xf32>
        %gather3A_718 = tpu.memref_slice %arg5[%add3A_697] : memref<32768xf32, #tpu.memory_space<vmem>> -> memref<1936xf32, #tpu.memory_space<vmem>>
        %gather3A_719 = tpu.vector_load_idx %gather3A_718[%add3A_167] : memref<1936xf32, #tpu.memory_space<vmem>>[vector<16xi32>], vector<16xf32>,
        %max3A_720 = arith.maximumf %max3A_717, %gather3A_719 : vector<16xf32>
        %gather3A_721 = tpu.memref_slice %arg5[%add3A_697] : memref<32768xf32, #tpu.memory_space<vmem>> -> memref<1936xf32, #tpu.memory_space<vmem>>
        %gather3A_722 = tpu.vector_load_idx %gather3A_721[%add3A_177] : memref<1936xf32, #tpu.memory_space<vmem>>[vector<16xi32>], vector<16xf32>,
        %max3A_723 = arith.maximumf %max3A_720, %gather3A_722 : vector<16xf32>
        %gather3A_724 = tpu.memref_slice %arg5[%add3A_697] : memref<32768xf32, #tpu.memory_space<vmem>> -> memref<1936xf32, #tpu.memory_space<vmem>>
        %gather3A_725 = tpu.vector_load_idx %gather3A_724[%add3A_187] : memref<1936xf32, #tpu.memory_space<vmem>>[vector<16xi32>], vector<16xf32>,
        %max3A_726 = arith.maximumf %max3A_723, %gather3A_725 : vector<16xf32>
        %gather3A_727 = tpu.memref_slice %arg5[%add3A_697] : memref<32768xf32, #tpu.memory_space<vmem>> -> memref<1936xf32, #tpu.memory_space<vmem>>
        %gather3A_728 = tpu.vector_load_idx %gather3A_727[%add3A_197] : memref<1936xf32, #tpu.memory_space<vmem>>[vector<16xi32>], vector<16xf32>,
        %max3A_729 = arith.maximumf %max3A_726, %gather3A_728 : vector<16xf32>
        %gather3A_730 = tpu.memref_slice %arg5[%add3A_697] : memref<32768xf32, #tpu.memory_space<vmem>> -> memref<1936xf32, #tpu.memory_space<vmem>>
        %gather3A_731 = tpu.vector_load_idx %gather3A_730[%add3A_207] : memref<1936xf32, #tpu.memory_space<vmem>>[vector<16xi32>], vector<16xf32>,
        %max3A_732 = arith.maximumf %max3A_729, %gather3A_731 : vector<16xf32>
        %gather3A_733 = tpu.memref_slice %arg5[%add3A_697] : memref<32768xf32, #tpu.memory_space<vmem>> -> memref<1936xf32, #tpu.memory_space<vmem>>
        %gather3A_734 = tpu.vector_load_idx %gather3A_733[%add3A_217] : memref<1936xf32, #tpu.memory_space<vmem>>[vector<16xi32>], vector<16xf32>,
        %max3A_735 = arith.maximumf %max3A_732, %gather3A_734 : vector<16xf32>
        %gather3A_736 = tpu.memref_slice %arg5[%add3A_697] : memref<32768xf32, #tpu.memory_space<vmem>> -> memref<1936xf32, #tpu.memory_space<vmem>>
        %gather3A_737 = tpu.vector_load_idx %gather3A_736[%add3A_227] : memref<1936xf32, #tpu.memory_space<vmem>>[vector<16xi32>], vector<16xf32>,
        %max3A_738 = arith.maximumf %max3A_735, %gather3A_737 : vector<16xf32>
        %gather3A_739 = tpu.memref_slice %arg5[%add3A_697] : memref<32768xf32, #tpu.memory_space<vmem>> -> memref<1936xf32, #tpu.memory_space<vmem>>
        %gather3A_740 = tpu.vector_load_idx %gather3A_739[%add3A_237] : memref<1936xf32, #tpu.memory_space<vmem>>[vector<16xi32>], vector<16xf32>,
        %max3A_741 = arith.maximumf %max3A_738, %gather3A_740 : vector<16xf32>
        %gather3A_742 = tpu.memref_slice %arg5[%add3A_697] : memref<32768xf32, #tpu.memory_space<vmem>> -> memref<1936xf32, #tpu.memory_space<vmem>>
        %gather3A_743 = tpu.vector_load_idx %gather3A_742[%add3A_247] : memref<1936xf32, #tpu.memory_space<vmem>>[vector<16xi32>], vector<16xf32>,
        %max3A_744 = arith.maximumf %max3A_741, %gather3A_743 : vector<16xf32>
        %gather3A_745 = tpu.memref_slice %arg5[%add3A_697] : memref<32768xf32, #tpu.memory_space<vmem>> -> memref<1936xf32, #tpu.memory_space<vmem>>
        %gather3A_746 = tpu.vector_load_idx %gather3A_745[%add3A_257] : memref<1936xf32, #tpu.memory_space<vmem>>[vector<16xi32>], vector<16xf32>,
        %max3A_747 = arith.maximumf %max3A_744, %gather3A_746 : vector<16xf32>
        %max3A_748 = arith.maximumf %max3A_383, %max3A_435 : vector<16xf32>
        %max3A_749 = arith.maximumf %max3A_487, %max3A_539 : vector<16xf32>
        %max3A_750 = arith.maximumf %max3A_591, %max3A_643 : vector<16xf32>
        %max3A_751 = arith.maximumf %max3A_695, %max3A_747 : vector<16xf32>
        %max3A_752 = arith.maximumf %max3A_748, %max3A_749 : vector<16xf32>
        %max3A_753 = arith.maximumf %max3A_750, %max3A_751 : vector<16xf32>
        %max3A_754 = arith.maximumf %max3A_752, %max3A_753 : vector<16xf32>
        %broadcast_in_dim3A_755 = arith.constant 0 : i32
        %broadcast_in_dim3A_756 = vector.broadcast %broadcast_in_dim3A_755 : i32 to vector<16xi32>
        %eq3A = arith.cmpf oeq, %max3A_747, %max3A_754 : vector<16xf32>
        %broadcast_in_dim3A_757 = arith.constant 112 : i32
        %broadcast_in_dim3A_758 = vector.broadcast %broadcast_in_dim3A_757 : i32 to vector<16xi32>
        %select_n3A = arith.select %eq3A, %broadcast_in_dim3A_758, %broadcast_in_dim3A_756 : vector<16xi1>, vector<16xi32>
        %eq3A_759 = arith.cmpf oeq, %max3A_695, %max3A_754 : vector<16xf32>
        %broadcast_in_dim3A_760 = arith.constant 96 : i32
        %broadcast_in_dim3A_761 = vector.broadcast %broadcast_in_dim3A_760 : i32 to vector<16xi32>
        %select_n3A_762 = arith.select %eq3A_759, %broadcast_in_dim3A_761, %select_n3A : vector<16xi1>, vector<16xi32>
        %eq3A_763 = arith.cmpf oeq, %max3A_643, %max3A_754 : vector<16xf32>
        %broadcast_in_dim3A_764 = arith.constant 80 : i32
        %broadcast_in_dim3A_765 = vector.broadcast %broadcast_in_dim3A_764 : i32 to vector<16xi32>
        %select_n3A_766 = arith.select %eq3A_763, %broadcast_in_dim3A_765, %select_n3A_762 : vector<16xi1>, vector<16xi32>
        %eq3A_767 = arith.cmpf oeq, %max3A_591, %max3A_754 : vector<16xf32>
        %broadcast_in_dim3A_768 = arith.constant 64 : i32
        %broadcast_in_dim3A_769 = vector.broadcast %broadcast_in_dim3A_768 : i32 to vector<16xi32>
        %select_n3A_770 = arith.select %eq3A_767, %broadcast_in_dim3A_769, %select_n3A_766 : vector<16xi1>, vector<16xi32>
        %eq3A_771 = arith.cmpf oeq, %max3A_539, %max3A_754 : vector<16xf32>
        %broadcast_in_dim3A_772 = arith.constant 48 : i32
        %broadcast_in_dim3A_773 = vector.broadcast %broadcast_in_dim3A_772 : i32 to vector<16xi32>
        %select_n3A_774 = arith.select %eq3A_771, %broadcast_in_dim3A_773, %select_n3A_770 : vector<16xi1>, vector<16xi32>
        %eq3A_775 = arith.cmpf oeq, %max3A_487, %max3A_754 : vector<16xf32>
        %broadcast_in_dim3A_776 = arith.constant 32 : i32
        %broadcast_in_dim3A_777 = vector.broadcast %broadcast_in_dim3A_776 : i32 to vector<16xi32>
        %select_n3A_778 = arith.select %eq3A_775, %broadcast_in_dim3A_777, %select_n3A_774 : vector<16xi1>, vector<16xi32>
        %eq3A_779 = arith.cmpf oeq, %max3A_435, %max3A_754 : vector<16xf32>
        %broadcast_in_dim3A_780 = arith.constant 16 : i32
        %broadcast_in_dim3A_781 = vector.broadcast %broadcast_in_dim3A_780 : i32 to vector<16xi32>
        %select_n3A_782 = arith.select %eq3A_779, %broadcast_in_dim3A_781, %select_n3A_778 : vector<16xi1>, vector<16xi32>
        %add3A_783 = arith.addi %add3A_257, %select_n3A_782 : vector<16xi32>
        %gather3A_784 = tpu.memref_slice %arg5[%mul3A_333] : memref<32768xf32, #tpu.memory_space<vmem>> -> memref<2048xf32, #tpu.memory_space<vmem>>
        %gather3A_785 = tpu.vector_load_idx %gather3A_784[%add3A_783] : memref<2048xf32, #tpu.memory_space<vmem>>[vector<16xi32>], vector<16xf32>,
        %eq3A_786 = arith.cmpf oeq, %gather3A_785, %max3A_754 : vector<16xf32>
        %and3A_787 = arith.constant 127 : i32
        %and3A_788 = vector.broadcast %and3A_787 : i32 to vector<16xi32>
        %and3A_789 = arith.andi %add3A_783, %and3A_788 : vector<16xi32>
        %select_n3A_790 = arith.select %eq3A_786, %and3A_789, %select_n3A_782 : vector<16xi1>, vector<16xi32>
        %add3A_791 = arith.addi %add3A_247, %select_n3A_782 : vector<16xi32>
        %gather3A_792 = tpu.memref_slice %arg5[%mul3A_333] : memref<32768xf32, #tpu.memory_space<vmem>> -> memref<2048xf32, #tpu.memory_space<vmem>>
        %gather3A_793 = tpu.vector_load_idx %gather3A_792[%add3A_791] : memref<2048xf32, #tpu.memory_space<vmem>>[vector<16xi32>], vector<16xf32>,
        %eq3A_794 = arith.cmpf oeq, %gather3A_793, %max3A_754 : vector<16xf32>
        %and3A_795 = arith.constant 127 : i32
        %and3A_796 = vector.broadcast %and3A_795 : i32 to vector<16xi32>
        %and3A_797 = arith.andi %add3A_791, %and3A_796 : vector<16xi32>
        %select_n3A_798 = arith.select %eq3A_794, %and3A_797, %select_n3A_790 : vector<16xi1>, vector<16xi32>
        %add3A_799 = arith.addi %add3A_237, %select_n3A_782 : vector<16xi32>
        %gather3A_800 = tpu.memref_slice %arg5[%mul3A_333] : memref<32768xf32, #tpu.memory_space<vmem>> -> memref<2048xf32, #tpu.memory_space<vmem>>
        %gather3A_801 = tpu.vector_load_idx %gather3A_800[%add3A_799] : memref<2048xf32, #tpu.memory_space<vmem>>[vector<16xi32>], vector<16xf32>,
        %eq3A_802 = arith.cmpf oeq, %gather3A_801, %max3A_754 : vector<16xf32>
        %and3A_803 = arith.constant 127 : i32
        %and3A_804 = vector.broadcast %and3A_803 : i32 to vector<16xi32>
        %and3A_805 = arith.andi %add3A_799, %and3A_804 : vector<16xi32>
        %select_n3A_806 = arith.select %eq3A_802, %and3A_805, %select_n3A_798 : vector<16xi1>, vector<16xi32>
        %add3A_807 = arith.addi %add3A_227, %select_n3A_782 : vector<16xi32>
        %gather3A_808 = tpu.memref_slice %arg5[%mul3A_333] : memref<32768xf32, #tpu.memory_space<vmem>> -> memref<2048xf32, #tpu.memory_space<vmem>>
        %gather3A_809 = tpu.vector_load_idx %gather3A_808[%add3A_807] : memref<2048xf32, #tpu.memory_space<vmem>>[vector<16xi32>], vector<16xf32>,
        %eq3A_810 = arith.cmpf oeq, %gather3A_809, %max3A_754 : vector<16xf32>
        %and3A_811 = arith.constant 127 : i32
        %and3A_812 = vector.broadcast %and3A_811 : i32 to vector<16xi32>
        %and3A_813 = arith.andi %add3A_807, %and3A_812 : vector<16xi32>
        %select_n3A_814 = arith.select %eq3A_810, %and3A_813, %select_n3A_806 : vector<16xi1>, vector<16xi32>
        %add3A_815 = arith.addi %add3A_217, %select_n3A_782 : vector<16xi32>
        %gather3A_816 = tpu.memref_slice %arg5[%mul3A_333] : memref<32768xf32, #tpu.memory_space<vmem>> -> memref<2048xf32, #tpu.memory_space<vmem>>
        %gather3A_817 = tpu.vector_load_idx %gather3A_816[%add3A_815] : memref<2048xf32, #tpu.memory_space<vmem>>[vector<16xi32>], vector<16xf32>,
        %eq3A_818 = arith.cmpf oeq, %gather3A_817, %max3A_754 : vector<16xf32>
        %and3A_819 = arith.constant 127 : i32
        %and3A_820 = vector.broadcast %and3A_819 : i32 to vector<16xi32>
        %and3A_821 = arith.andi %add3A_815, %and3A_820 : vector<16xi32>
        %select_n3A_822 = arith.select %eq3A_818, %and3A_821, %select_n3A_814 : vector<16xi1>, vector<16xi32>
        %add3A_823 = arith.addi %add3A_207, %select_n3A_782 : vector<16xi32>
        %gather3A_824 = tpu.memref_slice %arg5[%mul3A_333] : memref<32768xf32, #tpu.memory_space<vmem>> -> memref<2048xf32, #tpu.memory_space<vmem>>
        %gather3A_825 = tpu.vector_load_idx %gather3A_824[%add3A_823] : memref<2048xf32, #tpu.memory_space<vmem>>[vector<16xi32>], vector<16xf32>,
        %eq3A_826 = arith.cmpf oeq, %gather3A_825, %max3A_754 : vector<16xf32>
        %and3A_827 = arith.constant 127 : i32
        %and3A_828 = vector.broadcast %and3A_827 : i32 to vector<16xi32>
        %and3A_829 = arith.andi %add3A_823, %and3A_828 : vector<16xi32>
        %select_n3A_830 = arith.select %eq3A_826, %and3A_829, %select_n3A_822 : vector<16xi1>, vector<16xi32>
        %add3A_831 = arith.addi %add3A_197, %select_n3A_782 : vector<16xi32>
        %gather3A_832 = tpu.memref_slice %arg5[%mul3A_333] : memref<32768xf32, #tpu.memory_space<vmem>> -> memref<2048xf32, #tpu.memory_space<vmem>>
        %gather3A_833 = tpu.vector_load_idx %gather3A_832[%add3A_831] : memref<2048xf32, #tpu.memory_space<vmem>>[vector<16xi32>], vector<16xf32>,
        %eq3A_834 = arith.cmpf oeq, %gather3A_833, %max3A_754 : vector<16xf32>
        %and3A_835 = arith.constant 127 : i32
        %and3A_836 = vector.broadcast %and3A_835 : i32 to vector<16xi32>
        %and3A_837 = arith.andi %add3A_831, %and3A_836 : vector<16xi32>
        %select_n3A_838 = arith.select %eq3A_834, %and3A_837, %select_n3A_830 : vector<16xi1>, vector<16xi32>
        %add3A_839 = arith.addi %add3A_187, %select_n3A_782 : vector<16xi32>
        %gather3A_840 = tpu.memref_slice %arg5[%mul3A_333] : memref<32768xf32, #tpu.memory_space<vmem>> -> memref<2048xf32, #tpu.memory_space<vmem>>
        %gather3A_841 = tpu.vector_load_idx %gather3A_840[%add3A_839] : memref<2048xf32, #tpu.memory_space<vmem>>[vector<16xi32>], vector<16xf32>,
        %eq3A_842 = arith.cmpf oeq, %gather3A_841, %max3A_754 : vector<16xf32>
        %and3A_843 = arith.constant 127 : i32
        %and3A_844 = vector.broadcast %and3A_843 : i32 to vector<16xi32>
        %and3A_845 = arith.andi %add3A_839, %and3A_844 : vector<16xi32>
        %select_n3A_846 = arith.select %eq3A_842, %and3A_845, %select_n3A_838 : vector<16xi1>, vector<16xi32>
        %add3A_847 = arith.addi %add3A_177, %select_n3A_782 : vector<16xi32>
        %gather3A_848 = tpu.memref_slice %arg5[%mul3A_333] : memref<32768xf32, #tpu.memory_space<vmem>> -> memref<2048xf32, #tpu.memory_space<vmem>>
        %gather3A_849 = tpu.vector_load_idx %gather3A_848[%add3A_847] : memref<2048xf32, #tpu.memory_space<vmem>>[vector<16xi32>], vector<16xf32>,
        %eq3A_850 = arith.cmpf oeq, %gather3A_849, %max3A_754 : vector<16xf32>
        %and3A_851 = arith.constant 127 : i32
        %and3A_852 = vector.broadcast %and3A_851 : i32 to vector<16xi32>
        %and3A_853 = arith.andi %add3A_847, %and3A_852 : vector<16xi32>
        %select_n3A_854 = arith.select %eq3A_850, %and3A_853, %select_n3A_846 : vector<16xi1>, vector<16xi32>
        %add3A_855 = arith.addi %add3A_167, %select_n3A_782 : vector<16xi32>
        %gather3A_856 = tpu.memref_slice %arg5[%mul3A_333] : memref<32768xf32, #tpu.memory_space<vmem>> -> memref<2048xf32, #tpu.memory_space<vmem>>
        %gather3A_857 = tpu.vector_load_idx %gather3A_856[%add3A_855] : memref<2048xf32, #tpu.memory_space<vmem>>[vector<16xi32>], vector<16xf32>,
        %eq3A_858 = arith.cmpf oeq, %gather3A_857, %max3A_754 : vector<16xf32>
        %and3A_859 = arith.constant 127 : i32
        %and3A_860 = vector.broadcast %and3A_859 : i32 to vector<16xi32>
        %and3A_861 = arith.andi %add3A_855, %and3A_860 : vector<16xi32>
        %select_n3A_862 = arith.select %eq3A_858, %and3A_861, %select_n3A_854 : vector<16xi1>, vector<16xi32>
        %add3A_863 = arith.addi %add3A_157, %select_n3A_782 : vector<16xi32>
        %gather3A_864 = tpu.memref_slice %arg5[%mul3A_333] : memref<32768xf32, #tpu.memory_space<vmem>> -> memref<2048xf32, #tpu.memory_space<vmem>>
        %gather3A_865 = tpu.vector_load_idx %gather3A_864[%add3A_863] : memref<2048xf32, #tpu.memory_space<vmem>>[vector<16xi32>], vector<16xf32>,
        %eq3A_866 = arith.cmpf oeq, %gather3A_865, %max3A_754 : vector<16xf32>
        %and3A_867 = arith.constant 127 : i32
        %and3A_868 = vector.broadcast %and3A_867 : i32 to vector<16xi32>
        %and3A_869 = arith.andi %add3A_863, %and3A_868 : vector<16xi32>
        %select_n3A_870 = arith.select %eq3A_866, %and3A_869, %select_n3A_862 : vector<16xi1>, vector<16xi32>
        %add3A_871 = arith.addi %add3A_147, %select_n3A_782 : vector<16xi32>
        %gather3A_872 = tpu.memref_slice %arg5[%mul3A_333] : memref<32768xf32, #tpu.memory_space<vmem>> -> memref<2048xf32, #tpu.memory_space<vmem>>
        %gather3A_873 = tpu.vector_load_idx %gather3A_872[%add3A_871] : memref<2048xf32, #tpu.memory_space<vmem>>[vector<16xi32>], vector<16xf32>,
        %eq3A_874 = arith.cmpf oeq, %gather3A_873, %max3A_754 : vector<16xf32>
        %and3A_875 = arith.constant 127 : i32
        %and3A_876 = vector.broadcast %and3A_875 : i32 to vector<16xi32>
        %and3A_877 = arith.andi %add3A_871, %and3A_876 : vector<16xi32>
        %select_n3A_878 = arith.select %eq3A_874, %and3A_877, %select_n3A_870 : vector<16xi1>, vector<16xi32>
        %add3A_879 = arith.addi %add3A_137, %select_n3A_782 : vector<16xi32>
        %gather3A_880 = tpu.memref_slice %arg5[%mul3A_333] : memref<32768xf32, #tpu.memory_space<vmem>> -> memref<2048xf32, #tpu.memory_space<vmem>>
        %gather3A_881 = tpu.vector_load_idx %gather3A_880[%add3A_879] : memref<2048xf32, #tpu.memory_space<vmem>>[vector<16xi32>], vector<16xf32>,
        %eq3A_882 = arith.cmpf oeq, %gather3A_881, %max3A_754 : vector<16xf32>
        %and3A_883 = arith.constant 127 : i32
        %and3A_884 = vector.broadcast %and3A_883 : i32 to vector<16xi32>
        %and3A_885 = arith.andi %add3A_879, %and3A_884 : vector<16xi32>
        %select_n3A_886 = arith.select %eq3A_882, %and3A_885, %select_n3A_878 : vector<16xi1>, vector<16xi32>
        %add3A_887 = arith.addi %add3A_127, %select_n3A_782 : vector<16xi32>
        %gather3A_888 = tpu.memref_slice %arg5[%mul3A_333] : memref<32768xf32, #tpu.memory_space<vmem>> -> memref<2048xf32, #tpu.memory_space<vmem>>
        %gather3A_889 = tpu.vector_load_idx %gather3A_888[%add3A_887] : memref<2048xf32, #tpu.memory_space<vmem>>[vector<16xi32>], vector<16xf32>,
        %eq3A_890 = arith.cmpf oeq, %gather3A_889, %max3A_754 : vector<16xf32>
        %and3A_891 = arith.constant 127 : i32
        %and3A_892 = vector.broadcast %and3A_891 : i32 to vector<16xi32>
        %and3A_893 = arith.andi %add3A_887, %and3A_892 : vector<16xi32>
        %select_n3A_894 = arith.select %eq3A_890, %and3A_893, %select_n3A_886 : vector<16xi1>, vector<16xi32>
        %add3A_895 = arith.addi %add3A_117, %select_n3A_782 : vector<16xi32>
        %gather3A_896 = tpu.memref_slice %arg5[%mul3A_333] : memref<32768xf32, #tpu.memory_space<vmem>> -> memref<2048xf32, #tpu.memory_space<vmem>>
        %gather3A_897 = tpu.vector_load_idx %gather3A_896[%add3A_895] : memref<2048xf32, #tpu.memory_space<vmem>>[vector<16xi32>], vector<16xf32>,
        %eq3A_898 = arith.cmpf oeq, %gather3A_897, %max3A_754 : vector<16xf32>
        %and3A_899 = arith.constant 127 : i32
        %and3A_900 = vector.broadcast %and3A_899 : i32 to vector<16xi32>
        %and3A_901 = arith.andi %add3A_895, %and3A_900 : vector<16xi32>
        %select_n3A_902 = arith.select %eq3A_898, %and3A_901, %select_n3A_894 : vector<16xi1>, vector<16xi32>
        %add3A_903 = arith.addi %add3A_107, %select_n3A_782 : vector<16xi32>
        %gather3A_904 = tpu.memref_slice %arg5[%mul3A_333] : memref<32768xf32, #tpu.memory_space<vmem>> -> memref<2048xf32, #tpu.memory_space<vmem>>
        %gather3A_905 = tpu.vector_load_idx %gather3A_904[%add3A_903] : memref<2048xf32, #tpu.memory_space<vmem>>[vector<16xi32>], vector<16xf32>,
        %eq3A_906 = arith.cmpf oeq, %gather3A_905, %max3A_754 : vector<16xf32>
        %and3A_907 = arith.constant 127 : i32
        %and3A_908 = vector.broadcast %and3A_907 : i32 to vector<16xi32>
        %and3A_909 = arith.andi %add3A_903, %and3A_908 : vector<16xi32>
        %select_n3A_910 = arith.select %eq3A_906, %and3A_909, %select_n3A_902 : vector<16xi1>, vector<16xi32>
        %mul3A_911 = arith.constant 16 : i32
        %mul3A_912 = arith.muli %scan3A_330, %mul3A_911 : i32
        %get3A = arith.index_cast %mul3A_912 : i32 to index
        %get3A_913 = tpu.vector_load %arg7[%get3A] {strides = array<i32>} : memref<256xi32, #tpu.memory_space<vmem>>, vector<16xi32>,
        %eq3A_914 = arith.cmpi eq, %select_n3A_910, %get3A_913 : vector<16xi32>
        %jit3A = arith.constant 1.000000e+00 : f32
        %jit3A_915 = arith.constant 0.000000e+00 : f32
        %broadcast_in_dim3A_916 = vector.broadcast %jit3A : f32 to vector<16xf32>
        %broadcast_in_dim3A_917 = vector.broadcast %jit3A_915 : f32 to vector<16xf32>
        %select_n3A_918 = arith.select %eq3A_914, %broadcast_in_dim3A_916, %broadcast_in_dim3A_917 : vector<16xi1>, vector<16xf32>
        %mul3A_919 = arith.constant 1.500000e+01 : f32
        %mul3A_920 = vector.broadcast %mul3A_919 : f32 to vector<16xf32>
        %mul3A_921 = arith.mulf %max3A_754, %mul3A_920 : vector<16xf32>
        %convert_element_type3A_922 = arith.fptosi %mul3A_921 : vector<16xf32> to vector<16xi32>
        %min3A = arith.constant 14 : i32
        %min3A_923 = vector.broadcast %min3A : i32 to vector<16xi32>
        %min3A_924 = arith.minsi %convert_element_type3A_922, %min3A_923 : vector<16xi32>
        %gt3A = arith.constant 0.000000e+00 : f32
        %gt3A_925 = vector.broadcast %gt3A : f32 to vector<16xf32>
        %gt3A_926 = arith.cmpf ogt, %max3A_754, %gt3A_925 : vector<16xf32>
        %jit3A_927 = arith.constant 1.000000e+00 : f32
        %jit3A_928 = arith.constant 0.000000e+00 : f32
        %broadcast_in_dim3A_929 = vector.broadcast %jit3A_927 : f32 to vector<16xf32>
        %broadcast_in_dim3A_930 = vector.broadcast %jit3A_928 : f32 to vector<16xf32>
        %select_n3A_931 = arith.select %gt3A_926, %broadcast_in_dim3A_929, %broadcast_in_dim3A_930 : vector<16xi1>, vector<16xf32>
        %mul3A_932 = arith.constant 16 : i32
        %mul3A_933 = vector.broadcast %mul3A_932 : i32 to vector<16xi32>
        %mul3A_934 = arith.muli %min3A_924, %mul3A_933 : vector<16xi32>
        %add3A_935 = arith.addi %mul3A_934, %iota3A : vector<16xi32>
        tpu.vector_store_idx %arg9[%add3A_935], %select_n3A_931 {add = true} : memref<768xf32, #tpu.memory_space<vmem>>[vector<16xi32>], vector<16xf32>,
        %add3A_936 = arith.constant 256 : i32
        %add3A_937 = vector.broadcast %add3A_936 : i32 to vector<16xi32>
        %add3A_938 = arith.addi %add3A_935, %add3A_937 : vector<16xi32>
        %mul3A_939 = arith.mulf %max3A_754, %select_n3A_931 : vector<16xf32>
        tpu.vector_store_idx %arg9[%add3A_938], %mul3A_939 {add = true} : memref<768xf32, #tpu.memory_space<vmem>>[vector<16xi32>], vector<16xf32>,
        %add3A_940 = arith.constant 512 : i32
        %add3A_941 = vector.broadcast %add3A_940 : i32 to vector<16xi32>
        %add3A_942 = arith.addi %add3A_935, %add3A_941 : vector<16xi32>
        %mul3A_943 = arith.mulf %select_n3A_918, %select_n3A_931 : vector<16xf32>
        tpu.vector_store_idx %arg9[%add3A_942], %mul3A_943 {add = true} : memref<768xf32, #tpu.memory_space<vmem>>[vector<16xi32>], vector<16xf32>,
        %scan3A_944 = arith.constant 0 : i32
        scf.yield %scan3A_944 : i32
      }
      %scan3A_299 = arith.constant 16 : i32
      %add3A_300 = arith.constant 2 : i32
      %add3A_301 = arith.addi %add3A_284, %add3A_300 : i32
      %lt3A = arith.constant 78 : i32
      %lt3A_302 = arith.cmpi slt, %add3A_301, %lt3A : i32
      %convert_element_type3A = arith.extui %lt3A_302 : i1 to i32
      %cond3A = arith.constant 0 : i32
      %cond3A_303 = arith.cmpi ne, %convert_element_type3A, %cond3A : i32
      scf.if %cond3A_303 {
        %add3A_330 = arith.constant 2 : i32
        %add3A_331 = arith.addi %add3A_284, %add3A_330 : i32
        %mul3A_332 = arith.constant 256 : i32
        %mul3A_333 = arith.muli %add3A_331, %mul3A_332 : i32
        %add3A_334 = arith.addi %mul3A_2, %mul3A_333 : i32
        %mul3A_335 = arith.constant 128 : i32
        %mul3A_336 = arith.muli %add3A_334, %mul3A_335 : i32
        %dma_start3A_337 = tpu.memref_slice %arg2[%mul3A_336] : memref<134217728xf32, #tpu.memory_space<hbm>> -> memref<32768xf32, #tpu.memory_space<hbm>>
        %dma_start3A_338 = tpu.memref_slice %arg2[%mul3A_336] : memref<134217728xf32, #tpu.memory_space<hbm>> -> memref<32768xf32, #tpu.memory_space<hbm>>
        tpu.enqueue_dma source(%dma_start3A_338 : memref<32768xf32, #tpu.memory_space<hbm>>) target(%arg5 : memref<32768xf32, #tpu.memory_space<vmem>>) target_semaphore(%arg10 : memref<!tpu.dma_semaphore, #tpu.memory_space<semaphore_mem>>)
        %dma_start3A_339 = tpu.memref_slice %arg3[%add3A_334] : memref<1048576xi32, #tpu.memory_space<hbm>> -> memref<256xi32, #tpu.memory_space<hbm>>
        %dma_start3A_340 = tpu.memref_slice %arg3[%add3A_334] : memref<1048576xi32, #tpu.memory_space<hbm>> -> memref<256xi32, #tpu.memory_space<hbm>>
        tpu.enqueue_dma source(%dma_start3A_340 : memref<256xi32, #tpu.memory_space<hbm>>) target(%arg7 : memref<256xi32, #tpu.memory_space<vmem>>) target_semaphore(%arg12 : memref<!tpu.dma_semaphore, #tpu.memory_space<semaphore_mem>>)
      } else {
      }
      %add3A_304 = arith.constant 1 : i32
      %add3A_305 = arith.addi %mul3A_282, %add3A_304 : i32
      %mul3A_306 = arith.constant 256 : i32
      %mul3A_307 = arith.muli %add3A_305, %mul3A_306 : i32
      %add3A_308 = arith.addi %mul3A_2, %mul3A_307 : i32
      %mul3A_309 = arith.constant 128 : i32
      %mul3A_310 = arith.muli %add3A_308, %mul3A_309 : i32
      %dma_wait3A_311 = tpu.memref_slice %arg2[%mul3A_310] : memref<134217728xf32, #tpu.memory_space<hbm>> -> memref<32768xf32, #tpu.memory_space<hbm>>
      %dma_wait3A_312 = tpu.memref_slice %arg2[%mul3A_310] : memref<134217728xf32, #tpu.memory_space<hbm>> -> memref<32768xf32, #tpu.memory_space<hbm>>
      tpu.wait_dma2 semaphore(%arg11 : memref<!tpu.dma_semaphore, #tpu.memory_space<semaphore_mem>>) src(%dma_wait3A_312 : memref<32768xf32, #tpu.memory_space<hbm>>) dst(%arg6 : memref<32768xf32, #tpu.memory_space<vmem>>)
      %dma_wait3A_313 = tpu.memref_slice %arg3[%add3A_308] : memref<1048576xi32, #tpu.memory_space<hbm>> -> memref<256xi32, #tpu.memory_space<hbm>>
      %dma_wait3A_314 = tpu.memref_slice %arg3[%add3A_308] : memref<1048576xi32, #tpu.memory_space<hbm>> -> memref<256xi32, #tpu.memory_space<hbm>>
      tpu.wait_dma2 semaphore(%arg13 : memref<!tpu.dma_semaphore, #tpu.memory_space<semaphore_mem>>) src(%dma_wait3A_314 : memref<256xi32, #tpu.memory_space<hbm>>) dst(%arg8 : memref<256xi32, #tpu.memory_space<vmem>>)
      %scan3A_315 = arith.constant 0 : i32
      %scan3A_316 = arith.constant 0 : i32
      %scan3A_317 = arith.constant 16 : i32
      %scan3A_318 = arith.addi %scan3A_316, %scan3A_317 : i32
      %scan3A_319 = arith.constant 1 : i32
      %scan3A_320 = scf.for %scan3A_330 = %scan3A_316 to %scan3A_318 step %scan3A_319 iter_args(%scan3A_331 = %scan3A_315) -> (i32)  : i32 {
        %mul3A_332 = arith.constant 2048 : i32
        %mul3A_333 = arith.muli %scan3A_330, %mul3A_332 : i32
        %add3A_334 = arith.constant 0 : i32
        %add3A_335 = arith.addi %mul3A_333, %add3A_334 : i32
        %broadcast_in_dim3A_336 = arith.constant -1.000000e+00 : f32
        %broadcast_in_dim3A_337 = vector.broadcast %broadcast_in_dim3A_336 : f32 to vector<16xf32>
        %gather3A = tpu.memref_slice %arg6[%add3A_335] : memref<32768xf32, #tpu.memory_space<vmem>> -> memref<1936xf32, #tpu.memory_space<vmem>>
        %gather3A_338 = tpu.vector_load_idx %gather3A[%add3A_107] : memref<1936xf32, #tpu.memory_space<vmem>>[vector<16xi32>], vector<16xf32>,
        %max3A = arith.maximumf %broadcast_in_dim3A_337, %gather3A_338 : vector<16xf32>
        %gather3A_339 = tpu.memref_slice %arg6[%add3A_335] : memref<32768xf32, #tpu.memory_space<vmem>> -> memref<1936xf32, #tpu.memory_space<vmem>>
        %gather3A_340 = tpu.vector_load_idx %gather3A_339[%add3A_117] : memref<1936xf32, #tpu.memory_space<vmem>>[vector<16xi32>], vector<16xf32>,
        %max3A_341 = arith.maximumf %max3A, %gather3A_340 : vector<16xf32>
        %gather3A_342 = tpu.memref_slice %arg6[%add3A_335] : memref<32768xf32, #tpu.memory_space<vmem>> -> memref<1936xf32, #tpu.memory_space<vmem>>
        %gather3A_343 = tpu.vector_load_idx %gather3A_342[%add3A_127] : memref<1936xf32, #tpu.memory_space<vmem>>[vector<16xi32>], vector<16xf32>,
        %max3A_344 = arith.maximumf %max3A_341, %gather3A_343 : vector<16xf32>
        %gather3A_345 = tpu.memref_slice %arg6[%add3A_335] : memref<32768xf32, #tpu.memory_space<vmem>> -> memref<1936xf32, #tpu.memory_space<vmem>>
        %gather3A_346 = tpu.vector_load_idx %gather3A_345[%add3A_137] : memref<1936xf32, #tpu.memory_space<vmem>>[vector<16xi32>], vector<16xf32>,
        %max3A_347 = arith.maximumf %max3A_344, %gather3A_346 : vector<16xf32>
        %gather3A_348 = tpu.memref_slice %arg6[%add3A_335] : memref<32768xf32, #tpu.memory_space<vmem>> -> memref<1936xf32, #tpu.memory_space<vmem>>
        %gather3A_349 = tpu.vector_load_idx %gather3A_348[%add3A_147] : memref<1936xf32, #tpu.memory_space<vmem>>[vector<16xi32>], vector<16xf32>,
        %max3A_350 = arith.maximumf %max3A_347, %gather3A_349 : vector<16xf32>
        %gather3A_351 = tpu.memref_slice %arg6[%add3A_335] : memref<32768xf32, #tpu.memory_space<vmem>> -> memref<1936xf32, #tpu.memory_space<vmem>>
        %gather3A_352 = tpu.vector_load_idx %gather3A_351[%add3A_157] : memref<1936xf32, #tpu.memory_space<vmem>>[vector<16xi32>], vector<16xf32>,
        %max3A_353 = arith.maximumf %max3A_350, %gather3A_352 : vector<16xf32>
        %gather3A_354 = tpu.memref_slice %arg6[%add3A_335] : memref<32768xf32, #tpu.memory_space<vmem>> -> memref<1936xf32, #tpu.memory_space<vmem>>
        %gather3A_355 = tpu.vector_load_idx %gather3A_354[%add3A_167] : memref<1936xf32, #tpu.memory_space<vmem>>[vector<16xi32>], vector<16xf32>,
        %max3A_356 = arith.maximumf %max3A_353, %gather3A_355 : vector<16xf32>
        %gather3A_357 = tpu.memref_slice %arg6[%add3A_335] : memref<32768xf32, #tpu.memory_space<vmem>> -> memref<1936xf32, #tpu.memory_space<vmem>>
        %gather3A_358 = tpu.vector_load_idx %gather3A_357[%add3A_177] : memref<1936xf32, #tpu.memory_space<vmem>>[vector<16xi32>], vector<16xf32>,
        %max3A_359 = arith.maximumf %max3A_356, %gather3A_358 : vector<16xf32>
        %gather3A_360 = tpu.memref_slice %arg6[%add3A_335] : memref<32768xf32, #tpu.memory_space<vmem>> -> memref<1936xf32, #tpu.memory_space<vmem>>
        %gather3A_361 = tpu.vector_load_idx %gather3A_360[%add3A_187] : memref<1936xf32, #tpu.memory_space<vmem>>[vector<16xi32>], vector<16xf32>,
        %max3A_362 = arith.maximumf %max3A_359, %gather3A_361 : vector<16xf32>
        %gather3A_363 = tpu.memref_slice %arg6[%add3A_335] : memref<32768xf32, #tpu.memory_space<vmem>> -> memref<1936xf32, #tpu.memory_space<vmem>>
        %gather3A_364 = tpu.vector_load_idx %gather3A_363[%add3A_197] : memref<1936xf32, #tpu.memory_space<vmem>>[vector<16xi32>], vector<16xf32>,
        %max3A_365 = arith.maximumf %max3A_362, %gather3A_364 : vector<16xf32>
        %gather3A_366 = tpu.memref_slice %arg6[%add3A_335] : memref<32768xf32, #tpu.memory_space<vmem>> -> memref<1936xf32, #tpu.memory_space<vmem>>
        %gather3A_367 = tpu.vector_load_idx %gather3A_366[%add3A_207] : memref<1936xf32, #tpu.memory_space<vmem>>[vector<16xi32>], vector<16xf32>,
        %max3A_368 = arith.maximumf %max3A_365, %gather3A_367 : vector<16xf32>
        %gather3A_369 = tpu.memref_slice %arg6[%add3A_335] : memref<32768xf32, #tpu.memory_space<vmem>> -> memref<1936xf32, #tpu.memory_space<vmem>>
        %gather3A_370 = tpu.vector_load_idx %gather3A_369[%add3A_217] : memref<1936xf32, #tpu.memory_space<vmem>>[vector<16xi32>], vector<16xf32>,
        %max3A_371 = arith.maximumf %max3A_368, %gather3A_370 : vector<16xf32>
        %gather3A_372 = tpu.memref_slice %arg6[%add3A_335] : memref<32768xf32, #tpu.memory_space<vmem>> -> memref<1936xf32, #tpu.memory_space<vmem>>
        %gather3A_373 = tpu.vector_load_idx %gather3A_372[%add3A_227] : memref<1936xf32, #tpu.memory_space<vmem>>[vector<16xi32>], vector<16xf32>,
        %max3A_374 = arith.maximumf %max3A_371, %gather3A_373 : vector<16xf32>
        %gather3A_375 = tpu.memref_slice %arg6[%add3A_335] : memref<32768xf32, #tpu.memory_space<vmem>> -> memref<1936xf32, #tpu.memory_space<vmem>>
        %gather3A_376 = tpu.vector_load_idx %gather3A_375[%add3A_237] : memref<1936xf32, #tpu.memory_space<vmem>>[vector<16xi32>], vector<16xf32>,
        %max3A_377 = arith.maximumf %max3A_374, %gather3A_376 : vector<16xf32>
        %gather3A_378 = tpu.memref_slice %arg6[%add3A_335] : memref<32768xf32, #tpu.memory_space<vmem>> -> memref<1936xf32, #tpu.memory_space<vmem>>
        %gather3A_379 = tpu.vector_load_idx %gather3A_378[%add3A_247] : memref<1936xf32, #tpu.memory_space<vmem>>[vector<16xi32>], vector<16xf32>,
        %max3A_380 = arith.maximumf %max3A_377, %gather3A_379 : vector<16xf32>
        %gather3A_381 = tpu.memref_slice %arg6[%add3A_335] : memref<32768xf32, #tpu.memory_space<vmem>> -> memref<1936xf32, #tpu.memory_space<vmem>>
        %gather3A_382 = tpu.vector_load_idx %gather3A_381[%add3A_257] : memref<1936xf32, #tpu.memory_space<vmem>>[vector<16xi32>], vector<16xf32>,
        %max3A_383 = arith.maximumf %max3A_380, %gather3A_382 : vector<16xf32>
        %add3A_384 = arith.constant 16 : i32
        %add3A_385 = arith.addi %mul3A_333, %add3A_384 : i32
        %broadcast_in_dim3A_386 = arith.constant -1.000000e+00 : f32
        %broadcast_in_dim3A_387 = vector.broadcast %broadcast_in_dim3A_386 : f32 to vector<16xf32>
        %gather3A_388 = tpu.memref_slice %arg6[%add3A_385] : memref<32768xf32, #tpu.memory_space<vmem>> -> memref<1936xf32, #tpu.memory_space<vmem>>
        %gather3A_389 = tpu.vector_load_idx %gather3A_388[%add3A_107] : memref<1936xf32, #tpu.memory_space<vmem>>[vector<16xi32>], vector<16xf32>,
        %max3A_390 = arith.maximumf %broadcast_in_dim3A_387, %gather3A_389 : vector<16xf32>
        %gather3A_391 = tpu.memref_slice %arg6[%add3A_385] : memref<32768xf32, #tpu.memory_space<vmem>> -> memref<1936xf32, #tpu.memory_space<vmem>>
        %gather3A_392 = tpu.vector_load_idx %gather3A_391[%add3A_117] : memref<1936xf32, #tpu.memory_space<vmem>>[vector<16xi32>], vector<16xf32>,
        %max3A_393 = arith.maximumf %max3A_390, %gather3A_392 : vector<16xf32>
        %gather3A_394 = tpu.memref_slice %arg6[%add3A_385] : memref<32768xf32, #tpu.memory_space<vmem>> -> memref<1936xf32, #tpu.memory_space<vmem>>
        %gather3A_395 = tpu.vector_load_idx %gather3A_394[%add3A_127] : memref<1936xf32, #tpu.memory_space<vmem>>[vector<16xi32>], vector<16xf32>,
        %max3A_396 = arith.maximumf %max3A_393, %gather3A_395 : vector<16xf32>
        %gather3A_397 = tpu.memref_slice %arg6[%add3A_385] : memref<32768xf32, #tpu.memory_space<vmem>> -> memref<1936xf32, #tpu.memory_space<vmem>>
        %gather3A_398 = tpu.vector_load_idx %gather3A_397[%add3A_137] : memref<1936xf32, #tpu.memory_space<vmem>>[vector<16xi32>], vector<16xf32>,
        %max3A_399 = arith.maximumf %max3A_396, %gather3A_398 : vector<16xf32>
        %gather3A_400 = tpu.memref_slice %arg6[%add3A_385] : memref<32768xf32, #tpu.memory_space<vmem>> -> memref<1936xf32, #tpu.memory_space<vmem>>
        %gather3A_401 = tpu.vector_load_idx %gather3A_400[%add3A_147] : memref<1936xf32, #tpu.memory_space<vmem>>[vector<16xi32>], vector<16xf32>,
        %max3A_402 = arith.maximumf %max3A_399, %gather3A_401 : vector<16xf32>
        %gather3A_403 = tpu.memref_slice %arg6[%add3A_385] : memref<32768xf32, #tpu.memory_space<vmem>> -> memref<1936xf32, #tpu.memory_space<vmem>>
        %gather3A_404 = tpu.vector_load_idx %gather3A_403[%add3A_157] : memref<1936xf32, #tpu.memory_space<vmem>>[vector<16xi32>], vector<16xf32>,
        %max3A_405 = arith.maximumf %max3A_402, %gather3A_404 : vector<16xf32>
        %gather3A_406 = tpu.memref_slice %arg6[%add3A_385] : memref<32768xf32, #tpu.memory_space<vmem>> -> memref<1936xf32, #tpu.memory_space<vmem>>
        %gather3A_407 = tpu.vector_load_idx %gather3A_406[%add3A_167] : memref<1936xf32, #tpu.memory_space<vmem>>[vector<16xi32>], vector<16xf32>,
        %max3A_408 = arith.maximumf %max3A_405, %gather3A_407 : vector<16xf32>
        %gather3A_409 = tpu.memref_slice %arg6[%add3A_385] : memref<32768xf32, #tpu.memory_space<vmem>> -> memref<1936xf32, #tpu.memory_space<vmem>>
        %gather3A_410 = tpu.vector_load_idx %gather3A_409[%add3A_177] : memref<1936xf32, #tpu.memory_space<vmem>>[vector<16xi32>], vector<16xf32>,
        %max3A_411 = arith.maximumf %max3A_408, %gather3A_410 : vector<16xf32>
        %gather3A_412 = tpu.memref_slice %arg6[%add3A_385] : memref<32768xf32, #tpu.memory_space<vmem>> -> memref<1936xf32, #tpu.memory_space<vmem>>
        %gather3A_413 = tpu.vector_load_idx %gather3A_412[%add3A_187] : memref<1936xf32, #tpu.memory_space<vmem>>[vector<16xi32>], vector<16xf32>,
        %max3A_414 = arith.maximumf %max3A_411, %gather3A_413 : vector<16xf32>
        %gather3A_415 = tpu.memref_slice %arg6[%add3A_385] : memref<32768xf32, #tpu.memory_space<vmem>> -> memref<1936xf32, #tpu.memory_space<vmem>>
        %gather3A_416 = tpu.vector_load_idx %gather3A_415[%add3A_197] : memref<1936xf32, #tpu.memory_space<vmem>>[vector<16xi32>], vector<16xf32>,
        %max3A_417 = arith.maximumf %max3A_414, %gather3A_416 : vector<16xf32>
        %gather3A_418 = tpu.memref_slice %arg6[%add3A_385] : memref<32768xf32, #tpu.memory_space<vmem>> -> memref<1936xf32, #tpu.memory_space<vmem>>
        %gather3A_419 = tpu.vector_load_idx %gather3A_418[%add3A_207] : memref<1936xf32, #tpu.memory_space<vmem>>[vector<16xi32>], vector<16xf32>,
        %max3A_420 = arith.maximumf %max3A_417, %gather3A_419 : vector<16xf32>
        %gather3A_421 = tpu.memref_slice %arg6[%add3A_385] : memref<32768xf32, #tpu.memory_space<vmem>> -> memref<1936xf32, #tpu.memory_space<vmem>>
        %gather3A_422 = tpu.vector_load_idx %gather3A_421[%add3A_217] : memref<1936xf32, #tpu.memory_space<vmem>>[vector<16xi32>], vector<16xf32>,
        %max3A_423 = arith.maximumf %max3A_420, %gather3A_422 : vector<16xf32>
        %gather3A_424 = tpu.memref_slice %arg6[%add3A_385] : memref<32768xf32, #tpu.memory_space<vmem>> -> memref<1936xf32, #tpu.memory_space<vmem>>
        %gather3A_425 = tpu.vector_load_idx %gather3A_424[%add3A_227] : memref<1936xf32, #tpu.memory_space<vmem>>[vector<16xi32>], vector<16xf32>,
        %max3A_426 = arith.maximumf %max3A_423, %gather3A_425 : vector<16xf32>
        %gather3A_427 = tpu.memref_slice %arg6[%add3A_385] : memref<32768xf32, #tpu.memory_space<vmem>> -> memref<1936xf32, #tpu.memory_space<vmem>>
        %gather3A_428 = tpu.vector_load_idx %gather3A_427[%add3A_237] : memref<1936xf32, #tpu.memory_space<vmem>>[vector<16xi32>], vector<16xf32>,
        %max3A_429 = arith.maximumf %max3A_426, %gather3A_428 : vector<16xf32>
        %gather3A_430 = tpu.memref_slice %arg6[%add3A_385] : memref<32768xf32, #tpu.memory_space<vmem>> -> memref<1936xf32, #tpu.memory_space<vmem>>
        %gather3A_431 = tpu.vector_load_idx %gather3A_430[%add3A_247] : memref<1936xf32, #tpu.memory_space<vmem>>[vector<16xi32>], vector<16xf32>,
        %max3A_432 = arith.maximumf %max3A_429, %gather3A_431 : vector<16xf32>
        %gather3A_433 = tpu.memref_slice %arg6[%add3A_385] : memref<32768xf32, #tpu.memory_space<vmem>> -> memref<1936xf32, #tpu.memory_space<vmem>>
        %gather3A_434 = tpu.vector_load_idx %gather3A_433[%add3A_257] : memref<1936xf32, #tpu.memory_space<vmem>>[vector<16xi32>], vector<16xf32>,
        %max3A_435 = arith.maximumf %max3A_432, %gather3A_434 : vector<16xf32>
        %add3A_436 = arith.constant 32 : i32
        %add3A_437 = arith.addi %mul3A_333, %add3A_436 : i32
        %broadcast_in_dim3A_438 = arith.constant -1.000000e+00 : f32
        %broadcast_in_dim3A_439 = vector.broadcast %broadcast_in_dim3A_438 : f32 to vector<16xf32>
        %gather3A_440 = tpu.memref_slice %arg6[%add3A_437] : memref<32768xf32, #tpu.memory_space<vmem>> -> memref<1936xf32, #tpu.memory_space<vmem>>
        %gather3A_441 = tpu.vector_load_idx %gather3A_440[%add3A_107] : memref<1936xf32, #tpu.memory_space<vmem>>[vector<16xi32>], vector<16xf32>,
        %max3A_442 = arith.maximumf %broadcast_in_dim3A_439, %gather3A_441 : vector<16xf32>
        %gather3A_443 = tpu.memref_slice %arg6[%add3A_437] : memref<32768xf32, #tpu.memory_space<vmem>> -> memref<1936xf32, #tpu.memory_space<vmem>>
        %gather3A_444 = tpu.vector_load_idx %gather3A_443[%add3A_117] : memref<1936xf32, #tpu.memory_space<vmem>>[vector<16xi32>], vector<16xf32>,
        %max3A_445 = arith.maximumf %max3A_442, %gather3A_444 : vector<16xf32>
        %gather3A_446 = tpu.memref_slice %arg6[%add3A_437] : memref<32768xf32, #tpu.memory_space<vmem>> -> memref<1936xf32, #tpu.memory_space<vmem>>
        %gather3A_447 = tpu.vector_load_idx %gather3A_446[%add3A_127] : memref<1936xf32, #tpu.memory_space<vmem>>[vector<16xi32>], vector<16xf32>,
        %max3A_448 = arith.maximumf %max3A_445, %gather3A_447 : vector<16xf32>
        %gather3A_449 = tpu.memref_slice %arg6[%add3A_437] : memref<32768xf32, #tpu.memory_space<vmem>> -> memref<1936xf32, #tpu.memory_space<vmem>>
        %gather3A_450 = tpu.vector_load_idx %gather3A_449[%add3A_137] : memref<1936xf32, #tpu.memory_space<vmem>>[vector<16xi32>], vector<16xf32>,
        %max3A_451 = arith.maximumf %max3A_448, %gather3A_450 : vector<16xf32>
        %gather3A_452 = tpu.memref_slice %arg6[%add3A_437] : memref<32768xf32, #tpu.memory_space<vmem>> -> memref<1936xf32, #tpu.memory_space<vmem>>
        %gather3A_453 = tpu.vector_load_idx %gather3A_452[%add3A_147] : memref<1936xf32, #tpu.memory_space<vmem>>[vector<16xi32>], vector<16xf32>,
        %max3A_454 = arith.maximumf %max3A_451, %gather3A_453 : vector<16xf32>
        %gather3A_455 = tpu.memref_slice %arg6[%add3A_437] : memref<32768xf32, #tpu.memory_space<vmem>> -> memref<1936xf32, #tpu.memory_space<vmem>>
        %gather3A_456 = tpu.vector_load_idx %gather3A_455[%add3A_157] : memref<1936xf32, #tpu.memory_space<vmem>>[vector<16xi32>], vector<16xf32>,
        %max3A_457 = arith.maximumf %max3A_454, %gather3A_456 : vector<16xf32>
        %gather3A_458 = tpu.memref_slice %arg6[%add3A_437] : memref<32768xf32, #tpu.memory_space<vmem>> -> memref<1936xf32, #tpu.memory_space<vmem>>
        %gather3A_459 = tpu.vector_load_idx %gather3A_458[%add3A_167] : memref<1936xf32, #tpu.memory_space<vmem>>[vector<16xi32>], vector<16xf32>,
        %max3A_460 = arith.maximumf %max3A_457, %gather3A_459 : vector<16xf32>
        %gather3A_461 = tpu.memref_slice %arg6[%add3A_437] : memref<32768xf32, #tpu.memory_space<vmem>> -> memref<1936xf32, #tpu.memory_space<vmem>>
        %gather3A_462 = tpu.vector_load_idx %gather3A_461[%add3A_177] : memref<1936xf32, #tpu.memory_space<vmem>>[vector<16xi32>], vector<16xf32>,
        %max3A_463 = arith.maximumf %max3A_460, %gather3A_462 : vector<16xf32>
        %gather3A_464 = tpu.memref_slice %arg6[%add3A_437] : memref<32768xf32, #tpu.memory_space<vmem>> -> memref<1936xf32, #tpu.memory_space<vmem>>
        %gather3A_465 = tpu.vector_load_idx %gather3A_464[%add3A_187] : memref<1936xf32, #tpu.memory_space<vmem>>[vector<16xi32>], vector<16xf32>,
        %max3A_466 = arith.maximumf %max3A_463, %gather3A_465 : vector<16xf32>
        %gather3A_467 = tpu.memref_slice %arg6[%add3A_437] : memref<32768xf32, #tpu.memory_space<vmem>> -> memref<1936xf32, #tpu.memory_space<vmem>>
        %gather3A_468 = tpu.vector_load_idx %gather3A_467[%add3A_197] : memref<1936xf32, #tpu.memory_space<vmem>>[vector<16xi32>], vector<16xf32>,
        %max3A_469 = arith.maximumf %max3A_466, %gather3A_468 : vector<16xf32>
        %gather3A_470 = tpu.memref_slice %arg6[%add3A_437] : memref<32768xf32, #tpu.memory_space<vmem>> -> memref<1936xf32, #tpu.memory_space<vmem>>
        %gather3A_471 = tpu.vector_load_idx %gather3A_470[%add3A_207] : memref<1936xf32, #tpu.memory_space<vmem>>[vector<16xi32>], vector<16xf32>,
        %max3A_472 = arith.maximumf %max3A_469, %gather3A_471 : vector<16xf32>
        %gather3A_473 = tpu.memref_slice %arg6[%add3A_437] : memref<32768xf32, #tpu.memory_space<vmem>> -> memref<1936xf32, #tpu.memory_space<vmem>>
        %gather3A_474 = tpu.vector_load_idx %gather3A_473[%add3A_217] : memref<1936xf32, #tpu.memory_space<vmem>>[vector<16xi32>], vector<16xf32>,
        %max3A_475 = arith.maximumf %max3A_472, %gather3A_474 : vector<16xf32>
        %gather3A_476 = tpu.memref_slice %arg6[%add3A_437] : memref<32768xf32, #tpu.memory_space<vmem>> -> memref<1936xf32, #tpu.memory_space<vmem>>
        %gather3A_477 = tpu.vector_load_idx %gather3A_476[%add3A_227] : memref<1936xf32, #tpu.memory_space<vmem>>[vector<16xi32>], vector<16xf32>,
        %max3A_478 = arith.maximumf %max3A_475, %gather3A_477 : vector<16xf32>
        %gather3A_479 = tpu.memref_slice %arg6[%add3A_437] : memref<32768xf32, #tpu.memory_space<vmem>> -> memref<1936xf32, #tpu.memory_space<vmem>>
        %gather3A_480 = tpu.vector_load_idx %gather3A_479[%add3A_237] : memref<1936xf32, #tpu.memory_space<vmem>>[vector<16xi32>], vector<16xf32>,
        %max3A_481 = arith.maximumf %max3A_478, %gather3A_480 : vector<16xf32>
        %gather3A_482 = tpu.memref_slice %arg6[%add3A_437] : memref<32768xf32, #tpu.memory_space<vmem>> -> memref<1936xf32, #tpu.memory_space<vmem>>
        %gather3A_483 = tpu.vector_load_idx %gather3A_482[%add3A_247] : memref<1936xf32, #tpu.memory_space<vmem>>[vector<16xi32>], vector<16xf32>,
        %max3A_484 = arith.maximumf %max3A_481, %gather3A_483 : vector<16xf32>
        %gather3A_485 = tpu.memref_slice %arg6[%add3A_437] : memref<32768xf32, #tpu.memory_space<vmem>> -> memref<1936xf32, #tpu.memory_space<vmem>>
        %gather3A_486 = tpu.vector_load_idx %gather3A_485[%add3A_257] : memref<1936xf32, #tpu.memory_space<vmem>>[vector<16xi32>], vector<16xf32>,
        %max3A_487 = arith.maximumf %max3A_484, %gather3A_486 : vector<16xf32>
        %add3A_488 = arith.constant 48 : i32
        %add3A_489 = arith.addi %mul3A_333, %add3A_488 : i32
        %broadcast_in_dim3A_490 = arith.constant -1.000000e+00 : f32
        %broadcast_in_dim3A_491 = vector.broadcast %broadcast_in_dim3A_490 : f32 to vector<16xf32>
        %gather3A_492 = tpu.memref_slice %arg6[%add3A_489] : memref<32768xf32, #tpu.memory_space<vmem>> -> memref<1936xf32, #tpu.memory_space<vmem>>
        %gather3A_493 = tpu.vector_load_idx %gather3A_492[%add3A_107] : memref<1936xf32, #tpu.memory_space<vmem>>[vector<16xi32>], vector<16xf32>,
        %max3A_494 = arith.maximumf %broadcast_in_dim3A_491, %gather3A_493 : vector<16xf32>
        %gather3A_495 = tpu.memref_slice %arg6[%add3A_489] : memref<32768xf32, #tpu.memory_space<vmem>> -> memref<1936xf32, #tpu.memory_space<vmem>>
        %gather3A_496 = tpu.vector_load_idx %gather3A_495[%add3A_117] : memref<1936xf32, #tpu.memory_space<vmem>>[vector<16xi32>], vector<16xf32>,
        %max3A_497 = arith.maximumf %max3A_494, %gather3A_496 : vector<16xf32>
        %gather3A_498 = tpu.memref_slice %arg6[%add3A_489] : memref<32768xf32, #tpu.memory_space<vmem>> -> memref<1936xf32, #tpu.memory_space<vmem>>
        %gather3A_499 = tpu.vector_load_idx %gather3A_498[%add3A_127] : memref<1936xf32, #tpu.memory_space<vmem>>[vector<16xi32>], vector<16xf32>,
        %max3A_500 = arith.maximumf %max3A_497, %gather3A_499 : vector<16xf32>
        %gather3A_501 = tpu.memref_slice %arg6[%add3A_489] : memref<32768xf32, #tpu.memory_space<vmem>> -> memref<1936xf32, #tpu.memory_space<vmem>>
        %gather3A_502 = tpu.vector_load_idx %gather3A_501[%add3A_137] : memref<1936xf32, #tpu.memory_space<vmem>>[vector<16xi32>], vector<16xf32>,
        %max3A_503 = arith.maximumf %max3A_500, %gather3A_502 : vector<16xf32>
        %gather3A_504 = tpu.memref_slice %arg6[%add3A_489] : memref<32768xf32, #tpu.memory_space<vmem>> -> memref<1936xf32, #tpu.memory_space<vmem>>
        %gather3A_505 = tpu.vector_load_idx %gather3A_504[%add3A_147] : memref<1936xf32, #tpu.memory_space<vmem>>[vector<16xi32>], vector<16xf32>,
        %max3A_506 = arith.maximumf %max3A_503, %gather3A_505 : vector<16xf32>
        %gather3A_507 = tpu.memref_slice %arg6[%add3A_489] : memref<32768xf32, #tpu.memory_space<vmem>> -> memref<1936xf32, #tpu.memory_space<vmem>>
        %gather3A_508 = tpu.vector_load_idx %gather3A_507[%add3A_157] : memref<1936xf32, #tpu.memory_space<vmem>>[vector<16xi32>], vector<16xf32>,
        %max3A_509 = arith.maximumf %max3A_506, %gather3A_508 : vector<16xf32>
        %gather3A_510 = tpu.memref_slice %arg6[%add3A_489] : memref<32768xf32, #tpu.memory_space<vmem>> -> memref<1936xf32, #tpu.memory_space<vmem>>
        %gather3A_511 = tpu.vector_load_idx %gather3A_510[%add3A_167] : memref<1936xf32, #tpu.memory_space<vmem>>[vector<16xi32>], vector<16xf32>,
        %max3A_512 = arith.maximumf %max3A_509, %gather3A_511 : vector<16xf32>
        %gather3A_513 = tpu.memref_slice %arg6[%add3A_489] : memref<32768xf32, #tpu.memory_space<vmem>> -> memref<1936xf32, #tpu.memory_space<vmem>>
        %gather3A_514 = tpu.vector_load_idx %gather3A_513[%add3A_177] : memref<1936xf32, #tpu.memory_space<vmem>>[vector<16xi32>], vector<16xf32>,
        %max3A_515 = arith.maximumf %max3A_512, %gather3A_514 : vector<16xf32>
        %gather3A_516 = tpu.memref_slice %arg6[%add3A_489] : memref<32768xf32, #tpu.memory_space<vmem>> -> memref<1936xf32, #tpu.memory_space<vmem>>
        %gather3A_517 = tpu.vector_load_idx %gather3A_516[%add3A_187] : memref<1936xf32, #tpu.memory_space<vmem>>[vector<16xi32>], vector<16xf32>,
        %max3A_518 = arith.maximumf %max3A_515, %gather3A_517 : vector<16xf32>
        %gather3A_519 = tpu.memref_slice %arg6[%add3A_489] : memref<32768xf32, #tpu.memory_space<vmem>> -> memref<1936xf32, #tpu.memory_space<vmem>>
        %gather3A_520 = tpu.vector_load_idx %gather3A_519[%add3A_197] : memref<1936xf32, #tpu.memory_space<vmem>>[vector<16xi32>], vector<16xf32>,
        %max3A_521 = arith.maximumf %max3A_518, %gather3A_520 : vector<16xf32>
        %gather3A_522 = tpu.memref_slice %arg6[%add3A_489] : memref<32768xf32, #tpu.memory_space<vmem>> -> memref<1936xf32, #tpu.memory_space<vmem>>
        %gather3A_523 = tpu.vector_load_idx %gather3A_522[%add3A_207] : memref<1936xf32, #tpu.memory_space<vmem>>[vector<16xi32>], vector<16xf32>,
        %max3A_524 = arith.maximumf %max3A_521, %gather3A_523 : vector<16xf32>
        %gather3A_525 = tpu.memref_slice %arg6[%add3A_489] : memref<32768xf32, #tpu.memory_space<vmem>> -> memref<1936xf32, #tpu.memory_space<vmem>>
        %gather3A_526 = tpu.vector_load_idx %gather3A_525[%add3A_217] : memref<1936xf32, #tpu.memory_space<vmem>>[vector<16xi32>], vector<16xf32>,
        %max3A_527 = arith.maximumf %max3A_524, %gather3A_526 : vector<16xf32>
        %gather3A_528 = tpu.memref_slice %arg6[%add3A_489] : memref<32768xf32, #tpu.memory_space<vmem>> -> memref<1936xf32, #tpu.memory_space<vmem>>
        %gather3A_529 = tpu.vector_load_idx %gather3A_528[%add3A_227] : memref<1936xf32, #tpu.memory_space<vmem>>[vector<16xi32>], vector<16xf32>,
        %max3A_530 = arith.maximumf %max3A_527, %gather3A_529 : vector<16xf32>
        %gather3A_531 = tpu.memref_slice %arg6[%add3A_489] : memref<32768xf32, #tpu.memory_space<vmem>> -> memref<1936xf32, #tpu.memory_space<vmem>>
        %gather3A_532 = tpu.vector_load_idx %gather3A_531[%add3A_237] : memref<1936xf32, #tpu.memory_space<vmem>>[vector<16xi32>], vector<16xf32>,
        %max3A_533 = arith.maximumf %max3A_530, %gather3A_532 : vector<16xf32>
        %gather3A_534 = tpu.memref_slice %arg6[%add3A_489] : memref<32768xf32, #tpu.memory_space<vmem>> -> memref<1936xf32, #tpu.memory_space<vmem>>
        %gather3A_535 = tpu.vector_load_idx %gather3A_534[%add3A_247] : memref<1936xf32, #tpu.memory_space<vmem>>[vector<16xi32>], vector<16xf32>,
        %max3A_536 = arith.maximumf %max3A_533, %gather3A_535 : vector<16xf32>
        %gather3A_537 = tpu.memref_slice %arg6[%add3A_489] : memref<32768xf32, #tpu.memory_space<vmem>> -> memref<1936xf32, #tpu.memory_space<vmem>>
        %gather3A_538 = tpu.vector_load_idx %gather3A_537[%add3A_257] : memref<1936xf32, #tpu.memory_space<vmem>>[vector<16xi32>], vector<16xf32>,
        %max3A_539 = arith.maximumf %max3A_536, %gather3A_538 : vector<16xf32>
        %add3A_540 = arith.constant 64 : i32
        %add3A_541 = arith.addi %mul3A_333, %add3A_540 : i32
        %broadcast_in_dim3A_542 = arith.constant -1.000000e+00 : f32
        %broadcast_in_dim3A_543 = vector.broadcast %broadcast_in_dim3A_542 : f32 to vector<16xf32>
        %gather3A_544 = tpu.memref_slice %arg6[%add3A_541] : memref<32768xf32, #tpu.memory_space<vmem>> -> memref<1936xf32, #tpu.memory_space<vmem>>
        %gather3A_545 = tpu.vector_load_idx %gather3A_544[%add3A_107] : memref<1936xf32, #tpu.memory_space<vmem>>[vector<16xi32>], vector<16xf32>,
        %max3A_546 = arith.maximumf %broadcast_in_dim3A_543, %gather3A_545 : vector<16xf32>
        %gather3A_547 = tpu.memref_slice %arg6[%add3A_541] : memref<32768xf32, #tpu.memory_space<vmem>> -> memref<1936xf32, #tpu.memory_space<vmem>>
        %gather3A_548 = tpu.vector_load_idx %gather3A_547[%add3A_117] : memref<1936xf32, #tpu.memory_space<vmem>>[vector<16xi32>], vector<16xf32>,
        %max3A_549 = arith.maximumf %max3A_546, %gather3A_548 : vector<16xf32>
        %gather3A_550 = tpu.memref_slice %arg6[%add3A_541] : memref<32768xf32, #tpu.memory_space<vmem>> -> memref<1936xf32, #tpu.memory_space<vmem>>
        %gather3A_551 = tpu.vector_load_idx %gather3A_550[%add3A_127] : memref<1936xf32, #tpu.memory_space<vmem>>[vector<16xi32>], vector<16xf32>,
        %max3A_552 = arith.maximumf %max3A_549, %gather3A_551 : vector<16xf32>
        %gather3A_553 = tpu.memref_slice %arg6[%add3A_541] : memref<32768xf32, #tpu.memory_space<vmem>> -> memref<1936xf32, #tpu.memory_space<vmem>>
        %gather3A_554 = tpu.vector_load_idx %gather3A_553[%add3A_137] : memref<1936xf32, #tpu.memory_space<vmem>>[vector<16xi32>], vector<16xf32>,
        %max3A_555 = arith.maximumf %max3A_552, %gather3A_554 : vector<16xf32>
        %gather3A_556 = tpu.memref_slice %arg6[%add3A_541] : memref<32768xf32, #tpu.memory_space<vmem>> -> memref<1936xf32, #tpu.memory_space<vmem>>
        %gather3A_557 = tpu.vector_load_idx %gather3A_556[%add3A_147] : memref<1936xf32, #tpu.memory_space<vmem>>[vector<16xi32>], vector<16xf32>,
        %max3A_558 = arith.maximumf %max3A_555, %gather3A_557 : vector<16xf32>
        %gather3A_559 = tpu.memref_slice %arg6[%add3A_541] : memref<32768xf32, #tpu.memory_space<vmem>> -> memref<1936xf32, #tpu.memory_space<vmem>>
        %gather3A_560 = tpu.vector_load_idx %gather3A_559[%add3A_157] : memref<1936xf32, #tpu.memory_space<vmem>>[vector<16xi32>], vector<16xf32>,
        %max3A_561 = arith.maximumf %max3A_558, %gather3A_560 : vector<16xf32>
        %gather3A_562 = tpu.memref_slice %arg6[%add3A_541] : memref<32768xf32, #tpu.memory_space<vmem>> -> memref<1936xf32, #tpu.memory_space<vmem>>
        %gather3A_563 = tpu.vector_load_idx %gather3A_562[%add3A_167] : memref<1936xf32, #tpu.memory_space<vmem>>[vector<16xi32>], vector<16xf32>,
        %max3A_564 = arith.maximumf %max3A_561, %gather3A_563 : vector<16xf32>
        %gather3A_565 = tpu.memref_slice %arg6[%add3A_541] : memref<32768xf32, #tpu.memory_space<vmem>> -> memref<1936xf32, #tpu.memory_space<vmem>>
        %gather3A_566 = tpu.vector_load_idx %gather3A_565[%add3A_177] : memref<1936xf32, #tpu.memory_space<vmem>>[vector<16xi32>], vector<16xf32>,
        %max3A_567 = arith.maximumf %max3A_564, %gather3A_566 : vector<16xf32>
        %gather3A_568 = tpu.memref_slice %arg6[%add3A_541] : memref<32768xf32, #tpu.memory_space<vmem>> -> memref<1936xf32, #tpu.memory_space<vmem>>
        %gather3A_569 = tpu.vector_load_idx %gather3A_568[%add3A_187] : memref<1936xf32, #tpu.memory_space<vmem>>[vector<16xi32>], vector<16xf32>,
        %max3A_570 = arith.maximumf %max3A_567, %gather3A_569 : vector<16xf32>
        %gather3A_571 = tpu.memref_slice %arg6[%add3A_541] : memref<32768xf32, #tpu.memory_space<vmem>> -> memref<1936xf32, #tpu.memory_space<vmem>>
        %gather3A_572 = tpu.vector_load_idx %gather3A_571[%add3A_197] : memref<1936xf32, #tpu.memory_space<vmem>>[vector<16xi32>], vector<16xf32>,
        %max3A_573 = arith.maximumf %max3A_570, %gather3A_572 : vector<16xf32>
        %gather3A_574 = tpu.memref_slice %arg6[%add3A_541] : memref<32768xf32, #tpu.memory_space<vmem>> -> memref<1936xf32, #tpu.memory_space<vmem>>
        %gather3A_575 = tpu.vector_load_idx %gather3A_574[%add3A_207] : memref<1936xf32, #tpu.memory_space<vmem>>[vector<16xi32>], vector<16xf32>,
        %max3A_576 = arith.maximumf %max3A_573, %gather3A_575 : vector<16xf32>
        %gather3A_577 = tpu.memref_slice %arg6[%add3A_541] : memref<32768xf32, #tpu.memory_space<vmem>> -> memref<1936xf32, #tpu.memory_space<vmem>>
        %gather3A_578 = tpu.vector_load_idx %gather3A_577[%add3A_217] : memref<1936xf32, #tpu.memory_space<vmem>>[vector<16xi32>], vector<16xf32>,
        %max3A_579 = arith.maximumf %max3A_576, %gather3A_578 : vector<16xf32>
        %gather3A_580 = tpu.memref_slice %arg6[%add3A_541] : memref<32768xf32, #tpu.memory_space<vmem>> -> memref<1936xf32, #tpu.memory_space<vmem>>
        %gather3A_581 = tpu.vector_load_idx %gather3A_580[%add3A_227] : memref<1936xf32, #tpu.memory_space<vmem>>[vector<16xi32>], vector<16xf32>,
        %max3A_582 = arith.maximumf %max3A_579, %gather3A_581 : vector<16xf32>
        %gather3A_583 = tpu.memref_slice %arg6[%add3A_541] : memref<32768xf32, #tpu.memory_space<vmem>> -> memref<1936xf32, #tpu.memory_space<vmem>>
        %gather3A_584 = tpu.vector_load_idx %gather3A_583[%add3A_237] : memref<1936xf32, #tpu.memory_space<vmem>>[vector<16xi32>], vector<16xf32>,
        %max3A_585 = arith.maximumf %max3A_582, %gather3A_584 : vector<16xf32>
        %gather3A_586 = tpu.memref_slice %arg6[%add3A_541] : memref<32768xf32, #tpu.memory_space<vmem>> -> memref<1936xf32, #tpu.memory_space<vmem>>
        %gather3A_587 = tpu.vector_load_idx %gather3A_586[%add3A_247] : memref<1936xf32, #tpu.memory_space<vmem>>[vector<16xi32>], vector<16xf32>,
        %max3A_588 = arith.maximumf %max3A_585, %gather3A_587 : vector<16xf32>
        %gather3A_589 = tpu.memref_slice %arg6[%add3A_541] : memref<32768xf32, #tpu.memory_space<vmem>> -> memref<1936xf32, #tpu.memory_space<vmem>>
        %gather3A_590 = tpu.vector_load_idx %gather3A_589[%add3A_257] : memref<1936xf32, #tpu.memory_space<vmem>>[vector<16xi32>], vector<16xf32>,
        %max3A_591 = arith.maximumf %max3A_588, %gather3A_590 : vector<16xf32>
        %add3A_592 = arith.constant 80 : i32
        %add3A_593 = arith.addi %mul3A_333, %add3A_592 : i32
        %broadcast_in_dim3A_594 = arith.constant -1.000000e+00 : f32
        %broadcast_in_dim3A_595 = vector.broadcast %broadcast_in_dim3A_594 : f32 to vector<16xf32>
        %gather3A_596 = tpu.memref_slice %arg6[%add3A_593] : memref<32768xf32, #tpu.memory_space<vmem>> -> memref<1936xf32, #tpu.memory_space<vmem>>
        %gather3A_597 = tpu.vector_load_idx %gather3A_596[%add3A_107] : memref<1936xf32, #tpu.memory_space<vmem>>[vector<16xi32>], vector<16xf32>,
        %max3A_598 = arith.maximumf %broadcast_in_dim3A_595, %gather3A_597 : vector<16xf32>
        %gather3A_599 = tpu.memref_slice %arg6[%add3A_593] : memref<32768xf32, #tpu.memory_space<vmem>> -> memref<1936xf32, #tpu.memory_space<vmem>>
        %gather3A_600 = tpu.vector_load_idx %gather3A_599[%add3A_117] : memref<1936xf32, #tpu.memory_space<vmem>>[vector<16xi32>], vector<16xf32>,
        %max3A_601 = arith.maximumf %max3A_598, %gather3A_600 : vector<16xf32>
        %gather3A_602 = tpu.memref_slice %arg6[%add3A_593] : memref<32768xf32, #tpu.memory_space<vmem>> -> memref<1936xf32, #tpu.memory_space<vmem>>
        %gather3A_603 = tpu.vector_load_idx %gather3A_602[%add3A_127] : memref<1936xf32, #tpu.memory_space<vmem>>[vector<16xi32>], vector<16xf32>,
        %max3A_604 = arith.maximumf %max3A_601, %gather3A_603 : vector<16xf32>
        %gather3A_605 = tpu.memref_slice %arg6[%add3A_593] : memref<32768xf32, #tpu.memory_space<vmem>> -> memref<1936xf32, #tpu.memory_space<vmem>>
        %gather3A_606 = tpu.vector_load_idx %gather3A_605[%add3A_137] : memref<1936xf32, #tpu.memory_space<vmem>>[vector<16xi32>], vector<16xf32>,
        %max3A_607 = arith.maximumf %max3A_604, %gather3A_606 : vector<16xf32>
        %gather3A_608 = tpu.memref_slice %arg6[%add3A_593] : memref<32768xf32, #tpu.memory_space<vmem>> -> memref<1936xf32, #tpu.memory_space<vmem>>
        %gather3A_609 = tpu.vector_load_idx %gather3A_608[%add3A_147] : memref<1936xf32, #tpu.memory_space<vmem>>[vector<16xi32>], vector<16xf32>,
        %max3A_610 = arith.maximumf %max3A_607, %gather3A_609 : vector<16xf32>
        %gather3A_611 = tpu.memref_slice %arg6[%add3A_593] : memref<32768xf32, #tpu.memory_space<vmem>> -> memref<1936xf32, #tpu.memory_space<vmem>>
        %gather3A_612 = tpu.vector_load_idx %gather3A_611[%add3A_157] : memref<1936xf32, #tpu.memory_space<vmem>>[vector<16xi32>], vector<16xf32>,
        %max3A_613 = arith.maximumf %max3A_610, %gather3A_612 : vector<16xf32>
        %gather3A_614 = tpu.memref_slice %arg6[%add3A_593] : memref<32768xf32, #tpu.memory_space<vmem>> -> memref<1936xf32, #tpu.memory_space<vmem>>
        %gather3A_615 = tpu.vector_load_idx %gather3A_614[%add3A_167] : memref<1936xf32, #tpu.memory_space<vmem>>[vector<16xi32>], vector<16xf32>,
        %max3A_616 = arith.maximumf %max3A_613, %gather3A_615 : vector<16xf32>
        %gather3A_617 = tpu.memref_slice %arg6[%add3A_593] : memref<32768xf32, #tpu.memory_space<vmem>> -> memref<1936xf32, #tpu.memory_space<vmem>>
        %gather3A_618 = tpu.vector_load_idx %gather3A_617[%add3A_177] : memref<1936xf32, #tpu.memory_space<vmem>>[vector<16xi32>], vector<16xf32>,
        %max3A_619 = arith.maximumf %max3A_616, %gather3A_618 : vector<16xf32>
        %gather3A_620 = tpu.memref_slice %arg6[%add3A_593] : memref<32768xf32, #tpu.memory_space<vmem>> -> memref<1936xf32, #tpu.memory_space<vmem>>
        %gather3A_621 = tpu.vector_load_idx %gather3A_620[%add3A_187] : memref<1936xf32, #tpu.memory_space<vmem>>[vector<16xi32>], vector<16xf32>,
        %max3A_622 = arith.maximumf %max3A_619, %gather3A_621 : vector<16xf32>
        %gather3A_623 = tpu.memref_slice %arg6[%add3A_593] : memref<32768xf32, #tpu.memory_space<vmem>> -> memref<1936xf32, #tpu.memory_space<vmem>>
        %gather3A_624 = tpu.vector_load_idx %gather3A_623[%add3A_197] : memref<1936xf32, #tpu.memory_space<vmem>>[vector<16xi32>], vector<16xf32>,
        %max3A_625 = arith.maximumf %max3A_622, %gather3A_624 : vector<16xf32>
        %gather3A_626 = tpu.memref_slice %arg6[%add3A_593] : memref<32768xf32, #tpu.memory_space<vmem>> -> memref<1936xf32, #tpu.memory_space<vmem>>
        %gather3A_627 = tpu.vector_load_idx %gather3A_626[%add3A_207] : memref<1936xf32, #tpu.memory_space<vmem>>[vector<16xi32>], vector<16xf32>,
        %max3A_628 = arith.maximumf %max3A_625, %gather3A_627 : vector<16xf32>
        %gather3A_629 = tpu.memref_slice %arg6[%add3A_593] : memref<32768xf32, #tpu.memory_space<vmem>> -> memref<1936xf32, #tpu.memory_space<vmem>>
        %gather3A_630 = tpu.vector_load_idx %gather3A_629[%add3A_217] : memref<1936xf32, #tpu.memory_space<vmem>>[vector<16xi32>], vector<16xf32>,
        %max3A_631 = arith.maximumf %max3A_628, %gather3A_630 : vector<16xf32>
        %gather3A_632 = tpu.memref_slice %arg6[%add3A_593] : memref<32768xf32, #tpu.memory_space<vmem>> -> memref<1936xf32, #tpu.memory_space<vmem>>
        %gather3A_633 = tpu.vector_load_idx %gather3A_632[%add3A_227] : memref<1936xf32, #tpu.memory_space<vmem>>[vector<16xi32>], vector<16xf32>,
        %max3A_634 = arith.maximumf %max3A_631, %gather3A_633 : vector<16xf32>
        %gather3A_635 = tpu.memref_slice %arg6[%add3A_593] : memref<32768xf32, #tpu.memory_space<vmem>> -> memref<1936xf32, #tpu.memory_space<vmem>>
        %gather3A_636 = tpu.vector_load_idx %gather3A_635[%add3A_237] : memref<1936xf32, #tpu.memory_space<vmem>>[vector<16xi32>], vector<16xf32>,
        %max3A_637 = arith.maximumf %max3A_634, %gather3A_636 : vector<16xf32>
        %gather3A_638 = tpu.memref_slice %arg6[%add3A_593] : memref<32768xf32, #tpu.memory_space<vmem>> -> memref<1936xf32, #tpu.memory_space<vmem>>
        %gather3A_639 = tpu.vector_load_idx %gather3A_638[%add3A_247] : memref<1936xf32, #tpu.memory_space<vmem>>[vector<16xi32>], vector<16xf32>,
        %max3A_640 = arith.maximumf %max3A_637, %gather3A_639 : vector<16xf32>
        %gather3A_641 = tpu.memref_slice %arg6[%add3A_593] : memref<32768xf32, #tpu.memory_space<vmem>> -> memref<1936xf32, #tpu.memory_space<vmem>>
        %gather3A_642 = tpu.vector_load_idx %gather3A_641[%add3A_257] : memref<1936xf32, #tpu.memory_space<vmem>>[vector<16xi32>], vector<16xf32>,
        %max3A_643 = arith.maximumf %max3A_640, %gather3A_642 : vector<16xf32>
        %add3A_644 = arith.constant 96 : i32
        %add3A_645 = arith.addi %mul3A_333, %add3A_644 : i32
        %broadcast_in_dim3A_646 = arith.constant -1.000000e+00 : f32
        %broadcast_in_dim3A_647 = vector.broadcast %broadcast_in_dim3A_646 : f32 to vector<16xf32>
        %gather3A_648 = tpu.memref_slice %arg6[%add3A_645] : memref<32768xf32, #tpu.memory_space<vmem>> -> memref<1936xf32, #tpu.memory_space<vmem>>
        %gather3A_649 = tpu.vector_load_idx %gather3A_648[%add3A_107] : memref<1936xf32, #tpu.memory_space<vmem>>[vector<16xi32>], vector<16xf32>,
        %max3A_650 = arith.maximumf %broadcast_in_dim3A_647, %gather3A_649 : vector<16xf32>
        %gather3A_651 = tpu.memref_slice %arg6[%add3A_645] : memref<32768xf32, #tpu.memory_space<vmem>> -> memref<1936xf32, #tpu.memory_space<vmem>>
        %gather3A_652 = tpu.vector_load_idx %gather3A_651[%add3A_117] : memref<1936xf32, #tpu.memory_space<vmem>>[vector<16xi32>], vector<16xf32>,
        %max3A_653 = arith.maximumf %max3A_650, %gather3A_652 : vector<16xf32>
        %gather3A_654 = tpu.memref_slice %arg6[%add3A_645] : memref<32768xf32, #tpu.memory_space<vmem>> -> memref<1936xf32, #tpu.memory_space<vmem>>
        %gather3A_655 = tpu.vector_load_idx %gather3A_654[%add3A_127] : memref<1936xf32, #tpu.memory_space<vmem>>[vector<16xi32>], vector<16xf32>,
        %max3A_656 = arith.maximumf %max3A_653, %gather3A_655 : vector<16xf32>
        %gather3A_657 = tpu.memref_slice %arg6[%add3A_645] : memref<32768xf32, #tpu.memory_space<vmem>> -> memref<1936xf32, #tpu.memory_space<vmem>>
        %gather3A_658 = tpu.vector_load_idx %gather3A_657[%add3A_137] : memref<1936xf32, #tpu.memory_space<vmem>>[vector<16xi32>], vector<16xf32>,
        %max3A_659 = arith.maximumf %max3A_656, %gather3A_658 : vector<16xf32>
        %gather3A_660 = tpu.memref_slice %arg6[%add3A_645] : memref<32768xf32, #tpu.memory_space<vmem>> -> memref<1936xf32, #tpu.memory_space<vmem>>
        %gather3A_661 = tpu.vector_load_idx %gather3A_660[%add3A_147] : memref<1936xf32, #tpu.memory_space<vmem>>[vector<16xi32>], vector<16xf32>,
        %max3A_662 = arith.maximumf %max3A_659, %gather3A_661 : vector<16xf32>
        %gather3A_663 = tpu.memref_slice %arg6[%add3A_645] : memref<32768xf32, #tpu.memory_space<vmem>> -> memref<1936xf32, #tpu.memory_space<vmem>>
        %gather3A_664 = tpu.vector_load_idx %gather3A_663[%add3A_157] : memref<1936xf32, #tpu.memory_space<vmem>>[vector<16xi32>], vector<16xf32>,
        %max3A_665 = arith.maximumf %max3A_662, %gather3A_664 : vector<16xf32>
        %gather3A_666 = tpu.memref_slice %arg6[%add3A_645] : memref<32768xf32, #tpu.memory_space<vmem>> -> memref<1936xf32, #tpu.memory_space<vmem>>
        %gather3A_667 = tpu.vector_load_idx %gather3A_666[%add3A_167] : memref<1936xf32, #tpu.memory_space<vmem>>[vector<16xi32>], vector<16xf32>,
        %max3A_668 = arith.maximumf %max3A_665, %gather3A_667 : vector<16xf32>
        %gather3A_669 = tpu.memref_slice %arg6[%add3A_645] : memref<32768xf32, #tpu.memory_space<vmem>> -> memref<1936xf32, #tpu.memory_space<vmem>>
        %gather3A_670 = tpu.vector_load_idx %gather3A_669[%add3A_177] : memref<1936xf32, #tpu.memory_space<vmem>>[vector<16xi32>], vector<16xf32>,
        %max3A_671 = arith.maximumf %max3A_668, %gather3A_670 : vector<16xf32>
        %gather3A_672 = tpu.memref_slice %arg6[%add3A_645] : memref<32768xf32, #tpu.memory_space<vmem>> -> memref<1936xf32, #tpu.memory_space<vmem>>
        %gather3A_673 = tpu.vector_load_idx %gather3A_672[%add3A_187] : memref<1936xf32, #tpu.memory_space<vmem>>[vector<16xi32>], vector<16xf32>,
        %max3A_674 = arith.maximumf %max3A_671, %gather3A_673 : vector<16xf32>
        %gather3A_675 = tpu.memref_slice %arg6[%add3A_645] : memref<32768xf32, #tpu.memory_space<vmem>> -> memref<1936xf32, #tpu.memory_space<vmem>>
        %gather3A_676 = tpu.vector_load_idx %gather3A_675[%add3A_197] : memref<1936xf32, #tpu.memory_space<vmem>>[vector<16xi32>], vector<16xf32>,
        %max3A_677 = arith.maximumf %max3A_674, %gather3A_676 : vector<16xf32>
        %gather3A_678 = tpu.memref_slice %arg6[%add3A_645] : memref<32768xf32, #tpu.memory_space<vmem>> -> memref<1936xf32, #tpu.memory_space<vmem>>
        %gather3A_679 = tpu.vector_load_idx %gather3A_678[%add3A_207] : memref<1936xf32, #tpu.memory_space<vmem>>[vector<16xi32>], vector<16xf32>,
        %max3A_680 = arith.maximumf %max3A_677, %gather3A_679 : vector<16xf32>
        %gather3A_681 = tpu.memref_slice %arg6[%add3A_645] : memref<32768xf32, #tpu.memory_space<vmem>> -> memref<1936xf32, #tpu.memory_space<vmem>>
        %gather3A_682 = tpu.vector_load_idx %gather3A_681[%add3A_217] : memref<1936xf32, #tpu.memory_space<vmem>>[vector<16xi32>], vector<16xf32>,
        %max3A_683 = arith.maximumf %max3A_680, %gather3A_682 : vector<16xf32>
        %gather3A_684 = tpu.memref_slice %arg6[%add3A_645] : memref<32768xf32, #tpu.memory_space<vmem>> -> memref<1936xf32, #tpu.memory_space<vmem>>
        %gather3A_685 = tpu.vector_load_idx %gather3A_684[%add3A_227] : memref<1936xf32, #tpu.memory_space<vmem>>[vector<16xi32>], vector<16xf32>,
        %max3A_686 = arith.maximumf %max3A_683, %gather3A_685 : vector<16xf32>
        %gather3A_687 = tpu.memref_slice %arg6[%add3A_645] : memref<32768xf32, #tpu.memory_space<vmem>> -> memref<1936xf32, #tpu.memory_space<vmem>>
        %gather3A_688 = tpu.vector_load_idx %gather3A_687[%add3A_237] : memref<1936xf32, #tpu.memory_space<vmem>>[vector<16xi32>], vector<16xf32>,
        %max3A_689 = arith.maximumf %max3A_686, %gather3A_688 : vector<16xf32>
        %gather3A_690 = tpu.memref_slice %arg6[%add3A_645] : memref<32768xf32, #tpu.memory_space<vmem>> -> memref<1936xf32, #tpu.memory_space<vmem>>
        %gather3A_691 = tpu.vector_load_idx %gather3A_690[%add3A_247] : memref<1936xf32, #tpu.memory_space<vmem>>[vector<16xi32>], vector<16xf32>,
        %max3A_692 = arith.maximumf %max3A_689, %gather3A_691 : vector<16xf32>
        %gather3A_693 = tpu.memref_slice %arg6[%add3A_645] : memref<32768xf32, #tpu.memory_space<vmem>> -> memref<1936xf32, #tpu.memory_space<vmem>>
        %gather3A_694 = tpu.vector_load_idx %gather3A_693[%add3A_257] : memref<1936xf32, #tpu.memory_space<vmem>>[vector<16xi32>], vector<16xf32>,
        %max3A_695 = arith.maximumf %max3A_692, %gather3A_694 : vector<16xf32>
        %add3A_696 = arith.constant 112 : i32
        %add3A_697 = arith.addi %mul3A_333, %add3A_696 : i32
        %broadcast_in_dim3A_698 = arith.constant -1.000000e+00 : f32
        %broadcast_in_dim3A_699 = vector.broadcast %broadcast_in_dim3A_698 : f32 to vector<16xf32>
        %gather3A_700 = tpu.memref_slice %arg6[%add3A_697] : memref<32768xf32, #tpu.memory_space<vmem>> -> memref<1936xf32, #tpu.memory_space<vmem>>
        %gather3A_701 = tpu.vector_load_idx %gather3A_700[%add3A_107] : memref<1936xf32, #tpu.memory_space<vmem>>[vector<16xi32>], vector<16xf32>,
        %max3A_702 = arith.maximumf %broadcast_in_dim3A_699, %gather3A_701 : vector<16xf32>
        %gather3A_703 = tpu.memref_slice %arg6[%add3A_697] : memref<32768xf32, #tpu.memory_space<vmem>> -> memref<1936xf32, #tpu.memory_space<vmem>>
        %gather3A_704 = tpu.vector_load_idx %gather3A_703[%add3A_117] : memref<1936xf32, #tpu.memory_space<vmem>>[vector<16xi32>], vector<16xf32>,
        %max3A_705 = arith.maximumf %max3A_702, %gather3A_704 : vector<16xf32>
        %gather3A_706 = tpu.memref_slice %arg6[%add3A_697] : memref<32768xf32, #tpu.memory_space<vmem>> -> memref<1936xf32, #tpu.memory_space<vmem>>
        %gather3A_707 = tpu.vector_load_idx %gather3A_706[%add3A_127] : memref<1936xf32, #tpu.memory_space<vmem>>[vector<16xi32>], vector<16xf32>,
        %max3A_708 = arith.maximumf %max3A_705, %gather3A_707 : vector<16xf32>
        %gather3A_709 = tpu.memref_slice %arg6[%add3A_697] : memref<32768xf32, #tpu.memory_space<vmem>> -> memref<1936xf32, #tpu.memory_space<vmem>>
        %gather3A_710 = tpu.vector_load_idx %gather3A_709[%add3A_137] : memref<1936xf32, #tpu.memory_space<vmem>>[vector<16xi32>], vector<16xf32>,
        %max3A_711 = arith.maximumf %max3A_708, %gather3A_710 : vector<16xf32>
        %gather3A_712 = tpu.memref_slice %arg6[%add3A_697] : memref<32768xf32, #tpu.memory_space<vmem>> -> memref<1936xf32, #tpu.memory_space<vmem>>
        %gather3A_713 = tpu.vector_load_idx %gather3A_712[%add3A_147] : memref<1936xf32, #tpu.memory_space<vmem>>[vector<16xi32>], vector<16xf32>,
        %max3A_714 = arith.maximumf %max3A_711, %gather3A_713 : vector<16xf32>
        %gather3A_715 = tpu.memref_slice %arg6[%add3A_697] : memref<32768xf32, #tpu.memory_space<vmem>> -> memref<1936xf32, #tpu.memory_space<vmem>>
        %gather3A_716 = tpu.vector_load_idx %gather3A_715[%add3A_157] : memref<1936xf32, #tpu.memory_space<vmem>>[vector<16xi32>], vector<16xf32>,
        %max3A_717 = arith.maximumf %max3A_714, %gather3A_716 : vector<16xf32>
        %gather3A_718 = tpu.memref_slice %arg6[%add3A_697] : memref<32768xf32, #tpu.memory_space<vmem>> -> memref<1936xf32, #tpu.memory_space<vmem>>
        %gather3A_719 = tpu.vector_load_idx %gather3A_718[%add3A_167] : memref<1936xf32, #tpu.memory_space<vmem>>[vector<16xi32>], vector<16xf32>,
        %max3A_720 = arith.maximumf %max3A_717, %gather3A_719 : vector<16xf32>
        %gather3A_721 = tpu.memref_slice %arg6[%add3A_697] : memref<32768xf32, #tpu.memory_space<vmem>> -> memref<1936xf32, #tpu.memory_space<vmem>>
        %gather3A_722 = tpu.vector_load_idx %gather3A_721[%add3A_177] : memref<1936xf32, #tpu.memory_space<vmem>>[vector<16xi32>], vector<16xf32>,
        %max3A_723 = arith.maximumf %max3A_720, %gather3A_722 : vector<16xf32>
        %gather3A_724 = tpu.memref_slice %arg6[%add3A_697] : memref<32768xf32, #tpu.memory_space<vmem>> -> memref<1936xf32, #tpu.memory_space<vmem>>
        %gather3A_725 = tpu.vector_load_idx %gather3A_724[%add3A_187] : memref<1936xf32, #tpu.memory_space<vmem>>[vector<16xi32>], vector<16xf32>,
        %max3A_726 = arith.maximumf %max3A_723, %gather3A_725 : vector<16xf32>
        %gather3A_727 = tpu.memref_slice %arg6[%add3A_697] : memref<32768xf32, #tpu.memory_space<vmem>> -> memref<1936xf32, #tpu.memory_space<vmem>>
        %gather3A_728 = tpu.vector_load_idx %gather3A_727[%add3A_197] : memref<1936xf32, #tpu.memory_space<vmem>>[vector<16xi32>], vector<16xf32>,
        %max3A_729 = arith.maximumf %max3A_726, %gather3A_728 : vector<16xf32>
        %gather3A_730 = tpu.memref_slice %arg6[%add3A_697] : memref<32768xf32, #tpu.memory_space<vmem>> -> memref<1936xf32, #tpu.memory_space<vmem>>
        %gather3A_731 = tpu.vector_load_idx %gather3A_730[%add3A_207] : memref<1936xf32, #tpu.memory_space<vmem>>[vector<16xi32>], vector<16xf32>,
        %max3A_732 = arith.maximumf %max3A_729, %gather3A_731 : vector<16xf32>
        %gather3A_733 = tpu.memref_slice %arg6[%add3A_697] : memref<32768xf32, #tpu.memory_space<vmem>> -> memref<1936xf32, #tpu.memory_space<vmem>>
        %gather3A_734 = tpu.vector_load_idx %gather3A_733[%add3A_217] : memref<1936xf32, #tpu.memory_space<vmem>>[vector<16xi32>], vector<16xf32>,
        %max3A_735 = arith.maximumf %max3A_732, %gather3A_734 : vector<16xf32>
        %gather3A_736 = tpu.memref_slice %arg6[%add3A_697] : memref<32768xf32, #tpu.memory_space<vmem>> -> memref<1936xf32, #tpu.memory_space<vmem>>
        %gather3A_737 = tpu.vector_load_idx %gather3A_736[%add3A_227] : memref<1936xf32, #tpu.memory_space<vmem>>[vector<16xi32>], vector<16xf32>,
        %max3A_738 = arith.maximumf %max3A_735, %gather3A_737 : vector<16xf32>
        %gather3A_739 = tpu.memref_slice %arg6[%add3A_697] : memref<32768xf32, #tpu.memory_space<vmem>> -> memref<1936xf32, #tpu.memory_space<vmem>>
        %gather3A_740 = tpu.vector_load_idx %gather3A_739[%add3A_237] : memref<1936xf32, #tpu.memory_space<vmem>>[vector<16xi32>], vector<16xf32>,
        %max3A_741 = arith.maximumf %max3A_738, %gather3A_740 : vector<16xf32>
        %gather3A_742 = tpu.memref_slice %arg6[%add3A_697] : memref<32768xf32, #tpu.memory_space<vmem>> -> memref<1936xf32, #tpu.memory_space<vmem>>
        %gather3A_743 = tpu.vector_load_idx %gather3A_742[%add3A_247] : memref<1936xf32, #tpu.memory_space<vmem>>[vector<16xi32>], vector<16xf32>,
        %max3A_744 = arith.maximumf %max3A_741, %gather3A_743 : vector<16xf32>
        %gather3A_745 = tpu.memref_slice %arg6[%add3A_697] : memref<32768xf32, #tpu.memory_space<vmem>> -> memref<1936xf32, #tpu.memory_space<vmem>>
        %gather3A_746 = tpu.vector_load_idx %gather3A_745[%add3A_257] : memref<1936xf32, #tpu.memory_space<vmem>>[vector<16xi32>], vector<16xf32>,
        %max3A_747 = arith.maximumf %max3A_744, %gather3A_746 : vector<16xf32>
        %max3A_748 = arith.maximumf %max3A_383, %max3A_435 : vector<16xf32>
        %max3A_749 = arith.maximumf %max3A_487, %max3A_539 : vector<16xf32>
        %max3A_750 = arith.maximumf %max3A_591, %max3A_643 : vector<16xf32>
        %max3A_751 = arith.maximumf %max3A_695, %max3A_747 : vector<16xf32>
        %max3A_752 = arith.maximumf %max3A_748, %max3A_749 : vector<16xf32>
        %max3A_753 = arith.maximumf %max3A_750, %max3A_751 : vector<16xf32>
        %max3A_754 = arith.maximumf %max3A_752, %max3A_753 : vector<16xf32>
        %broadcast_in_dim3A_755 = arith.constant 0 : i32
        %broadcast_in_dim3A_756 = vector.broadcast %broadcast_in_dim3A_755 : i32 to vector<16xi32>
        %eq3A = arith.cmpf oeq, %max3A_747, %max3A_754 : vector<16xf32>
        %broadcast_in_dim3A_757 = arith.constant 112 : i32
        %broadcast_in_dim3A_758 = vector.broadcast %broadcast_in_dim3A_757 : i32 to vector<16xi32>
        %select_n3A = arith.select %eq3A, %broadcast_in_dim3A_758, %broadcast_in_dim3A_756 : vector<16xi1>, vector<16xi32>
        %eq3A_759 = arith.cmpf oeq, %max3A_695, %max3A_754 : vector<16xf32>
        %broadcast_in_dim3A_760 = arith.constant 96 : i32
        %broadcast_in_dim3A_761 = vector.broadcast %broadcast_in_dim3A_760 : i32 to vector<16xi32>
        %select_n3A_762 = arith.select %eq3A_759, %broadcast_in_dim3A_761, %select_n3A : vector<16xi1>, vector<16xi32>
        %eq3A_763 = arith.cmpf oeq, %max3A_643, %max3A_754 : vector<16xf32>
        %broadcast_in_dim3A_764 = arith.constant 80 : i32
        %broadcast_in_dim3A_765 = vector.broadcast %broadcast_in_dim3A_764 : i32 to vector<16xi32>
        %select_n3A_766 = arith.select %eq3A_763, %broadcast_in_dim3A_765, %select_n3A_762 : vector<16xi1>, vector<16xi32>
        %eq3A_767 = arith.cmpf oeq, %max3A_591, %max3A_754 : vector<16xf32>
        %broadcast_in_dim3A_768 = arith.constant 64 : i32
        %broadcast_in_dim3A_769 = vector.broadcast %broadcast_in_dim3A_768 : i32 to vector<16xi32>
        %select_n3A_770 = arith.select %eq3A_767, %broadcast_in_dim3A_769, %select_n3A_766 : vector<16xi1>, vector<16xi32>
        %eq3A_771 = arith.cmpf oeq, %max3A_539, %max3A_754 : vector<16xf32>
        %broadcast_in_dim3A_772 = arith.constant 48 : i32
        %broadcast_in_dim3A_773 = vector.broadcast %broadcast_in_dim3A_772 : i32 to vector<16xi32>
        %select_n3A_774 = arith.select %eq3A_771, %broadcast_in_dim3A_773, %select_n3A_770 : vector<16xi1>, vector<16xi32>
        %eq3A_775 = arith.cmpf oeq, %max3A_487, %max3A_754 : vector<16xf32>
        %broadcast_in_dim3A_776 = arith.constant 32 : i32
        %broadcast_in_dim3A_777 = vector.broadcast %broadcast_in_dim3A_776 : i32 to vector<16xi32>
        %select_n3A_778 = arith.select %eq3A_775, %broadcast_in_dim3A_777, %select_n3A_774 : vector<16xi1>, vector<16xi32>
        %eq3A_779 = arith.cmpf oeq, %max3A_435, %max3A_754 : vector<16xf32>
        %broadcast_in_dim3A_780 = arith.constant 16 : i32
        %broadcast_in_dim3A_781 = vector.broadcast %broadcast_in_dim3A_780 : i32 to vector<16xi32>
        %select_n3A_782 = arith.select %eq3A_779, %broadcast_in_dim3A_781, %select_n3A_778 : vector<16xi1>, vector<16xi32>
        %add3A_783 = arith.addi %add3A_257, %select_n3A_782 : vector<16xi32>
        %gather3A_784 = tpu.memref_slice %arg6[%mul3A_333] : memref<32768xf32, #tpu.memory_space<vmem>> -> memref<2048xf32, #tpu.memory_space<vmem>>
        %gather3A_785 = tpu.vector_load_idx %gather3A_784[%add3A_783] : memref<2048xf32, #tpu.memory_space<vmem>>[vector<16xi32>], vector<16xf32>,
        %eq3A_786 = arith.cmpf oeq, %gather3A_785, %max3A_754 : vector<16xf32>
        %and3A_787 = arith.constant 127 : i32
        %and3A_788 = vector.broadcast %and3A_787 : i32 to vector<16xi32>
        %and3A_789 = arith.andi %add3A_783, %and3A_788 : vector<16xi32>
        %select_n3A_790 = arith.select %eq3A_786, %and3A_789, %select_n3A_782 : vector<16xi1>, vector<16xi32>
        %add3A_791 = arith.addi %add3A_247, %select_n3A_782 : vector<16xi32>
        %gather3A_792 = tpu.memref_slice %arg6[%mul3A_333] : memref<32768xf32, #tpu.memory_space<vmem>> -> memref<2048xf32, #tpu.memory_space<vmem>>
        %gather3A_793 = tpu.vector_load_idx %gather3A_792[%add3A_791] : memref<2048xf32, #tpu.memory_space<vmem>>[vector<16xi32>], vector<16xf32>,
        %eq3A_794 = arith.cmpf oeq, %gather3A_793, %max3A_754 : vector<16xf32>
        %and3A_795 = arith.constant 127 : i32
        %and3A_796 = vector.broadcast %and3A_795 : i32 to vector<16xi32>
        %and3A_797 = arith.andi %add3A_791, %and3A_796 : vector<16xi32>
        %select_n3A_798 = arith.select %eq3A_794, %and3A_797, %select_n3A_790 : vector<16xi1>, vector<16xi32>
        %add3A_799 = arith.addi %add3A_237, %select_n3A_782 : vector<16xi32>
        %gather3A_800 = tpu.memref_slice %arg6[%mul3A_333] : memref<32768xf32, #tpu.memory_space<vmem>> -> memref<2048xf32, #tpu.memory_space<vmem>>
        %gather3A_801 = tpu.vector_load_idx %gather3A_800[%add3A_799] : memref<2048xf32, #tpu.memory_space<vmem>>[vector<16xi32>], vector<16xf32>,
        %eq3A_802 = arith.cmpf oeq, %gather3A_801, %max3A_754 : vector<16xf32>
        %and3A_803 = arith.constant 127 : i32
        %and3A_804 = vector.broadcast %and3A_803 : i32 to vector<16xi32>
        %and3A_805 = arith.andi %add3A_799, %and3A_804 : vector<16xi32>
        %select_n3A_806 = arith.select %eq3A_802, %and3A_805, %select_n3A_798 : vector<16xi1>, vector<16xi32>
        %add3A_807 = arith.addi %add3A_227, %select_n3A_782 : vector<16xi32>
        %gather3A_808 = tpu.memref_slice %arg6[%mul3A_333] : memref<32768xf32, #tpu.memory_space<vmem>> -> memref<2048xf32, #tpu.memory_space<vmem>>
        %gather3A_809 = tpu.vector_load_idx %gather3A_808[%add3A_807] : memref<2048xf32, #tpu.memory_space<vmem>>[vector<16xi32>], vector<16xf32>,
        %eq3A_810 = arith.cmpf oeq, %gather3A_809, %max3A_754 : vector<16xf32>
        %and3A_811 = arith.constant 127 : i32
        %and3A_812 = vector.broadcast %and3A_811 : i32 to vector<16xi32>
        %and3A_813 = arith.andi %add3A_807, %and3A_812 : vector<16xi32>
        %select_n3A_814 = arith.select %eq3A_810, %and3A_813, %select_n3A_806 : vector<16xi1>, vector<16xi32>
        %add3A_815 = arith.addi %add3A_217, %select_n3A_782 : vector<16xi32>
        %gather3A_816 = tpu.memref_slice %arg6[%mul3A_333] : memref<32768xf32, #tpu.memory_space<vmem>> -> memref<2048xf32, #tpu.memory_space<vmem>>
        %gather3A_817 = tpu.vector_load_idx %gather3A_816[%add3A_815] : memref<2048xf32, #tpu.memory_space<vmem>>[vector<16xi32>], vector<16xf32>,
        %eq3A_818 = arith.cmpf oeq, %gather3A_817, %max3A_754 : vector<16xf32>
        %and3A_819 = arith.constant 127 : i32
        %and3A_820 = vector.broadcast %and3A_819 : i32 to vector<16xi32>
        %and3A_821 = arith.andi %add3A_815, %and3A_820 : vector<16xi32>
        %select_n3A_822 = arith.select %eq3A_818, %and3A_821, %select_n3A_814 : vector<16xi1>, vector<16xi32>
        %add3A_823 = arith.addi %add3A_207, %select_n3A_782 : vector<16xi32>
        %gather3A_824 = tpu.memref_slice %arg6[%mul3A_333] : memref<32768xf32, #tpu.memory_space<vmem>> -> memref<2048xf32, #tpu.memory_space<vmem>>
        %gather3A_825 = tpu.vector_load_idx %gather3A_824[%add3A_823] : memref<2048xf32, #tpu.memory_space<vmem>>[vector<16xi32>], vector<16xf32>,
        %eq3A_826 = arith.cmpf oeq, %gather3A_825, %max3A_754 : vector<16xf32>
        %and3A_827 = arith.constant 127 : i32
        %and3A_828 = vector.broadcast %and3A_827 : i32 to vector<16xi32>
        %and3A_829 = arith.andi %add3A_823, %and3A_828 : vector<16xi32>
        %select_n3A_830 = arith.select %eq3A_826, %and3A_829, %select_n3A_822 : vector<16xi1>, vector<16xi32>
        %add3A_831 = arith.addi %add3A_197, %select_n3A_782 : vector<16xi32>
        %gather3A_832 = tpu.memref_slice %arg6[%mul3A_333] : memref<32768xf32, #tpu.memory_space<vmem>> -> memref<2048xf32, #tpu.memory_space<vmem>>
        %gather3A_833 = tpu.vector_load_idx %gather3A_832[%add3A_831] : memref<2048xf32, #tpu.memory_space<vmem>>[vector<16xi32>], vector<16xf32>,
        %eq3A_834 = arith.cmpf oeq, %gather3A_833, %max3A_754 : vector<16xf32>
        %and3A_835 = arith.constant 127 : i32
        %and3A_836 = vector.broadcast %and3A_835 : i32 to vector<16xi32>
        %and3A_837 = arith.andi %add3A_831, %and3A_836 : vector<16xi32>
        %select_n3A_838 = arith.select %eq3A_834, %and3A_837, %select_n3A_830 : vector<16xi1>, vector<16xi32>
        %add3A_839 = arith.addi %add3A_187, %select_n3A_782 : vector<16xi32>
        %gather3A_840 = tpu.memref_slice %arg6[%mul3A_333] : memref<32768xf32, #tpu.memory_space<vmem>> -> memref<2048xf32, #tpu.memory_space<vmem>>
        %gather3A_841 = tpu.vector_load_idx %gather3A_840[%add3A_839] : memref<2048xf32, #tpu.memory_space<vmem>>[vector<16xi32>], vector<16xf32>,
        %eq3A_842 = arith.cmpf oeq, %gather3A_841, %max3A_754 : vector<16xf32>
        %and3A_843 = arith.constant 127 : i32
        %and3A_844 = vector.broadcast %and3A_843 : i32 to vector<16xi32>
        %and3A_845 = arith.andi %add3A_839, %and3A_844 : vector<16xi32>
        %select_n3A_846 = arith.select %eq3A_842, %and3A_845, %select_n3A_838 : vector<16xi1>, vector<16xi32>
        %add3A_847 = arith.addi %add3A_177, %select_n3A_782 : vector<16xi32>
        %gather3A_848 = tpu.memref_slice %arg6[%mul3A_333] : memref<32768xf32, #tpu.memory_space<vmem>> -> memref<2048xf32, #tpu.memory_space<vmem>>
        %gather3A_849 = tpu.vector_load_idx %gather3A_848[%add3A_847] : memref<2048xf32, #tpu.memory_space<vmem>>[vector<16xi32>], vector<16xf32>,
        %eq3A_850 = arith.cmpf oeq, %gather3A_849, %max3A_754 : vector<16xf32>
        %and3A_851 = arith.constant 127 : i32
        %and3A_852 = vector.broadcast %and3A_851 : i32 to vector<16xi32>
        %and3A_853 = arith.andi %add3A_847, %and3A_852 : vector<16xi32>
        %select_n3A_854 = arith.select %eq3A_850, %and3A_853, %select_n3A_846 : vector<16xi1>, vector<16xi32>
        %add3A_855 = arith.addi %add3A_167, %select_n3A_782 : vector<16xi32>
        %gather3A_856 = tpu.memref_slice %arg6[%mul3A_333] : memref<32768xf32, #tpu.memory_space<vmem>> -> memref<2048xf32, #tpu.memory_space<vmem>>
        %gather3A_857 = tpu.vector_load_idx %gather3A_856[%add3A_855] : memref<2048xf32, #tpu.memory_space<vmem>>[vector<16xi32>], vector<16xf32>,
        %eq3A_858 = arith.cmpf oeq, %gather3A_857, %max3A_754 : vector<16xf32>
        %and3A_859 = arith.constant 127 : i32
        %and3A_860 = vector.broadcast %and3A_859 : i32 to vector<16xi32>
        %and3A_861 = arith.andi %add3A_855, %and3A_860 : vector<16xi32>
        %select_n3A_862 = arith.select %eq3A_858, %and3A_861, %select_n3A_854 : vector<16xi1>, vector<16xi32>
        %add3A_863 = arith.addi %add3A_157, %select_n3A_782 : vector<16xi32>
        %gather3A_864 = tpu.memref_slice %arg6[%mul3A_333] : memref<32768xf32, #tpu.memory_space<vmem>> -> memref<2048xf32, #tpu.memory_space<vmem>>
        %gather3A_865 = tpu.vector_load_idx %gather3A_864[%add3A_863] : memref<2048xf32, #tpu.memory_space<vmem>>[vector<16xi32>], vector<16xf32>,
        %eq3A_866 = arith.cmpf oeq, %gather3A_865, %max3A_754 : vector<16xf32>
        %and3A_867 = arith.constant 127 : i32
        %and3A_868 = vector.broadcast %and3A_867 : i32 to vector<16xi32>
        %and3A_869 = arith.andi %add3A_863, %and3A_868 : vector<16xi32>
        %select_n3A_870 = arith.select %eq3A_866, %and3A_869, %select_n3A_862 : vector<16xi1>, vector<16xi32>
        %add3A_871 = arith.addi %add3A_147, %select_n3A_782 : vector<16xi32>
        %gather3A_872 = tpu.memref_slice %arg6[%mul3A_333] : memref<32768xf32, #tpu.memory_space<vmem>> -> memref<2048xf32, #tpu.memory_space<vmem>>
        %gather3A_873 = tpu.vector_load_idx %gather3A_872[%add3A_871] : memref<2048xf32, #tpu.memory_space<vmem>>[vector<16xi32>], vector<16xf32>,
        %eq3A_874 = arith.cmpf oeq, %gather3A_873, %max3A_754 : vector<16xf32>
        %and3A_875 = arith.constant 127 : i32
        %and3A_876 = vector.broadcast %and3A_875 : i32 to vector<16xi32>
        %and3A_877 = arith.andi %add3A_871, %and3A_876 : vector<16xi32>
        %select_n3A_878 = arith.select %eq3A_874, %and3A_877, %select_n3A_870 : vector<16xi1>, vector<16xi32>
        %add3A_879 = arith.addi %add3A_137, %select_n3A_782 : vector<16xi32>
        %gather3A_880 = tpu.memref_slice %arg6[%mul3A_333] : memref<32768xf32, #tpu.memory_space<vmem>> -> memref<2048xf32, #tpu.memory_space<vmem>>
        %gather3A_881 = tpu.vector_load_idx %gather3A_880[%add3A_879] : memref<2048xf32, #tpu.memory_space<vmem>>[vector<16xi32>], vector<16xf32>,
        %eq3A_882 = arith.cmpf oeq, %gather3A_881, %max3A_754 : vector<16xf32>
        %and3A_883 = arith.constant 127 : i32
        %and3A_884 = vector.broadcast %and3A_883 : i32 to vector<16xi32>
        %and3A_885 = arith.andi %add3A_879, %and3A_884 : vector<16xi32>
        %select_n3A_886 = arith.select %eq3A_882, %and3A_885, %select_n3A_878 : vector<16xi1>, vector<16xi32>
        %add3A_887 = arith.addi %add3A_127, %select_n3A_782 : vector<16xi32>
        %gather3A_888 = tpu.memref_slice %arg6[%mul3A_333] : memref<32768xf32, #tpu.memory_space<vmem>> -> memref<2048xf32, #tpu.memory_space<vmem>>
        %gather3A_889 = tpu.vector_load_idx %gather3A_888[%add3A_887] : memref<2048xf32, #tpu.memory_space<vmem>>[vector<16xi32>], vector<16xf32>,
        %eq3A_890 = arith.cmpf oeq, %gather3A_889, %max3A_754 : vector<16xf32>
        %and3A_891 = arith.constant 127 : i32
        %and3A_892 = vector.broadcast %and3A_891 : i32 to vector<16xi32>
        %and3A_893 = arith.andi %add3A_887, %and3A_892 : vector<16xi32>
        %select_n3A_894 = arith.select %eq3A_890, %and3A_893, %select_n3A_886 : vector<16xi1>, vector<16xi32>
        %add3A_895 = arith.addi %add3A_117, %select_n3A_782 : vector<16xi32>
        %gather3A_896 = tpu.memref_slice %arg6[%mul3A_333] : memref<32768xf32, #tpu.memory_space<vmem>> -> memref<2048xf32, #tpu.memory_space<vmem>>
        %gather3A_897 = tpu.vector_load_idx %gather3A_896[%add3A_895] : memref<2048xf32, #tpu.memory_space<vmem>>[vector<16xi32>], vector<16xf32>,
        %eq3A_898 = arith.cmpf oeq, %gather3A_897, %max3A_754 : vector<16xf32>
        %and3A_899 = arith.constant 127 : i32
        %and3A_900 = vector.broadcast %and3A_899 : i32 to vector<16xi32>
        %and3A_901 = arith.andi %add3A_895, %and3A_900 : vector<16xi32>
        %select_n3A_902 = arith.select %eq3A_898, %and3A_901, %select_n3A_894 : vector<16xi1>, vector<16xi32>
        %add3A_903 = arith.addi %add3A_107, %select_n3A_782 : vector<16xi32>
        %gather3A_904 = tpu.memref_slice %arg6[%mul3A_333] : memref<32768xf32, #tpu.memory_space<vmem>> -> memref<2048xf32, #tpu.memory_space<vmem>>
        %gather3A_905 = tpu.vector_load_idx %gather3A_904[%add3A_903] : memref<2048xf32, #tpu.memory_space<vmem>>[vector<16xi32>], vector<16xf32>,
        %eq3A_906 = arith.cmpf oeq, %gather3A_905, %max3A_754 : vector<16xf32>
        %and3A_907 = arith.constant 127 : i32
        %and3A_908 = vector.broadcast %and3A_907 : i32 to vector<16xi32>
        %and3A_909 = arith.andi %add3A_903, %and3A_908 : vector<16xi32>
        %select_n3A_910 = arith.select %eq3A_906, %and3A_909, %select_n3A_902 : vector<16xi1>, vector<16xi32>
        %mul3A_911 = arith.constant 16 : i32
        %mul3A_912 = arith.muli %scan3A_330, %mul3A_911 : i32
        %get3A = arith.index_cast %mul3A_912 : i32 to index
        %get3A_913 = tpu.vector_load %arg8[%get3A] {strides = array<i32>} : memref<256xi32, #tpu.memory_space<vmem>>, vector<16xi32>,
        %eq3A_914 = arith.cmpi eq, %select_n3A_910, %get3A_913 : vector<16xi32>
        %jit3A = arith.constant 1.000000e+00 : f32
        %jit3A_915 = arith.constant 0.000000e+00 : f32
        %broadcast_in_dim3A_916 = vector.broadcast %jit3A : f32 to vector<16xf32>
        %broadcast_in_dim3A_917 = vector.broadcast %jit3A_915 : f32 to vector<16xf32>
        %select_n3A_918 = arith.select %eq3A_914, %broadcast_in_dim3A_916, %broadcast_in_dim3A_917 : vector<16xi1>, vector<16xf32>
        %mul3A_919 = arith.constant 1.500000e+01 : f32
        %mul3A_920 = vector.broadcast %mul3A_919 : f32 to vector<16xf32>
        %mul3A_921 = arith.mulf %max3A_754, %mul3A_920 : vector<16xf32>
        %convert_element_type3A_922 = arith.fptosi %mul3A_921 : vector<16xf32> to vector<16xi32>
        %min3A = arith.constant 14 : i32
        %min3A_923 = vector.broadcast %min3A : i32 to vector<16xi32>
        %min3A_924 = arith.minsi %convert_element_type3A_922, %min3A_923 : vector<16xi32>
        %gt3A = arith.constant 0.000000e+00 : f32
        %gt3A_925 = vector.broadcast %gt3A : f32 to vector<16xf32>
        %gt3A_926 = arith.cmpf ogt, %max3A_754, %gt3A_925 : vector<16xf32>
        %jit3A_927 = arith.constant 1.000000e+00 : f32
        %jit3A_928 = arith.constant 0.000000e+00 : f32
        %broadcast_in_dim3A_929 = vector.broadcast %jit3A_927 : f32 to vector<16xf32>
        %broadcast_in_dim3A_930 = vector.broadcast %jit3A_928 : f32 to vector<16xf32>
        %select_n3A_931 = arith.select %gt3A_926, %broadcast_in_dim3A_929, %broadcast_in_dim3A_930 : vector<16xi1>, vector<16xf32>
        %mul3A_932 = arith.constant 16 : i32
        %mul3A_933 = vector.broadcast %mul3A_932 : i32 to vector<16xi32>
        %mul3A_934 = arith.muli %min3A_924, %mul3A_933 : vector<16xi32>
        %add3A_935 = arith.addi %mul3A_934, %iota3A : vector<16xi32>
        tpu.vector_store_idx %arg9[%add3A_935], %select_n3A_931 {add = true} : memref<768xf32, #tpu.memory_space<vmem>>[vector<16xi32>], vector<16xf32>,
        %add3A_936 = arith.constant 256 : i32
        %add3A_937 = vector.broadcast %add3A_936 : i32 to vector<16xi32>
        %add3A_938 = arith.addi %add3A_935, %add3A_937 : vector<16xi32>
        %mul3A_939 = arith.mulf %max3A_754, %select_n3A_931 : vector<16xf32>
        tpu.vector_store_idx %arg9[%add3A_938], %mul3A_939 {add = true} : memref<768xf32, #tpu.memory_space<vmem>>[vector<16xi32>], vector<16xf32>,
        %add3A_940 = arith.constant 512 : i32
        %add3A_941 = vector.broadcast %add3A_940 : i32 to vector<16xi32>
        %add3A_942 = arith.addi %add3A_935, %add3A_941 : vector<16xi32>
        %mul3A_943 = arith.mulf %select_n3A_918, %select_n3A_931 : vector<16xf32>
        tpu.vector_store_idx %arg9[%add3A_942], %mul3A_943 {add = true} : memref<768xf32, #tpu.memory_space<vmem>>[vector<16xi32>], vector<16xf32>,
        %scan3A_944 = arith.constant 0 : i32
        scf.yield %scan3A_944 : i32
      }
      %scan3A_321 = arith.constant 16 : i32
      %add3A_322 = arith.constant 2 : i32
      %add3A_323 = arith.addi %add3A_305, %add3A_322 : i32
      %lt3A_324 = arith.constant 78 : i32
      %lt3A_325 = arith.cmpi slt, %add3A_323, %lt3A_324 : i32
      %convert_element_type3A_326 = arith.extui %lt3A_325 : i1 to i32
      %cond3A_327 = arith.constant 0 : i32
      %cond3A_328 = arith.cmpi ne, %convert_element_type3A_326, %cond3A_327 : i32
      scf.if %cond3A_328 {
        %add3A_330 = arith.constant 2 : i32
        %add3A_331 = arith.addi %add3A_305, %add3A_330 : i32
        %mul3A_332 = arith.constant 256 : i32
        %mul3A_333 = arith.muli %add3A_331, %mul3A_332 : i32
        %add3A_334 = arith.addi %mul3A_2, %mul3A_333 : i32
        %mul3A_335 = arith.constant 128 : i32
        %mul3A_336 = arith.muli %add3A_334, %mul3A_335 : i32
        %dma_start3A_337 = tpu.memref_slice %arg2[%mul3A_336] : memref<134217728xf32, #tpu.memory_space<hbm>> -> memref<32768xf32, #tpu.memory_space<hbm>>
        %dma_start3A_338 = tpu.memref_slice %arg2[%mul3A_336] : memref<134217728xf32, #tpu.memory_space<hbm>> -> memref<32768xf32, #tpu.memory_space<hbm>>
        tpu.enqueue_dma source(%dma_start3A_338 : memref<32768xf32, #tpu.memory_space<hbm>>) target(%arg6 : memref<32768xf32, #tpu.memory_space<vmem>>) target_semaphore(%arg11 : memref<!tpu.dma_semaphore, #tpu.memory_space<semaphore_mem>>)
        %dma_start3A_339 = tpu.memref_slice %arg3[%add3A_334] : memref<1048576xi32, #tpu.memory_space<hbm>> -> memref<256xi32, #tpu.memory_space<hbm>>
        %dma_start3A_340 = tpu.memref_slice %arg3[%add3A_334] : memref<1048576xi32, #tpu.memory_space<hbm>> -> memref<256xi32, #tpu.memory_space<hbm>>
        tpu.enqueue_dma source(%dma_start3A_340 : memref<256xi32, #tpu.memory_space<hbm>>) target(%arg8 : memref<256xi32, #tpu.memory_space<vmem>>) target_semaphore(%arg13 : memref<!tpu.dma_semaphore, #tpu.memory_space<semaphore_mem>>)
      } else {
      }
      %scan3A_329 = arith.constant 0 : i32
      scf.yield %scan3A_329 : i32
    }
    %scan3A_278 = arith.constant 39 : i32
    "tpu.region"() ({
      %run_scoped3A = tpu.sem_alloc : memref<!tpu.dma_semaphore, #tpu.memory_space<semaphore_mem>>
      %dma_start3A_279 = arith.constant 0 : i32
      %dma_start3A_280 = tpu.memref_slice %arg4[%add3A, %dma_start3A_279] : memref<32x768xf32, #tpu.memory_space<hbm>> -> memref<1x768xf32, #tpu.memory_space<hbm>>
      %dma_start3A_281 = tpu.memref_squeeze %dma_start3A_280 : memref<1x768xf32, #tpu.memory_space<hbm>> -> memref<768xf32, #tpu.memory_space<hbm>>
      %dma_start3A_282 = arith.constant 0 : i32
      %dma_start3A_283 = tpu.memref_slice %arg4[%add3A, %dma_start3A_282] : memref<32x768xf32, #tpu.memory_space<hbm>> -> memref<1x768xf32, #tpu.memory_space<hbm>>
      %dma_start3A_284 = tpu.memref_squeeze %dma_start3A_283 : memref<1x768xf32, #tpu.memory_space<hbm>> -> memref<768xf32, #tpu.memory_space<hbm>>
      tpu.enqueue_dma source(%arg9 : memref<768xf32, #tpu.memory_space<vmem>>) target(%dma_start3A_284 : memref<768xf32, #tpu.memory_space<hbm>>) target_semaphore(%run_scoped3A : memref<!tpu.dma_semaphore, #tpu.memory_space<semaphore_mem>>)
      %dma_wait3A = arith.constant 0 : i32
      %dma_wait3A_285 = tpu.memref_slice %arg4[%add3A, %dma_wait3A] : memref<32x768xf32, #tpu.memory_space<hbm>> -> memref<1x768xf32, #tpu.memory_space<hbm>>
      %dma_wait3A_286 = tpu.memref_squeeze %dma_wait3A_285 : memref<1x768xf32, #tpu.memory_space<hbm>> -> memref<768xf32, #tpu.memory_space<hbm>>
      %dma_wait3A_287 = arith.constant 0 : i32
      %dma_wait3A_288 = tpu.memref_slice %arg4[%add3A, %dma_wait3A_287] : memref<32x768xf32, #tpu.memory_space<hbm>> -> memref<1x768xf32, #tpu.memory_space<hbm>>
      %dma_wait3A_289 = tpu.memref_squeeze %dma_wait3A_288 : memref<1x768xf32, #tpu.memory_space<hbm>> -> memref<768xf32, #tpu.memory_space<hbm>>
      tpu.wait_dma2 semaphore(%run_scoped3A : memref<!tpu.dma_semaphore, #tpu.memory_space<semaphore_mem>>) src(%arg9 : memref<768xf32, #tpu.memory_space<vmem>>) dst(%dma_wait3A_289 : memref<768xf32, #tpu.memory_space<hbm>>)
      tpu.yield
    }) : () -> ()
    return
  }
}

module attributes {stable_mosaic.version = 14 : i64} {
  func.func @_tc_body(%arg0: i32, %arg1: memref<1x1x4096xi32, #tpu.memory_space<vmem>>, %arg2: memref<4096x128xf32, #tpu.memory_space<vmem>>, %arg3: memref<8x128xf32, #tpu.memory_space<vmem>>) attributes {dimension_semantics = [#tpu.dimension_semantics<arbitrary>], iteration_bounds = array<i64: 100>, scalar_prefetch = 0 : i64, scratch_operands = 0 : i64, tpu.core_type = #tpu.core_type<tc>, window_params = [{transform_indices = @transform_0, window_bounds = array<i64: 1, 1, 4096>}, {transform_indices = @transform_1, window_bounds = array<i64: 4096, 128>}, {pipeline_mode = #tpu.pipeline_mode<synchronous>, transform_indices = @transform_2, window_bounds = array<i64: 8, 128>}]} {
    %eq3A = arith.constant 0 : i32
    %eq3A_0 = arith.cmpi eq, %arg0, %eq3A : i32
    %convert_element_type3A = arith.extui %eq3A_0 : i1 to i32
    %cond3A = arith.constant 0 : i32
    %cond3A_1 = arith.cmpi ne, %convert_element_type3A, %cond3A : i32
    scf.if %cond3A_1 {
      %broadcast_in_dim3A_50 = arith.constant 0.000000e+00 : f32
      %broadcast_in_dim3A_51 = vector.broadcast %broadcast_in_dim3A_50 : f32 to vector<8x128xf32>
      %swap3A_52 = arith.constant 0 : index
      %swap3A_53 = arith.constant 0 : index
      %swap3A_54 = vector.load %arg3[%swap3A_52, %swap3A_53] : memref<8x128xf32, #tpu.memory_space<vmem>>, vector<8x128xf32>
      tpu.vector_store %arg3[%swap3A_52, %swap3A_53], %broadcast_in_dim3A_51 {strides = array<i32>} : memref<8x128xf32, #tpu.memory_space<vmem>>, vector<8x128xf32>,
    } else {
    }
    %get3A = arith.constant 0 : index
    %get3A_2 = arith.constant 0 : index
    %get3A_3 = vector.load %arg2[%get3A, %get3A_2] : memref<4096x128xf32, #tpu.memory_space<vmem>>, vector<4096x128xf32>
    %transpose3A = tpu.transpose %get3A_3, [1, 0] : vector<4096x128xf32> -> vector<128x4096xf32>
    %reduce_max3A = arith.constant dense<0xFF800000> : vector<4096xf32>
    %reduce_max3A_4 = vector.multi_reduction <maximumf>, %transpose3A, %reduce_max3A [0] : vector<128x4096xf32> to vector<4096xf32>
    %broadcast_in_dim3A = vector.shape_cast %reduce_max3A_4 : vector<4096xf32> to vector<1x4096xf32>
    %iota3A = tpu.iota {dimensions = array<i32: 0>} : vector<128x4096xi32>
    %eq3A_5 = vector.broadcast %broadcast_in_dim3A : vector<1x4096xf32> to vector<128x4096xf32>
    %eq3A_6 = arith.cmpf oeq, %transpose3A, %eq3A_5 : vector<128x4096xf32>
    %jit3A = arith.constant 128 : i32
    %broadcast_in_dim3A_7 = vector.broadcast %jit3A : i32 to vector<128x4096xi32>
    %select_n3A = arith.select %eq3A_6, %iota3A, %broadcast_in_dim3A_7 : vector<128x4096xi1>, vector<128x4096xi32>
    %reduce_min3A = arith.constant dense<2147483647> : vector<4096xi32>
    %reduce_min3A_8 = vector.multi_reduction <minsi>, %select_n3A, %reduce_min3A [0] : vector<128x4096xi32> to vector<4096xi32>
    %broadcast_in_dim3A_9 = vector.shape_cast %reduce_min3A_8 : vector<4096xi32> to vector<1x4096xi32>
    %get3A_10 = arith.constant 0 : index
    %get3A_11 = arith.constant 0 : index
    %get3A_12 = arith.constant 0 : index
    %get3A_13 = vector.load %arg1[%get3A_10, %get3A_11, %get3A_12] : memref<1x1x4096xi32, #tpu.memory_space<vmem>>, vector<1x1x4096xi32>
    %get3A_14 = vector.shape_cast %get3A_13 : vector<1x1x4096xi32> to vector<1x4096xi32>
    %eq3A_15 = arith.cmpi eq, %broadcast_in_dim3A_9, %get3A_14 : vector<1x4096xi32>
    %jit3A_16 = arith.constant 1.000000e+00 : f32
    %jit3A_17 = arith.constant 0.000000e+00 : f32
    %broadcast_in_dim3A_18 = vector.broadcast %jit3A_16 : f32 to vector<1x4096xf32>
    %broadcast_in_dim3A_19 = vector.broadcast %jit3A_17 : f32 to vector<1x4096xf32>
    %select_n3A_20 = arith.select %eq3A_15, %broadcast_in_dim3A_18, %broadcast_in_dim3A_19 : vector<1x4096xi1>, vector<1x4096xf32>
    %mul3A = arith.constant 1.500000e+01 : f32
    %mul3A_21 = vector.broadcast %mul3A : f32 to vector<1x4096xf32>
    %mul3A_22 = arith.mulf %broadcast_in_dim3A, %mul3A_21 : vector<1x4096xf32>
    %convert_element_type3A_23 = arith.fptosi %mul3A_22 : vector<1x4096xf32> to vector<1x4096xi32>
    %gt3A = arith.constant 0.000000e+00 : f32
    %gt3A_24 = vector.broadcast %gt3A : f32 to vector<1x4096xf32>
    %gt3A_25 = arith.cmpf ogt, %broadcast_in_dim3A, %gt3A_24 : vector<1x4096xf32>
    %min3A = arith.constant 14 : i32
    %min3A_26 = vector.broadcast %min3A : i32 to vector<1x4096xi32>
    %min3A_27 = arith.minsi %convert_element_type3A_23, %min3A_26 : vector<1x4096xi32>
    %add3A = arith.constant 1 : i32
    %add3A_28 = vector.broadcast %add3A : i32 to vector<1x4096xi32>
    %add3A_29 = arith.addi %min3A_27, %add3A_28 : vector<1x4096xi32>
    %jit3A_30 = arith.constant 0 : i32
    %broadcast_in_dim3A_31 = vector.broadcast %jit3A_30 : i32 to vector<1x4096xi32>
    %select_n3A_32 = arith.select %gt3A_25, %add3A_29, %broadcast_in_dim3A_31 : vector<1x4096xi1>, vector<1x4096xi32>
    %iota3A_33 = tpu.iota {dimensions = array<i32: 0>} : vector<16x4096xi32>
    %eq3A_34 = vector.broadcast %select_n3A_32 : vector<1x4096xi32> to vector<16x4096xi32>
    %eq3A_35 = arith.cmpi eq, %iota3A_33, %eq3A_34 : vector<16x4096xi32>
    %jit3A_36 = arith.constant 1.000000e+00 : f32
    %jit3A_37 = arith.constant 0.000000e+00 : f32
    %broadcast_in_dim3A_38 = vector.broadcast %jit3A_36 : f32 to vector<16x4096xf32>
    %broadcast_in_dim3A_39 = vector.broadcast %jit3A_37 : f32 to vector<16x4096xf32>
    %select_n3A_40 = arith.select %eq3A_35, %broadcast_in_dim3A_38, %broadcast_in_dim3A_39 : vector<16x4096xi1>, vector<16x4096xf32>
    %broadcast_in_dim3A_41 = arith.constant 1.000000e+00 : f32
    %broadcast_in_dim3A_42 = vector.broadcast %broadcast_in_dim3A_41 : f32 to vector<1x4096xf32>
    %concatenate3A = tpu.concatenate %broadcast_in_dim3A_42, %broadcast_in_dim3A, %select_n3A_20 in 0 : vector<1x4096xf32>, vector<1x4096xf32>, vector<1x4096xf32> -> vector<3x4096xf32>
    %dot_general3A = arith.constant dense<0.000000e+00> : vector<3x16xf32>
    %dot_general3A_43 = tpu.matmul %concatenate3A, %select_n3A_40, %dot_general3A {dimension_numbers = #tpu.dot_dimension_numbers<[1], [1], [0], [0], [0, 0, 1, 0], [], []>, transpose_lhs_hint = false} : vector<3x4096xf32>, vector<16x4096xf32>, vector<3x16xf32> -> vector<3x16xf32>
    %get3A_44 = arith.constant 0 : index
    %get3A_45 = arith.constant 0 : index
    %get3A_46 = vector.load %arg3[%get3A_44, %get3A_45] : memref<8x128xf32, #tpu.memory_space<vmem>>, vector<3x16xf32>
    %add3A_47 = arith.addf %get3A_46, %dot_general3A_43 : vector<3x16xf32>
    %swap3A = arith.constant 0 : index
    %swap3A_48 = arith.constant 0 : index
    %swap3A_49 = vector.load %arg3[%swap3A, %swap3A_48] : memref<8x128xf32, #tpu.memory_space<vmem>>, vector<3x16xf32>
    tpu.vector_store %arg3[%swap3A, %swap3A_48], %add3A_47 {strides = array<i32>} : memref<8x128xf32, #tpu.memory_space<vmem>>, vector<3x16xf32>,
    return
  }
  func.func @transform_0(%arg0: i32) -> (i32, i32, i32) {
    %add3A = arith.constant 156 : i32
    %add3A_0 = arith.addi %add3A, %arg0 : i32
    %c0_i32 = arith.constant 0 : i32
    %c0_i32_1 = arith.constant 0 : i32
    %c0_i32_2 = arith.constant 0 : i32
    return %add3A_0, %c0_i32, %c0_i32_1 : i32, i32, i32
  }
  func.func @transform_1(%arg0: i32) -> (i32, i32) {
    %add3A = arith.constant 156 : i32
    %add3A_0 = arith.addi %add3A, %arg0 : i32
    %c0_i32 = arith.constant 0 : i32
    %c0_i32_1 = arith.constant 0 : i32
    return %add3A_0, %c0_i32 : i32, i32
  }
  func.func @transform_2(%arg0: i32) -> (i32, i32) {
    %c0_i32 = arith.constant 0 : i32
    %c0_i32_0 = arith.constant 0 : i32
    %c0_i32_1 = arith.constant 0 : i32
    return %c0_i32, %c0_i32_0 : i32, i32
  }
}

</mosaic_0001>

<sc_bundles>
// kernel: kernel.4.cloned.1.call-start
scs
__scs_entry_jumppad:
0x0: {  	(pc) =	sbr.rel $0x88, $3  }
0x1: {  	(tag) =	ssettag $0x0;
	lr =	simm.s32 $0x1  }
0x2: {  	[smem:$0x3F9F] =	sst lr;
	_ =	strace $0xD0000000  }
0x3: {  	_ = 	snop  }
0x4: {  	_ = 	snop  }
0x5: {  	_ = 	snop  }
0x6: {  	_ = 	snop  }
0x7: {  	_ = 	snop  }
__scs_overlays_trampoline_lowered:
0x8: {  	[smem:$0x3FAE] =	sst s0  }
0x9: {  	[smem:$0x3FAF] =	sst s1  }
0xa: {  	[smem:$0x3FB0] =	sst s2  }
0xb: {  	[smem:$0x3FB1] =	sst s3  }
0xc: {  	[smem:$0x3FB2] =	sst s4  }
0xd: {  	[smem:$0x3FB3] =	sst s5  }
0xe: {  	[smem:$0x3FB4] =	sst s6  }
0xf: {  	[smem:$0x3FB5] =	sst s7  }
0x10: {  	[smem:$0x3FB6] =	sst s8  }
0x11: {  	[smem:$0x3FB7] =	sst s9;
	s0 =	simm.s32 @!p0 $0x0  }
0x12: {  	s1 =	sld [smem:$0x3F9D];
	s0 =	simm.s32 @p0 $0x1  }
0x13: {  	[smem:$0x3FB8] =	sst s0;
	s0 =	simm.s32 @!p1 $0x0  }
0x14: {  	s2 =	sld [smem:$0x3F9C];
	s0 =	simm.s32 @p1 $0x1  }
0x15: {  	[smem:$0x3FB9] =	sst s0;
	s0 =	simm.s32 @!p2 $0x0  }
0x16: {  	s3 =	sld [smem:$0x3FDB];
	s0 =	simm.s32 @p2 $0x1  }
0x17: {  	s4 =	simm.s32 $0x1BF5;
	[smem:$0x3FBB] =	sst s0  }
0x18: {  	s0 =	sld [smem:$0x3F9E];
	_ =	swait.ge [sflag:s4], $0x0  }
0x19: {  	s7 =	sld [smem:$0x3F9F]  }
0x1a: {  	s8 =	sadd.s32 $0xFFFFE003, lr  }
0x1b: {  	s9 =	sadd.s32 $0xFFFFFEF7, lr;
	s5 =	simm.s32 $0xFFFFFFFF;
	p2 =	slt.u32 s8, $0xFFFFF086  }
0x1c: {  	p1 =	slt.u32 s9, $0xF7A;
	s5 =	simm.s32 @!p2 $0x0  }
0x1d: {  	s5 =	simm.s32 @p1 $0x1;
	p0 =	seq.s32 s7, s2  }
0x1e: {  	s7 =	smul.u32 @!p0 $0xF7A, s2;
	p2 =	seq.s32 @!p0 s5, $0x0  }
0x1f: {  	s9 =	smul.u32 $0xF7A, s1;
	s8 =	simm.s32 @!p0 $0x1BF5;
	p2 =	por !p2, p0  }
0x20: {  	[sflag:s8] =	ssyncset.s32 @!p0 $0xFFFFF086;
	s6 =	sadd.s32 @!p0 s3, s7;
	s7 =	simm.s32 @!p0 $0x108  }
0x21: {  	s3 =	sadd.s32 s3, s9;
	s6 =	sadd.s32 @!p0 $0x88, s6;
	s7 =	simm.s32 @p2 $0x1082  }
0x22: {  	[simem:s7], [sflag:s8] =	dma.local @!p0 [hbm:s6], $0xF7A  }
0x23: {  	s9 =	sor.u32 $0xD0000000, s2;
	s6 =	simm.s32 $0x108;
	_ =	swait.ge @!p0 [sflag:s8], $0x0  }
0x24: {  	s3 =	sadd.s32 $0x88, s3;
	s6 =	simm.s32 @!p1 $0x1082;
	[sflag:s4] =	ssyncset.s32 $0xFFFFF086  }
0x25: {  	[simem:s6], [sflag:s4] =	dma.local [hbm:s3], $0xF7A  }
0x26: {  	[smem:$0x3F9F] =	sst s1;
	(tag) =	ssettag s2;
	_ =	strace s9  }
0x27: {  	s1 =	sld [smem:$0x3FAF]  }
0x28: {  	s2 =	sld [smem:$0x3FB0]  }
0x29: {  	s4 =	sld [smem:$0x3FB2]  }
0x2a: {  	p0 =	seq.s32 s5, $0x0;
	s5 =	sld [smem:$0x3FB3]  }
0x2b: {  	s6 =	sld [smem:$0x3FB4]  }
0x2c: {  	s7 =	sld [smem:$0x3FB5]  }
0x2d: {  	s3 =	simm.s32 $0x108;
	s8 =	sld [smem:$0x3FB6]  }
0x2e: {  	s3 =	simm.s32 @!p0 $0x1082;
	s9 =	sld [smem:$0x3FB7]  }
0x2f: {  	lr =	sadd.s32 s0, s3;
	s0 =	sld [smem:$0x3FAE]  }
0x30: {  	s3 =	sld [smem:$0x3FB1]  }
0x31: {  	[smem:$0x3FBA] =	sst s10  }
0x32: {  	s10 =	sld [smem:$0x3FB8];
	_ =	sdelay $0x3  }
0x33: {  	p0 =	seq.s32 s10, $0x1;
	s10 =	sld [smem:$0x3FBA];
	_ =	sdelay $0x3  }
0x34: {  	[smem:$0x3FBA] =	sst s10  }
0x35: {  	s10 =	sld [smem:$0x3FB9];
	_ =	sdelay $0x3  }
0x36: {  	p1 =	seq.s32 s10, $0x1;
	s10 =	sld [smem:$0x3FBA];
	_ =	sdelay $0x3  }
0x37: {  	[smem:$0x3FBA] =	sst s10  }
0x38: {  	s10 =	sld [smem:$0x3FBB]  }
0x39: {  	_ = 	snop;
	(pc) =	sbr.ind lr, $3  }
0x3a: {  	_ = 	snop  }
0x3b: {  	_ = 	snop  }
0x3c: {  	p2 =	seq.s32 s10, $0x1;
	s10 =	sld [smem:$0x3FBA]  }
0x3d: {  	_ =	shalt  }
0x3e: {  	_ =	shalt  }
0x3f: {  	_ =	shalt  }
0x40: {  	_ =	shalt  }
0x41: {  	_ =	shalt  }
0x42: {  	_ =	shalt  }
0x43: {  	_ =	shalt  }
0x44: {  	_ =	shalt  }
0x45: {  	_ =	shalt  }
0x46: {  	_ =	shalt  }
0x47: {  	_ =	shalt  }
0x48: {  	_ =	shalt  }
0x49: {  	_ =	shalt  }
0x4a: {  	_ =	shalt  }
0x4b: {  	_ =	shalt  }
0x4c: {  	_ =	shalt  }
0x4d: {  	_ =	shalt  }
0x4e: {  	_ =	shalt  }
0x4f: {  	_ =	shalt  }
0x50: {  	_ =	shalt  }
0x51: {  	_ =	shalt  }
0x52: {  	_ =	shalt  }
0x53: {  	_ =	shalt  }
0x54: {  	_ =	shalt  }
0x55: {  	_ =	shalt  }
0x56: {  	_ =	shalt  }
0x57: {  	_ =	shalt  }
0x58: {  	_ =	shalt  }
0x59: {  	_ =	shalt  }
0x5a: {  	_ =	shalt  }
0x5b: {  	_ =	shalt  }
0x5c: {  	_ =	shalt  }
0x5d: {  	_ =	shalt  }
0x5e: {  	_ =	shalt  }
0x5f: {  	_ =	shalt  }
0x60: {  	_ =	shalt  }
0x61: {  	_ =	shalt  }
0x62: {  	_ =	shalt  }
0x63: {  	_ =	shalt  }
0x64: {  	_ =	shalt  }
0x65: {  	_ =	shalt  }
0x66: {  	_ =	shalt  }
0x67: {  	_ =	shalt  }
0x68: {  	_ =	shalt  }
0x69: {  	_ =	shalt  }
0x6a: {  	_ =	shalt  }
0x6b: {  	_ =	shalt  }
0x6c: {  	_ =	shalt  }
0x6d: {  	_ =	shalt  }
0x6e: {  	_ =	shalt  }
0x6f: {  	_ =	shalt  }
0x70: {  	_ =	shalt  }
0x71: {  	_ =	shalt  }
0x72: {  	_ =	shalt  }
0x73: {  	_ =	shalt  }
0x74: {  	_ =	shalt  }
0x75: {  	_ =	shalt  }
0x76: {  	_ =	shalt  }
0x77: {  	_ =	shalt  }
0x78: {  	_ =	shalt  }
0x79: {  	_ =	shalt  }
0x7a: {  	_ =	shalt  }
0x7b: {  	_ =	shalt  }
0x7c: {  	_ =	shalt  }
0x7d: {  	_ =	shalt  }
0x7e: {  	_ =	shalt  }
0x7f: {  	_ =	shalt  }
0x80: {  	_ =	shalt  }
0x81: {  	_ =	shalt  }
0x82: {  	_ =	shalt  }
0x83: {  	_ =	shalt  }
0x84: {  	_ =	shalt  }
0x85: {  	_ =	shalt  }
0x86: {  	_ =	shalt  }
0x87: {  	_ =	shalt  }
.Lfunc_end0:
.L_simem_size_0:
called_computation_lowered:
.L_overlay_start_0:
0x88: {  	s2 =	sld [smem:$0x3FD9]  }
0x89: {  	s3 =	sld [smem:$0x3FFE];
	_ =	sdelay $0x1  }
0x8a: {  	s1 =	srdreg.scid  }
0x8b: {  	s0 =	sand.u32 $0x1, s1  }
0x8c: {  	s17 =	sshll.u32 s0, $0xA;
	s2 =	sadd.s32 s3, s2  }
0x8d: {  	s2 =	sadd.s32 s2, s17  }
0x8e: {  	[smem:$0x3FC6] =	sst s2  }
0x8f: {  	_ = 	snop  }
0x90: {  	s2 =	sld [smem:$0x3FC9]  }
0x91: {  	s18 =	sld [smem:$0x3FC8];
	(tm) =	ssettm $0x1  }
0x92: {  	s4 =	sld [smem:$0x3FFB];
	_ =	sdelay $0x3  }
0x93: {  	_ =	strace s4  }
0x94: {  	s4 =	sld [smem:$0x3FFC];
	_ =	sdelay $0x3  }
0x95: {  	_ =	strace s4  }
0x96: {  	s4 =	sld [smem:$0x3FFD];
	_ =	sdelay $0x3  }
0x97: {  	_ =	strace s4  }
0x98: {  	_ =	strace $0x8FFFFFFF  }
0x99: {  	s19 =	sld [smem:$0x3FDB];
	_ =	sdelay $0x1  }
0x9a: {  	s5 =	simm.s32 $_scs_section_size  }
0x9b: {  	s6 =	simm.s32 $_size__tile_overlayer_lowered;
	s7 =	simm.s32 $_tile_overlayer_lowered  }
0x9c: {  	s22 =	simm.s32 $0x1BFF;
	s21 =	sshll.u32 s7, $0x1;
	s4 =	sadd.s32 s5, s19  }
0x9d: {  	s8 =	simm.s32 $0x0;
	s20 =	sshll.u32 s6, $0x1;
	s6 =	sadd.s32 s21, s4  }
0x9e: {  	[timem:s8], [sflag:s22] =	dma.local [hbm:s6], s20  }
0x9f: {  	_ =	swait.ge [sflag:s22], s20  }
0xa0: {  	s5 =	ssub.s32 $0x0, s20;
	[sflag:s22] =	ssyncset.done $0x0  }
0xa1: {  	[sflag:s22] =	ssyncadd.s32 s5;
	_ =	sdelay $0x1  }
0xa2: {  	s23 =	simm.s32 $0x1B8B  }
0xa3: {  	_ =	swait.ge [sflag:s23], $0x1  }
0xa4: {  	[sflag:s23] =	ssyncset.done $0x0  }
0xa5: {  	s25 =	simm.s32 $0x1B8E;
	s24 =	sld [smem:$0x3FFE];
	[sflag:s23] =	ssyncadd.s32 $0xFFFFFFFF  }
0xa6: {  	s26 =	simm.s32 $execute0_lowered;
	[smem:$0x3FD2] =	sst s25  }
0xa7: {  	s6 =	sshll.u32 s26, $0x1;
	_ =	strace $0x80000046;
	[dreg:$0x1] =	wrdreg $0xFFFFFFFF  }
0xa8: {  	s28 =	simm.s32 $_size_execute0_lowered;
	s4 =	sadd.s32 s4, s6;
	[dreg:$0x0] =	wrdreg $0x0  }
0xa9: {  	s6 =	sshll.u32 s28, $0x1;
	[dreg:$0x2] =	wrdreg s4  }
0xaa: {  	[dreg:$0x3] =	wrdreg s6  }
0xab: {  	[dreg:$0x4] =	wrdreg $0xC0  }
0xac: {  	_ =	task [dreg:s8], $0x5FFFF  }
0xad: {  	[dreg:$0x1] =	wrdreg $0xFFFFFFFF  }
0xae: {  	[dreg:$0x0] =	wrdreg $0x60  }
0xaf: {  	[dreg:$0x2] =	wrdreg s2  }
0xb0: {  	[dreg:$0x3] =	wrdreg s18  }
0xb1: {  	[dreg:$0x4] =	wrdreg s24  }
0xb2: {  	[dreg:$0x5] =	wrdreg $0x9  }
0xb3: {  	_ =	task.clear_ibuf [dreg:s8], $0x6FFFF;
	_ =	strace $0x90000046  }
0xb4: {  	s29 =	simm.s32 $0x9;
	_ =	strace $0x80000048  }
0xb5: {  	_ =	swait.ge [sflag:s29], $0x1  }
0xb6: {  	[sflag:s29] =	ssyncadd.s32 $0xFFFFFFFF  }
0xb7: {  	_ =	strace $0x90000048  }
0xb8: {  	_ =	sfence  }
0xb9: {  	s30 =	sld [smem:$0x0];
	_ =	sdelay $0x2  }
0xba: {  	s31 =	sshll.u32 s1, $0xD;
	s1 =	sshrl.u32 s1, $0x2  }
0xbb: {  	s3 =	sand.u32 $0x4000, s31;
	s1 =	sadd.s32 s1, s30  }
0xbc: {  	s0 =	sor.u32 s3, s0;
	s1 =	sshll.u32 s1, $0x11  }
0xbd: {  	s0 =	sor.u32 s1, s0  }
0xbe: {  	s0 =	sadd.s32 $0x8F2B, s0  }
0xbf: {  	[sflag:s0] =	ssyncadd.remote.s32 $0x1  }
0xc0: {  	_ =	sfence.sel $0xFFFF  }
0xc1: {  	[dreg:$0x0] =	wrdreg $0xFFFFFFFF;
	(pc) =	sbr.abs _section_cstart, $3  }
0xc2: {  	[dreg:$0x1] =	wrdreg $0xFFFFFFFF  }
0xc3: {  	_ =	task.clear_ibuf [dreg:s8], $0x2FFFF;
	_ =	strace $0x9FFFFFFF  }
0xc4: {  	(tm) =	ssettm $0x7FFFFFFF  }
0xc5: {  	_ =	shalt  }
tec
execute0_lowered:
.L_overlay_start_1:
0x0: {  	(tag) =	ssettag $0x1  }
0x1: {  	v0 =	vimm.s32 $0x780;
	vm14 =	vcmask $0x300  }
0x2: {  	vm13 =	vcmask $0x704;
	vm12 =	vcmask $0xB08;
	vm11 =	vcmask $0xF0C  }
0x3: {  	vm10 =	vcmask $0x1310;
	vm9 =	vcmask $0x1714;
	v2 =	vlaneseq.u32  }
0x4: {  	vm7 =	vcmask $0x1B18;
	v48 =	vimm.f32 $0.0e+00;
	vm0 =	vcmask $0x1F1C  }
0x5: {  	v4 =	vimm.s32 $0x781;
	v5 =	vimm.s32 $0x782;
	vm1 =	vcmask $0x2320  }
0x6: {  	vm2 =	vcmask $0x2724;
	vm3 =	vcmask $0x2B28;
	vm4 =	vcmask $0x2F2C  }
0x7: {  	vm5 =	vcmask $0x3330;
	vm6 =	vcmask $0x3734;
	vm8 =	vcmask $0x3B38  }
0x8: {  	v6 =	vimm.s32 $0x783;
	v7 =	vimm.s32 $0x784;
	v8 =	vimm.s32 $0x785  }
0x9: {  	v9 =	vimm.s32 $0x786;
	v10 =	vimm.s32 $0x787;
	v11 =	vimm.s32 $0x788  }
0xa: {  	v12 =	vimm.s32 $0x789;
	v13 =	vimm.s32 $0x78A;
	v14 =	vimm.s32 $0x78B  }
0xb: {  	v15 =	vimm.s32 $0x78C;
	v16 =	vimm.s32 $0x78D;
	v17 =	vimm.s32 $0x78E  }
0xc: {  	v0 =	vsel vm14, $0x1, v0;
	v62 =	vmul.u32 $0x81, v2;
	v4 =	vsel vm14, $0x2, v4  }
0xd: {  	v5 =	vsel vm14, $0x3, v5;
	v6 =	vsel vm14, $0x4, v6;
	v7 =	vsel vm14, $0x5, v7  }
0xe: {  	v8 =	vsel vm14, $0x6, v8;
	v9 =	vsel vm14, $0x7, v9;
	v10 =	vsel vm14, $0x8, v10  }
0xf: {  	v11 =	vsel vm14, $0x9, v11;
	v12 =	vsel vm14, $0xA, v12;
	v13 =	vsel vm14, $0xB, v13  }
0x10: {  	v14 =	vsel vm14, $0xC, v14;
	v15 =	vsel vm14, $0xD, v15;
	v16 =	vsel vm14, $0xE, v16  }
0x11: {  	v17 =	vsel vm14, $0xF, v17;
	v24 =	vor.u32 $0x100, v2;
	v25 =	vor.u32 $0x200, v2  }
0x12: {  	v0 =	vsel vm13, $0x82, v0;
	v4 =	vsel vm13, $0x83, v4;
	v5 =	vsel vm13, $0x84, v5  }
0x13: {  	v6 =	vsel vm13, $0x85, v6;
	v7 =	vsel vm13, $0x86, v7;
	v8 =	vsel vm13, $0x87, v8  }
0x14: {  	v9 =	vsel vm13, $0x88, v9;
	v10 =	vsel vm13, $0x89, v10;
	v11 =	vsel vm13, $0x8A, v11  }
0x15: {  	v12 =	vsel vm13, $0x8B, v12;
	v13 =	vsel vm13, $0x8C, v13;
	v14 =	vsel vm13, $0x8D, v14  }
0x16: {  	v15 =	vsel vm13, $0x8E, v15;
	v16 =	vsel vm13, $0x8F, v16;
	v17 =	vsel vm13, $0x80, v17  }
0x17: {  	v0 =	vsel vm12, $0x103, v0;
	v4 =	vsel vm12, $0x104, v4;
	v5 =	vsel vm12, $0x105, v5  }
0x18: {  	v6 =	vsel vm12, $0x106, v6;
	v7 =	vsel vm12, $0x107, v7;
	v8 =	vsel vm12, $0x108, v8  }
0x19: {  	v9 =	vsel vm12, $0x109, v9;
	v10 =	vsel vm12, $0x10A, v10;
	v11 =	vsel vm12, $0x10B, v11  }
0x1a: {  	v12 =	vsel vm12, $0x10C, v12;
	v13 =	vsel vm12, $0x10D, v13;
	v14 =	vsel vm12, $0x10E, v14  }
0x1b: {  	v15 =	vsel vm12, $0x10F, v15;
	v16 =	vsel vm12, $0x100, v16;
	v17 =	vsel vm12, $0x101, v17  }
0x1c: {  	v0 =	vsel vm11, $0x184, v0;
	v4 =	vsel vm11, $0x185, v4;
	v5 =	vsel vm11, $0x186, v5  }
0x1d: {  	v6 =	vsel vm11, $0x187, v6;
	v7 =	vsel vm11, $0x188, v7;
	v8 =	vsel vm11, $0x189, v8  }
0x1e: {  	v9 =	vsel vm11, $0x18A, v9;
	v10 =	vsel vm11, $0x18B, v10;
	v11 =	vsel vm11, $0x18C, v11  }
0x1f: {  	v12 =	vsel vm11, $0x18D, v12;
	v13 =	vsel vm11, $0x18E, v13;
	v14 =	vsel vm11, $0x18F, v14  }
0x20: {  	v15 =	vsel vm11, $0x180, v15;
	v16 =	vsel vm11, $0x181, v16;
	v17 =	vsel vm11, $0x182, v17  }
0x21: {  	v1 =	vsel vm10, $0x205, v0;
	v4 =	vsel vm10, $0x206, v4;
	v5 =	vsel vm10, $0x207, v5  }
0x22: {  	v6 =	vsel vm10, $0x208, v6;
	v7 =	vsel vm10, $0x209, v7;
	v8 =	vsel vm10, $0x20A, v8  }
0x23: {  	v9 =	vsel vm10, $0x20B, v9;
	v10 =	vsel vm10, $0x20C, v10;
	v11 =	vsel vm10, $0x20D, v11  }
0x24: {  	v12 =	vsel vm10, $0x20E, v12;
	v13 =	vsel vm10, $0x20F, v13;
	v14 =	vsel vm10, $0x200, v14  }
0x25: {  	v15 =	vsel vm10, $0x201, v15;
	v16 =	vsel vm10, $0x202, v16;
	v17 =	vsel vm10, $0x203, v17  }
0x26: {  	v3 =	vsel vm9, $0x286, v1;
	v4 =	vsel vm9, $0x287, v4;
	v5 =	vsel vm9, $0x288, v5  }
0x27: {  	v6 =	vsel vm9, $0x289, v6;
	v7 =	vsel vm9, $0x28A, v7;
	v8 =	vsel vm9, $0x28B, v8  }
0x28: {  	v9 =	vsel vm9, $0x28C, v9;
	v10 =	vsel vm9, $0x28D, v10;
	v11 =	vsel vm9, $0x28E, v11  }
0x29: {  	v12 =	vsel vm9, $0x28F, v12;
	v13 =	vsel vm9, $0x280, v13;
	v14 =	vsel vm9, $0x281, v14  }
0x2a: {  	v15 =	vsel vm9, $0x282, v15;
	v16 =	vsel vm9, $0x283, v16;
	v17 =	vsel vm9, $0x284, v17  }
0x2b: {  	v3 =	vsel vm7, $0x307, v3;
	v4 =	vsel vm7, $0x308, v4;
	v5 =	vsel vm7, $0x309, v5  }
0x2c: {  	v6 =	vsel vm7, $0x30A, v6;
	v7 =	vsel vm7, $0x30B, v7;
	v8 =	vsel vm7, $0x30C, v8  }
0x2d: {  	v9 =	vsel vm7, $0x30D, v9;
	v10 =	vsel vm7, $0x30E, v10;
	v11 =	vsel vm7, $0x30F, v11  }
0x2e: {  	v12 =	vsel vm7, $0x300, v12;
	v13 =	vsel vm7, $0x301, v13;
	v14 =	vsel vm7, $0x302, v14  }
0x2f: {  	v15 =	vsel vm7, $0x303, v15;
	v16 =	vsel vm7, $0x304, v16;
	v17 =	vsel vm7, $0x305, v17  }
0x30: {  	v3 =	vsel vm0, $0x388, v3;
	v4 =	vsel vm0, $0x389, v4;
	v5 =	vsel vm0, $0x38A, v5  }
0x31: {  	v6 =	vsel vm0, $0x38B, v6;
	v7 =	vsel vm0, $0x38C, v7;
	v8 =	vsel vm0, $0x38D, v8  }
0x32: {  	v9 =	vsel vm0, $0x38E, v9;
	v10 =	vsel vm0, $0x38F, v10;
	v11 =	vsel vm0, $0x380, v11  }
0x33: {  	v12 =	vsel vm0, $0x381, v12;
	v13 =	vsel vm0, $0x382, v13;
	v14 =	vsel vm0, $0x383, v14  }
0x34: {  	v15 =	vsel vm0, $0x384, v15;
	v16 =	vsel vm0, $0x385, v16;
	v17 =	vsel vm0, $0x386, v17  }
0x35: {  	v3 =	vsel vm1, $0x409, v3;
	v4 =	vsel vm1, $0x40A, v4;
	v5 =	vsel vm1, $0x40B, v5  }
0x36: {  	v6 =	vsel vm1, $0x40C, v6;
	v7 =	vsel vm1, $0x40D, v7;
	v8 =	vsel vm1, $0x40E, v8  }
0x37: {  	v9 =	vsel vm1, $0x40F, v9;
	v10 =	vsel vm1, $0x400, v10;
	v11 =	vsel vm1, $0x401, v11  }
0x38: {  	v12 =	vsel vm1, $0x402, v12;
	v13 =	vsel vm1, $0x403, v13;
	v14 =	vsel vm1, $0x404, v14  }
0x39: {  	v15 =	vsel vm1, $0x405, v15;
	v16 =	vsel vm1, $0x406, v16;
	v17 =	vsel vm1, $0x407, v17  }
0x3a: {  	v3 =	vsel vm2, $0x48A, v3;
	v4 =	vsel vm2, $0x48B, v4;
	v5 =	vsel vm2, $0x48C, v5  }
0x3b: {  	v6 =	vsel vm2, $0x48D, v6;
	v7 =	vsel vm2, $0x48E, v7;
	v8 =	vsel vm2, $0x48F, v8  }
0x3c: {  	v9 =	vsel vm2, $0x480, v9;
	v10 =	vsel vm2, $0x481, v10;
	v11 =	vsel vm2, $0x482, v11  }
0x3d: {  	v12 =	vsel vm2, $0x483, v12;
	v13 =	vsel vm2, $0x484, v13;
	v14 =	vsel vm2, $0x485, v14  }
0x3e: {  	v15 =	vsel vm2, $0x486, v15;
	v16 =	vsel vm2, $0x487, v16;
	v17 =	vsel vm2, $0x488, v17  }
0x3f: {  	v3 =	vsel vm3, $0x50B, v3;
	v4 =	vsel vm3, $0x50C, v4;
	v5 =	vsel vm3, $0x50D, v5  }
0x40: {  	v6 =	vsel vm3, $0x50E, v6;
	v7 =	vsel vm3, $0x50F, v7;
	v8 =	vsel vm3, $0x500, v8  }
0x41: {  	v9 =	vsel vm3, $0x501, v9;
	v10 =	vsel vm3, $0x502, v10;
	v11 =	vsel vm3, $0x503, v11  }
0x42: {  	v12 =	vsel vm3, $0x504, v12;
	v13 =	vsel vm3, $0x505, v13;
	v14 =	vsel vm3, $0x506, v14  }
0x43: {  	v15 =	vsel vm3, $0x507, v15;
	v16 =	vsel vm3, $0x508, v16;
	v17 =	vsel vm3, $0x509, v17  }
0x44: {  	v3 =	vsel vm4, $0x58C, v3;
	v4 =	vsel vm4, $0x58D, v4;
	v5 =	vsel vm4, $0x58E, v5  }
0x45: {  	v6 =	vsel vm4, $0x58F, v6;
	v7 =	vsel vm4, $0x580, v7;
	v8 =	vsel vm4, $0x581, v8  }
0x46: {  	v9 =	vsel vm4, $0x582, v9;
	v10 =	vsel vm4, $0x583, v10;
	v11 =	vsel vm4, $0x584, v11  }
0x47: {  	s0 =	rddreg [dreg:$0x0];
	v12 =	vsel vm4, $0x585, v12;
	v13 =	vsel vm4, $0x586, v13;
	v14 =	vsel vm4, $0x587, v14  }
0x48: {  	s1 =	rddreg [dreg:$0x1];
	s3 =	srdreg.scid;
	v15 =	vsel vm4, $0x588, v15;
	v16 =	vsel vm4, $0x589, v16;
	v17 =	vsel vm4, $0x58A, v17  }
0x49: {  	s2 =	stileid.u32;
	s11 =	rddreg [dreg:$0x2];
	s14 =	simm.s32 $0x8000;
	v3 =	vsel vm5, $0x60D, v3;
	v4 =	vsel vm5, $0x60E, v4;
	v5 =	vsel vm5, $0x60F, v5  }
0x4a: {  	s15 =	simm.s32 $0x10100;
	s16 =	simm.s32 $0x1;
	s17 =	simm.s32 $0x3;
	v6 =	vsel vm5, $0x600, v6;
	v7 =	vsel vm5, $0x601, v7;
	v8 =	vsel vm5, $0x602, v8  }
0x4b: {  	s18 =	simm.s32 $0x10200;
	s19 =	simm.s32 $0x2;
	s20 =	simm.s32 $0x4;
	v9 =	vsel vm5, $0x603, v9;
	v10 =	vsel vm5, $0x604, v10;
	v11 =	vsel vm5, $0x605, v11  }
0x4c: {  	s21 =	simm.s32 $0x80;
	s22 =	simm.s32 $0x400;
	s23 =	simm.s32 $0x5;
	v12 =	vsel vm5, $0x606, v12;
	v13 =	vsel vm5, $0x607, v13;
	v14 =	vsel vm5, $0x608, v14  }
0x4d: {  	s24 =	simm.s32 $0x0;
	s5 =	sand.u32 $0x1, s3;
	s4 =	sshll.u32 s2, $0x1;
	v15 =	vsel vm5, $0x609, v15;
	v16 =	vsel vm5, $0x60A, v16;
	v17 =	vsel vm5, $0x60B, v17  }
0x4e: {  	s3 =	rddreg [dreg:$0x3];
	s30 =	sshrl.u32 s2, $0x2;
	s6 =	sor.u32 s5, s4;
	v3 =	vsel vm6, $0x68E, v3;
	v4 =	vsel vm6, $0x68F, v4;
	v5 =	vsel vm6, $0x680, v5  }
0x4f: {  	s4 =	simm.s32 $0x0;
	s5 =	ssub.s32 $0x2, s5;
	s10 =	smul.u32 $0x4E00, s6;
	v6 =	vsel vm6, $0x681, v6;
	v7 =	vsel vm6, $0x682, v7;
	v8 =	vsel vm6, $0x683, v8  }
0x50: {  	[smem:$0x7FF] =	sst s4;
	s7 =	sshrl.u32 s5, $0x1;
	s8 =	smul.u32 $0x4E000, s6;
	v9 =	vsel vm6, $0x684, v9;
	v10 =	vsel vm6, $0x685, v10;
	v11 =	vsel vm6, $0x686, v11  }
0x51: {  	s13 =	sshll.u32 s6, $0x7;
	_ =	strace $0x80000047;
	s12 =	ssub.s32 s5, s7;
	v12 =	vsel vm6, $0x687, v12;
	v13 =	vsel vm6, $0x688, v13;
	v14 =	vsel vm6, $0x689, v14  }
0x52: {  	s13 =	sand.u32 $0x380, s13;
	s5 =	sadd.s32 s0, s8;
	s8 =	smul.u32 $0x1800, s30;
	v15 =	vsel vm6, $0x68A, v15;
	v16 =	vsel vm6, $0x68B, v16;
	v17 =	vsel vm6, $0x68C, v17  }
.Ltmp0:
0x53: {  	s29 =	sshrl.u32 s10, $0x3;
	s9 =	sor.u32 $0x100, s10;
	v63 =	vsel vm8, $0x70F, v3;
	v60 =	vsel vm8, $0x700, v4;
	v61 =	vsel vm8, $0x701, v5;
	(pc) =	sbr.rel .LBB2_1-.Ltmp0, $4  }
0x54: {  	s12 =	smax.u32 s12, $0x1;
	s6 =	sadd.s32 s1, s29;
	s31 =	sshll.u32 s9, $0x4;
	v29 =	vsel vm8, $0x702, v6;
	v30 =	vsel vm8, $0x703, v7;
	v31 =	vsel vm8, $0x704, v8  }
0x55: {  	s9 =	sshrl.u32 s9, $0x3;
	s7 =	sadd.s32 s0, s31;
	s13 =	sor.u32 s8, s13;
	v32 =	vsel vm8, $0x705, v9;
	v33 =	vsel vm8, $0x706, v10;
	v34 =	vsel vm8, $0x707, v11  }
0x56: {  	[tilespmem:$0x1FFE0] =	vst v24;
	s8 =	sadd.s32 s1, s9;
	s9 =	sadd.s32 $0x200, s10;
	s13 =	sshrl.u32 s13, $0x3;
	v12 =	vsel vm8, $0x708, v12;
	v13 =	vsel vm8, $0x709, v13;
	v14 =	vsel vm8, $0x70A, v14;
	v8 =	vmovc v60  }
0x57: {  	[tilespmem:$0x1FFF0] =	vst v25;
	s10 =	sadd.s32 $0x300, s10;
	s11 =	sadd.s32 s11, s13;
	s13 =	simm.s32 $0x10000;
	v15 =	vsel vm8, $0x70B, v15;
	v16 =	vsel vm8, $0x70C, v16;
	v17 =	vsel vm8, $0x70D, v17;
	v7 =	vmovc v61  }
.LBB2_8:
0x58: {  	s24 =	sadd.s32 $0x1, s24  }
0x59: {  	p0 =	sne.s32 s24, s12  }
.Ltmp1:
0x5a: {  	_ = 	snop;
	(pc) =	sbr.rel @!p0 .LBB2_9-.Ltmp1, $4  }
0x5b: {  	[hbm4b:s11+s21] =	stream.strided.scatter [tilespmem:s18], [sflag:$0x5], $0x300, s22, s21, $0x38;
	[tilespmem:$0x10500] =	vst v63  }
0x5c: {  	_ =	swait.ge [sflag:s23], $0x300  }
0x5d: {  	[sflag:s23] =	ssyncset.done $0x0  }
0x5e: {  	[sflag:s23] =	ssyncadd.s32 $0xFFFFFD00  }
.LBB2_1:
0x5f: {  	[tilespmem:$0x10200] =	vst v48  }
0x60: {  	[tilespmem:$0x10210] =	vst v48  }
0x61: {  	[tilespmem:$0x10220] =	vst v48  }
0x62: {  	[tilespmem:$0x10230] =	vst v48  }
0x63: {  	[tilespmem:$0x10240] =	vst v48  }
0x64: {  	[tilespmem:$0x10250] =	vst v48  }
0x65: {  	[tilespmem:$0x10260] =	vst v48  }
0x66: {  	[tilespmem:$0x10270] =	vst v48  }
0x67: {  	[tilespmem:$0x10280] =	vst v48  }
0x68: {  	[tilespmem:$0x10290] =	vst v48  }
0x69: {  	[tilespmem:$0x102A0] =	vst v48  }
0x6a: {  	[tilespmem:$0x102B0] =	vst v48  }
0x6b: {  	[tilespmem:$0x102C0] =	vst v48  }
0x6c: {  	[tilespmem:$0x102D0] =	vst v48  }
0x6d: {  	[tilespmem:$0x102E0] =	vst v48  }
0x6e: {  	[tilespmem:$0x102F0] =	vst v48  }
0x6f: {  	[tilespmem:$0x10300] =	vst v48  }
0x70: {  	[tilespmem:$0x10310] =	vst v48  }
0x71: {  	[tilespmem:$0x10320] =	vst v48  }
0x72: {  	[tilespmem:$0x10330] =	vst v48  }
0x73: {  	[tilespmem:$0x10340] =	vst v48  }
0x74: {  	[tilespmem:$0x10350] =	vst v48  }
0x75: {  	[tilespmem:$0x10360] =	vst v48  }
0x76: {  	[tilespmem:$0x10370] =	vst v48  }
0x77: {  	[tilespmem:$0x10380] =	vst v48  }
0x78: {  	[tilespmem:$0x10390] =	vst v48  }
0x79: {  	[tilespmem:$0x103A0] =	vst v48  }
0x7a: {  	[tilespmem:$0x103B0] =	vst v48  }
0x7b: {  	[tilespmem:$0x103C0] =	vst v48  }
0x7c: {  	[tilespmem:$0x103D0] =	vst v48  }
0x7d: {  	[tilespmem:$0x103E0] =	vst v48  }
0x7e: {  	[tilespmem:$0x103F0] =	vst v48  }
0x7f: {  	[tilespmem:$0x10400] =	vst v48  }
0x80: {  	[tilespmem:$0x10410] =	vst v48  }
0x81: {  	[tilespmem:$0x10420] =	vst v48  }
0x82: {  	[tilespmem:$0x10430] =	vst v48  }
0x83: {  	[tilespmem:$0x10440] =	vst v48  }
0x84: {  	[tilespmem:$0x10450] =	vst v48  }
0x85: {  	[tilespmem:$0x10460] =	vst v48  }
0x86: {  	[tilespmem:$0x10470] =	vst v48  }
0x87: {  	[tilespmem:$0x10480] =	vst v48  }
0x88: {  	[tilespmem:$0x10490] =	vst v48  }
0x89: {  	[tilespmem:$0x104A0] =	vst v48  }
0x8a: {  	[tilespmem:$0x104B0] =	vst v48  }
0x8b: {  	[tilespmem:$0x104C0] =	vst v48  }
0x8c: {  	[tilespmem:$0x104D0] =	vst v48  }
0x8d: {  	[tilespmem:$0x104E0] =	vst v48  }
0x8e: {  	[tilespmem:$0x104F0] =	vst v48  }
0x8f: {  	[tilespmem:s4], [sflag:$0x1] =	stream.linear.gather [hbm4b:s5+s4], $0x8000, $0x38;
	[tilespmem:$0x10500] =	vst v63  }
0x90: {  	_ = 	snop  }
0x91: {  	[tilespmem:s13], [sflag:$0x3] =	stream.linear.gather [hbm4b:s6+s4], $0x100, $0x38;
	[tilespmem:$0x10500] =	vst v63  }
0x92: {  	_ = 	snop  }
0x93: {  	[tilespmem:s14], [sflag:$0x2] =	stream.linear.gather [hbm4b:s7+s4], $0x8000, $0x38;
	[tilespmem:$0x10500] =	vst v63  }
0x94: {  	s25 =	simm.s32 $0x0  }
0x95: {  	[tilespmem:s15], [sflag:$0x4] =	stream.linear.gather [hbm4b:s8+s4], $0x100, $0x38;
	[tilespmem:$0x10500] =	vst v63  }
.LBB2_2:
0x96: {  	_ =	swait.ge [sflag:s16], $0x8000  }
0x97: {  	[sflag:s16] =	ssyncset.done $0x0  }
0x98: {  	[sflag:s16] =	ssyncadd.s32 $0xFFFF8000  }
0x99: {  	_ =	swait.ge [sflag:s17], $0x100  }
0x9a: {  	[sflag:s17] =	ssyncset.done $0x0  }
0x9b: {  	s26 =	simm.s32 $0x0;
	s28 =	simm.s32 $0x10000;
	[sflag:s17] =	ssyncadd.s32 $0xFFFFFF00  }
.LBB2_3:
0x9c: {  	s29 =	sshra.s32 s26, $0x2  }
0x9d: {  	v21 =	vld.idx.msk [tilespmem:v62+s29+$0x0], $0xffff  }
0x9e: {  	v26 =	vld.idx.msk [tilespmem:v63+s29+$0x0], $0xffff  }
0x9f: {  	v27 =	vld.idx.msk [tilespmem:v8+s29+$0x0], $0xffff  }
0xa0: {  	v28 =	vld.idx.msk [tilespmem:v7+s29+$0x0], $0xffff  }
0xa1: {  	v57 =	vmov v29;
	v29 =	vld.idx.msk [tilespmem:v29+s29+$0x0], $0xffff  }
0xa2: {  	v56 =	vmov v30;
	v30 =	vld.idx.msk [tilespmem:v30+s29+$0x0], $0xffff  }
0xa3: {  	v59 =	vld.idx.msk [tilespmem:v31+s29+$0x0], $0xffff  }
0xa4: {  	v39 =	vld.idx.msk [tilespmem:v32+s29+$0x0], $0xffff  }
0xa5: {  	v40 =	vld.idx.msk [tilespmem:v33+s29+$0x0], $0xffff  }
0xa6: {  	v41 =	vld.idx.msk [tilespmem:v34+s29+$0x0], $0xffff  }
0xa7: {  	v0 =	vld.idx.msk [tilespmem:v12+s29+$0x0], $0xffff  }
0xa8: {  	v25 =	vld.idx.msk [tilespmem:v13+s29+$0x0], $0xffff  }
0xa9: {  	v35 =	vld.idx.msk [tilespmem:v14+s29+$0x0], $0xffff  }
0xaa: {  	v36 =	vld.idx.msk [tilespmem:v15+s29+$0x0], $0xffff  }
0xab: {  	v37 =	vld.idx.msk [tilespmem:v16+s29+$0x0], $0xffff  }
0xac: {  	v38 =	vld.idx.msk [tilespmem:v17+s29+$0x0], $0xffff  }
0xad: {  	v58 =	vmov v31;
	v31 =	vld.idx.msk [tilespmem:v62+s29+$0x10], $0xffff  }
0xae: {  	v55 =	vmov v34;
	v34 =	vld.idx.msk [tilespmem:v63+s29+$0x10], $0xffff  }
0xaf: {  	v48 =	vld.idx.msk [tilespmem:v7+s29+$0x10], $0xffff  }
0xb0: {  	v52 =	vld.idx.msk [tilespmem:v32+s29+$0x10], $0xffff  }
0xb1: {  	v53 =	vld.idx.msk [tilespmem:v33+s29+$0x10], $0xffff  }
0xb2: {  	v2 =	vld.idx.msk [tilespmem:v12+s29+$0x10], $0xffff  }
0xb3: {  	v61 =	vld.idx.msk [tilespmem:v14+s29+$0x10], $0xffff  }
0xb4: {  	v9 =	vld.idx.msk [tilespmem:v15+s29+$0x10], $0xffff  }
0xb5: {  	v4 =	vld.idx.msk [tilespmem:v16+s29+$0x10], $0xffff  }
0xb6: {  	v5 =	vld.idx.msk [tilespmem:v17+s29+$0x10], $0xffff  }
0xb7: {  	v6 =	vld.idx.msk [tilespmem:v62+s29+$0x20], $0xffff  }
0xb8: {  	v60 =	vld.idx.msk [tilespmem:v63+s29+$0x20], $0xffff  }
0xb9: {  	v19 =	vld.idx.msk [tilespmem:v8+s29+$0x20], $0xffff  }
0xba: {  	v42 =	vld.idx.msk [tilespmem:v7+s29+$0x20], $0xffff  }
0xbb: {  	v46 =	vld.idx.msk [tilespmem:v32+s29+$0x20], $0xffff  }
0xbc: {  	v47 =	vld.idx.msk [tilespmem:v33+s29+$0x20], $0xffff  }
0xbd: {  	v22 =	vld.idx.msk [tilespmem:v12+s29+$0x20], $0xffff  }
0xbe: {  	v23 =	vld.idx.msk [tilespmem:v13+s29+$0x20], $0xffff  }
0xbf: {  	v24 =	vld.idx.msk [tilespmem:v14+s29+$0x20], $0xffff  }
0xc0: {  	v1 =	vld.idx.msk [tilespmem:v63+s29+$0x30], $0xffff  }
0xc1: {  	v3 =	vld.idx.msk [tilespmem:v8+s29+$0x30], $0xffff  }
0xc2: {  	v11 =	vmov v33;
	v33 =	vld.idx.msk [tilespmem:v7+s29+$0x30], $0xffff  }
0xc3: {  	v49 =	vld.idx.msk [tilespmem:v57+s29+$0x10], $0xffff  }
0xc4: {  	v50 =	vld.idx.msk [tilespmem:v56+s29+$0x10], $0xffff  }
0xc5: {  	v51 =	vld.idx.msk [tilespmem:v58+s29+$0x10], $0xffff  }
0xc6: {  	v10 =	vld.idx.msk [tilespmem:v58+s29+$0x30], $0xffff  }
0xc7: {  	[tilespmem:$0x1FDD0] =	vst v42;
	v42 =	vld.idx.msk [tilespmem:v14+s29+$0x40], $0xffff  }
0xc8: {  	v54 =	vld.idx.msk [tilespmem:v55+s29+$0x10], $0xffff  }
0xc9: {  	v43 =	vld.idx.msk [tilespmem:v57+s29+$0x20], $0xffff  }
0xca: {  	v44 =	vld.idx.msk [tilespmem:v56+s29+$0x20], $0xffff  }
0xcb: {  	[tilespmem:$0x1FE20] =	vst v10;
	v10 =	vld.idx.msk [tilespmem:v32+s29+$0x30], $0xffff  }
0xcc: {  	[tilespmem:$0x1FEF0] =	vst v42;
	v42 =	vld.idx.msk [tilespmem:v15+s29+$0x40], $0xffff  }
0xcd: {  	v45 =	vld.idx.msk [tilespmem:v58+s29+$0x20], $0xffff  }
0xce: {  	v20 =	vld.idx.msk [tilespmem:v55+s29+$0x20], $0xffff  }
0xcf: {  	v18 =	vld.idx.msk [tilespmem:v56+s29+$0x30], $0xffff  }
0xd0: {  	[tilespmem:$0x1FE40] =	vst v10;
	v10 =	vld.idx.msk [tilespmem:v11+s29+$0x30], $0xffff  }
0xd1: {  	[tilespmem:$0x1FF20] =	vst v42;
	v42 =	vld.idx.msk [tilespmem:v16+s29+$0x40], $0xffff  }
0xd2: {  	[tilespmem:$0x1FD90] =	vst v35;
	v35 =	vld.idx.msk [tilespmem:v8+s29+$0x10], $0xffff  }
0xd3: {  	[tilespmem:$0x1FDC0] =	vst v38;
	v38 =	vld.idx.msk [tilespmem:v13+s29+$0x10], $0xffff  }
0xd4: {  	[tilespmem:$0x1FD80] =	vst v25;
	v25 =	vld.idx.msk [tilespmem:v15+s29+$0x20], $0xffff  }
0xd5: {  	[tilespmem:$0x1FE60] =	vst v10;
	v10 =	vld.idx.msk [tilespmem:v55+s29+$0x30], $0xffff  }
0xd6: {  	[tilespmem:$0x1FF50] =	vst v42;
	v42 =	vld.idx.msk [tilespmem:v17+s29+$0x40], $0xffff  }
0xd7: {  	[tilespmem:$0x1FDA0] =	vst v36;
	v36 =	vld.idx.msk [tilespmem:v16+s29+$0x20], $0xffff  }
0xd8: {  	[tilespmem:$0x1FDB0] =	vst v37;
	v37 =	vld.idx.msk [tilespmem:v17+s29+$0x20], $0xffff  }
0xd9: {  	[tilespmem:$0x1FD70] =	vst v0;
	v0 =	vld.idx.msk [tilespmem:v62+s29+$0x30], $0xffff  }
0xda: {  	[tilespmem:$0x1FE80] =	vst v10;
	v10 =	vld.idx.msk [tilespmem:v12+s29+$0x30], $0xffff  }
0xdb: {  	[tilespmem:$0x1FF70] =	vst v42;
	v42 =	vld.idx.msk [tilespmem:v62+s29+$0x50], $0xffff  }
0xdc: {  	[tilespmem:$0x1FE30] =	vst v47;
	v47 =	vld.idx.msk [tilespmem:v63+s29+$0x40], $0xffff  }
0xdd: {  	[tilespmem:$0x1FE10] =	vst v46;
	v46 =	vld.idx.msk [tilespmem:v57+s29+$0x40], $0xffff  }
0xde: {  	[tilespmem:$0x1FEB0] =	vst v24;
	v24 =	vld.idx.msk [tilespmem:v56+s29+$0x40], $0xffff  }
0xdf: {  	[tilespmem:$0x1FEA0] =	vst v10;
	v10 =	vld.idx.msk [tilespmem:v13+s29+$0x30], $0xffff  }
0xe0: {  	[tilespmem:$0x1FF80] =	vst v42;
	v42 =	vld.idx.msk [tilespmem:v63+s29+$0x50], $0xffff  }
0xe1: {  	[tilespmem:$0x1FE70] =	vst v22;
	v22 =	vld.idx.msk [tilespmem:v55+s29+$0x40], $0xffff  }
0xe2: {  	[tilespmem:$0x1FE00] =	vst v45;
	v45 =	vld.idx.msk [tilespmem:v58+s29+$0x40], $0xffff  }
0xe3: {  	[tilespmem:$0x1FDF0] =	vst v44;
	v44 =	vld.idx.msk [tilespmem:v11+s29+$0x40], $0xffff  }
0xe4: {  	[tilespmem:$0x1FEC0] =	vst v10;
	v10 =	vld.idx.msk [tilespmem:v14+s29+$0x30], $0xffff  }
0xe5: {  	[tilespmem:$0x1FF90] =	vst v42;
	v42 =	vld.idx.msk [tilespmem:v8+s29+$0x50], $0xffff  }
0xe6: {  	[tilespmem:$0x1FE50] =	vst v20;
	v20 =	vld.idx.msk [tilespmem:v12+s29+$0x40], $0xffff  }
0xe7: {  	[tilespmem:$0x1FDE0] =	vst v43;
	v43 =	vld.idx.msk [tilespmem:v13+s29+$0x40], $0xffff  }
0xe8: {  	v21 =	vmax.f32 v21, $-1.000000000e+00;
	[tilespmem:$0x1FF00] =	vst v36;
	v36 =	vld.idx.msk [tilespmem:v57+s29+$0x30], $0xffff  }
0xe9: {  	v21 =	vmax.f32 v21, v26;
	[tilespmem:$0x1FEE0] =	vst v10;
	v10 =	vld.idx.msk [tilespmem:v15+s29+$0x30], $0xffff  }
0xea: {  	v21 =	vmax.f32 v21, v27;
	[tilespmem:$0x1FFA0] =	vst v42;
	v42 =	vld.idx.msk [tilespmem:v7+s29+$0x50], $0xffff  }
0xeb: {  	v21 =	vmax.f32 v21, v28;
	[tilespmem:$0x1FF30] =	vst v37;
	v37 =	vld.idx.msk [tilespmem:v62+s29+$0x40], $0xffff  }
0xec: {  	v21 =	vmax.f32 v21, v29;
	[tilespmem:$0x1FED0] =	vst v25;
	v25 =	vld.idx.msk [tilespmem:v7+s29+$0x40], $0xffff  }
0xed: {  	v21 =	vmax.f32 v21, v30;
	v30 =	vld.idx.msk [tilespmem:v13+s29+$0x50], $0xffff  }
0xee: {  	[tilespmem:$0x1FF10] =	vst v10;
	v10 =	vld.idx.msk [tilespmem:v16+s29+$0x30], $0xffff  }
0xef: {  	v0 =	vmax.f32 v0, $-1.000000000e+00;
	v21 =	vmax.f32 v21, v59;
	[tilespmem:$0x1FFB0] =	vst v42;
	v42 =	vld.idx.msk [tilespmem:v57+s29+$0x50], $0xffff  }
0xf0: {  	v59 =	vld.idx.msk [tilespmem:v14+s29+$0x50], $0xffff;
	v0 =	vmax.f32 v0, v1;
	v21 =	vmax.f32 v21, v39  }
0xf1: {  	v0 =	vmax.f32 v0, v3;
	v21 =	vmax.f32 v21, v40;
	v40 =	vld.idx.msk [tilespmem:v62+s29+$0x60], $0xffff  }
0xf2: {  	v0 =	vmax.f32 v0, v33;
	v33 =	vld.idx.msk [tilespmem:v55+s29+$0x60], $0xffff  }
0xf3: {  	[tilespmem:$0x1FF40] =	vst v10;
	v10 =	vld.idx.msk [tilespmem:v17+s29+$0x30], $0xffff  }
0xf4: {  	[tilespmem:$0x1FFC0] =	vst v42;
	v42 =	vld.idx.msk [tilespmem:v56+s29+$0x50], $0xffff  }
0xf5: {  	v21 =	vmax.f32 v21, v41;
	v41 =	vld.idx.msk [tilespmem:v63+s29+$0x60], $0xffff  }
0xf6: {  	v0 =	vmax.f32 v0, v36;
	v36 =	vld [tilespmem:$0x1FE40]  }
0xf7: {  	v0 =	vmax.f32 v0, v18;
	v18 =	vld.idx.msk [tilespmem:v12+s29+$0x60], $0xffff  }
0xf8: {  	v31 =	vmax.f32 v31, $-1.000000000e+00;
	[tilespmem:$0x1FF60] =	vst v10;
	v10 =	vmov v32;
	v32 =	vld.idx.msk [tilespmem:v8+s29+$0x40], $0xffff  }
0xf9: {  	[tilespmem:$0x1FFD0] =	vst v42;
	v42 =	vmax.f32 v31, v34;
	v31 =	vld.idx.msk [tilespmem:v58+s29+$0x50], $0xffff  }
0xfa: {  	v34 =	vld.idx.msk [tilespmem:v55+s29+$0x50], $0xffff  }
0xfb: {  	v27 =	vmax.f32 v42, v35;
	v35 =	vld.idx.msk [tilespmem:v11+s29+$0x50], $0xffff  }
0xfc: {  	v27 =	vmax.f32 v27, v48;
	v48 =	vld.idx.msk [tilespmem:v12+s29+$0x50], $0xffff  }
0xfd: {  	v27 =	vmax.f32 v27, v49;
	v49 =	vld [tilespmem:$0x1FD80]  }
0xfe: {  	[tilespmem:$0x1FE90] =	vst v23;
	v23 =	vld.idx.msk [tilespmem:v10+s29+$0x40], $0xffff  }
0xff: {  	v26 =	vld.idx.msk [tilespmem:v10+s29+$0x50], $0xffff  }
0x100: {  	v27 =	vmax.f32 v27, v50;
	v50 =	vld [tilespmem:$0x1FD90]  }
0x101: {  	v27 =	vmax.f32 v27, v51;
	v51 =	vld [tilespmem:$0x1FDA0]  }
0x102: {  	v27 =	vmax.f32 v27, v52;
	v52 =	vld [tilespmem:$0x1FDB0]  }
0x103: {  	v28 =	vmax.f32 v27, v53;
	v27 =	vld.idx.msk [tilespmem:v15+s29+$0x50], $0xffff  }
0x104: {  	v29 =	vmax.f32 v28, v54;
	v54 =	vld [tilespmem:$0x1FD70]  }
0x105: {  	v53 =	vld [tilespmem:$0x1FDC0]  }
0x106: {  	v28 =	vld.idx.msk [tilespmem:v16+s29+$0x50], $0xffff  }
0x107: {  	v42 =	vmax.f32 v29, v2;
	v29 =	vld.idx.msk [tilespmem:v17+s29+$0x50], $0xffff  }
0x108: {  	v2 =	vld.idx.msk [tilespmem:v10+s29+$0x60], $0xffff  }
0x109: {  	v39 =	vmax.f32 v42, v38;
	v42 =	vld.idx.msk [tilespmem:v8+s29+$0x60], $0xffff;
	v21 =	vmax.f32 v21, v54  }
0x10a: {  	v38 =	vld [tilespmem:$0x1FDE0];
	v21 =	vmax.f32 v21, v49  }
0x10b: {  	v39 =	vmax.f32 v39, v61;
	v61 =	vld [tilespmem:$0x1FDD0];
	v21 =	vmax.f32 v21, v50  }
0x10c: {  	v49 =	vld.idx.msk [tilespmem:v7+s29+$0x60], $0xffff;
	v21 =	vmax.f32 v21, v51  }
0x10d: {  	v37 =	vmax.f32 v37, $-1.000000000e+00;
	v39 =	vmax.f32 v39, v9;
	v51 =	vld.idx.msk [tilespmem:v57+s29+$0x60], $0xffff;
	v21 =	vmax.f32 v21, v52  }
0x10e: {  	v39 =	vmax.f32 v39, v4;
	v54 =	vmax.f32 v6, $-1.000000000e+00;
	v52 =	vld.idx.msk [tilespmem:v56+s29+$0x60], $0xffff;
	v50 =	vmax.f32 v21, v53  }
0x10f: {  	v21 =	vmax.f32 v39, v5;
	v39 =	vmax.f32 v54, v60;
	v60 =	vmax.f32 v37, v47;
	v37 =	vld.idx.msk [tilespmem:v58+s29+$0x60], $0xffff  }
0x110: {  	v47 =	vld [tilespmem:$0x1FDF0]  }
0x111: {  	v40 =	vmax.f32 v40, $-1.000000000e+00;
	v53 =	vld [tilespmem:$0x1FE00]  }
0x112: {  	v40 =	vmax.f32 v40, v41;
	v54 =	vld [tilespmem:$0x1FE10]  }
0x113: {  	v40 =	vmax.f32 v40, v42;
	v39 =	vmax.f32 v39, v19;
	v19 =	vld.idx.msk [tilespmem:v13+s29+$0x60], $0xffff  }
0x114: {  	v1 =	vmax.f32 v60, v32;
	v40 =	vmax.f32 v40, v49;
	v49 =	vld [tilespmem:$0x1FFD0]  }
0x115: {  	v1 =	vmax.f32 v1, v25;
	v25 =	vld.idx.msk [tilespmem:v11+s29+$0x60], $0xffff  }
0x116: {  	v39 =	vmax.f32 v39, v61;
	v61 =	vld [tilespmem:$0x1FE20]  }
0x117: {  	v39 =	vmax.f32 v39, v38;
	v38 =	vld [tilespmem:$0x1FE50]  }
0x118: {  	v1 =	vmax.f32 v1, v46;
	v46 =	vld [tilespmem:$0x1FE80]  }
0x119: {  	v1 =	vmax.f32 v1, v24;
	v32 =	vmax.f32 v39, v47;
	v39 =	vld [tilespmem:$0x1FE60]  }
0x11a: {  	v1 =	vmax.f32 v1, v45;
	v45 =	vld [tilespmem:$0x1FE70]  }
0x11b: {  	v47 =	vld [tilespmem:$0x1FE90]  }
0x11c: {  	v1 =	vmax.f32 v1, v23;
	v23 =	vld.idx.msk [tilespmem:v14+s29+$0x60], $0xffff  }
0x11d: {  	v32 =	vmax.f32 v32, v53;
	v53 =	vld [tilespmem:$0x1FEA0]  }
0x11e: {  	v60 =	vmax.f32 v32, v54;
	v32 =	vld [tilespmem:$0x1FE30]  }
0x11f: {  	v54 =	vld [tilespmem:$0x1FEB0]  }
0x120: {  	v0 =	vmax.f32 v0, v61;
	v61 =	vld [tilespmem:$0x1FED0]  }
0x121: {  	v1 =	vmax.f32 v1, v44;
	v44 =	vld [tilespmem:$0x1FF10]  }
0x122: {  	v1 =	vmax.f32 v1, v22;
	v22 =	vld.idx.msk [tilespmem:v16+s29+$0x60], $0xffff  }
0x123: {  	v0 =	vmax.f32 v0, v36;
	v36 =	vld.idx.msk [tilespmem:v62+s29+$0x70], $0xffff  }
0x124: {  	v1 =	vmax.f32 v1, v20;
	v20 =	vld.idx.msk [tilespmem:v17+s29+$0x60], $0xffff  }
0x125: {  	v0 =	vmax.f32 v0, v39;
	v39 =	vld [tilespmem:$0x1FEF0]  }
0x126: {  	v1 =	vmax.f32 v1, v43;
	v43 =	vld [tilespmem:$0x1FF00]  }
0x127: {  	v0 =	vmax.f32 v0, v46;
	v46 =	vld [tilespmem:$0x1FF30]  }
0x128: {  	v24 =	vmax.f32 v60, v32;
	v60 =	vld [tilespmem:$0x1FEC0]  }
0x129: {  	v24 =	vmax.f32 v24, v38;
	v38 =	vld [tilespmem:$0x1FEE0]  }
0x12a: {  	v24 =	vmax.f32 v24, v45;
	v45 =	vld [tilespmem:$0x1FF20]  }
0x12b: {  	v24 =	vmax.f32 v24, v47;
	v47 =	vld [tilespmem:$0x1FF40]  }
0x12c: {  	v0 =	vmax.f32 v0, v53;
	v53 =	vld [tilespmem:$0x1FF50]  }
0x12d: {  	v24 =	vmax.f32 v24, v54;
	v54 =	vld [tilespmem:$0x1FF60];
	v0 =	vmax.f32 v0, v60  }
0x12e: {  	v60 =	vld [tilespmem:$0x1FF70];
	v0 =	vmax.f32 v0, v38  }
0x12f: {  	v1 =	vmax.f32 v1, v39;
	v24 =	vmax.f32 v24, v61;
	v61 =	vld [tilespmem:$0x1FF80];
	v0 =	vmax.f32 v0, v44  }
0x130: {  	v1 =	vmax.f32 v1, v45;
	v0 =	vmax.f32 v0, v47;
	v47 =	vld [tilespmem:$0x1FF90]  }
0x131: {  	v1 =	vmax.f32 v1, v53;
	v53 =	vld [tilespmem:$0x1FFA0]  }
0x132: {  	v0 =	vmax.f32 v0, v54;
	v54 =	vld [tilespmem:$0x1FFB0]  }
0x133: {  	v32 =	vld.idx.msk [tilespmem:v15+s29+$0x60], $0xffff  }
0x134: {  	v39 =	vld.idx.msk [tilespmem:v63+s29+$0x70], $0xffff;
	v38 =	vmax.f32 v61, $-1.000000000e+00  }
0x135: {  	v24 =	vmax.f32 v24, v43;
	v43 =	vld.idx.msk [tilespmem:v8+s29+$0x70], $0xffff;
	v45 =	vmax.f32 v38, v47  }
0x136: {  	v44 =	vld.idx.msk [tilespmem:v7+s29+$0x70], $0xffff;
	v45 =	vmax.f32 v45, v53  }
0x137: {  	v1 =	vmax.f32 v1, v60;
	v60 =	vmax.f32 v45, v54;
	v45 =	vld [tilespmem:$0x1FFC0]  }
0x138: {  	v24 =	vmax.f32 v24, v46;
	v46 =	vld.idx.msk [tilespmem:v57+s29+$0x70], $0xffff  }
0x139: {  	v36 =	vmax.f32 v36, $-1.000000000e+00;
	v47 =	vld.idx.msk [tilespmem:v56+s29+$0x70], $0xffff  }
0x13a: {  	v36 =	vmax.f32 v36, v39;
	v39 =	vld.idx.msk [tilespmem:v58+s29+$0x70], $0xffff  }
0x13b: {  	v61 =	vld.idx.msk [tilespmem:v10+s29+$0x70], $0xffff;
	v36 =	vmax.f32 v36, v43  }
0x13c: {  	v43 =	vld.idx.msk [tilespmem:v11+s29+$0x70], $0xffff;
	v36 =	vmax.f32 v36, v44;
	v41 =	vmax.f32 v60, v45  }
0x13d: {  	v40 =	vmax.f32 v40, v51;
	v36 =	vmax.f32 v36, v46;
	v53 =	vld.idx.msk [tilespmem:v55+s29+$0x70], $0xffff;
	v41 =	vmax.f32 v41, v49  }
0x13e: {  	v40 =	vmax.f32 v40, v52;
	v54 =	vld.idx.msk [tilespmem:v12+s29+$0x70], $0xffff;
	v36 =	vmax.f32 v36, v47;
	v31 =	vmax.f32 v41, v31  }
0x13f: {  	v36 =	vmax.f32 v36, v39;
	v60 =	vld.idx.msk [tilespmem:v13+s29+$0x70], $0xffff;
	v26 =	vmax.f32 v31, v26;
	v31 =	vmax.f32 v40, v37  }
0x140: {  	v41 =	vmax.f32 v24, v0;
	v2 =	vmax.f32 v31, v2;
	v31 =	vmax.f32 v36, v61;
	v61 =	vld.idx.msk [tilespmem:v14+s29+$0x70], $0xffff  }
0x141: {  	v26 =	vmax.f32 v26, v35;
	v2 =	vmax.f32 v2, v25;
	v36 =	vmax.f32 v31, v43;
	v31 =	vld.idx.msk [tilespmem:v15+s29+$0x70], $0xffff  }
0x142: {  	v38 =	vld.idx.msk [tilespmem:v16+s29+$0x70], $0xffff;
	v26 =	vmax.f32 v26, v34;
	v2 =	vmax.f32 v2, v33;
	v25 =	vmax.f32 v36, v53  }
0x143: {  	v39 =	vld.idx.msk [tilespmem:v17+s29+$0x70], $0xffff;
	v26 =	vmax.f32 v26, v48;
	v2 =	vmax.f32 v2, v18;
	v18 =	vmax.f32 v25, v54  }
0x144: {  	v26 =	vmax.f32 v26, v30;
	v2 =	vmax.f32 v2, v19;
	v18 =	vmax.f32 v18, v60  }
0x145: {  	v26 =	vmax.f32 v26, v59;
	v2 =	vmax.f32 v2, v23;
	v18 =	vmax.f32 v18, v61  }
0x146: {  	v19 =	vmax.f32 v26, v27;
	v2 =	vmax.f32 v2, v32;
	v18 =	vmax.f32 v18, v31  }
0x147: {  	v19 =	vmax.f32 v19, v28;
	v2 =	vmax.f32 v2, v22;
	v18 =	vmax.f32 v18, v38  }
0x148: {  	v19 =	vmax.f32 v19, v29;
	v2 =	vmax.f32 v2, v20;
	v18 =	vmax.f32 v18, v39  }
0x149: {  	v40 =	vmax.f32 v50, v21;
	v42 =	vmax.f32 v1, v19;
	v25 =	vmax.f32 v2, v18  }
0x14a: {  	v20 =	vmax.f32 v40, v41;
	v43 =	vmax.f32 v42, v25  }
0x14b: {  	v20 =	vmax.f32 v20, v43  }
0x14c: {  	v5 =	vimm.s32 $0x0;
	vm0 =	veq.f32 v18, v20  }
0x14d: {  	vm4 =	veq.f32 v2, v20;
	v18 =	vsel vm0, $0x70, v5  }
0x14e: {  	vm5 =	veq.f32 v19, v20;
	v2 =	vsel vm4, $0x60, v18  }
0x14f: {  	vm6 =	veq.f32 v1, v20;
	v2 =	vsel vm5, $0x50, v2  }
0x150: {  	vm7 =	veq.f32 v0, v20;
	v1 =	vsel vm6, $0x40, v2  }
0x151: {  	vm8 =	veq.f32 v24, v20;
	v0 =	vsel vm7, $0x30, v1  }
0x152: {  	vm9 =	veq.f32 v21, v20;
	v0 =	vsel vm8, $0x20, v0  }
0x153: {  	v0 =	vsel vm9, $0x10, v0  }
0x154: {  	v44 =	vadd.s32 v17, v0;
	_ =	sdelay $0x2  }
0x155: {  	v45 =	vadd.s32 v16, v0  }
0x156: {  	v18 =	vadd.s32 v15, v0  }
0x157: {  	v19 =	vld.idx.msk [tilespmem:v44+s29+$0x0], $0xffff;
	_ =	sdelay $0x2  }
0x158: {  	v46 =	vadd.s32 v14, v0;
	v47 =	vld.idx.msk [tilespmem:v45+s29+$0x0], $0xffff  }
0x159: {  	v48 =	vadd.s32 v13, v0;
	v49 =	vld.idx.msk [tilespmem:v18+s29+$0x0], $0xffff  }
0x15a: {  	vm10 =	veq.f32 v19, v20;
	v19 =	vadd.s32 v12, v0;
	_ =	sdelay $0x1  }
0x15b: {  	v51 =	vadd.s32 v55, v0;
	v1 =	vand.u32 $0x7F, v44  }
0x15c: {  	v2 =	vand.u32 $0x7F, v45;
	v50 =	vld.idx.msk [tilespmem:v46+s29+$0x0], $0xffff;
	vm11 =	veq.f32 v47, v20;
	v1 =	vsel vm10, v1, v0  }
0x15d: {  	v52 =	vld.idx.msk [tilespmem:v48+s29+$0x0], $0xffff;
	v18 =	vand.u32 $0x7F, v18;
	vm12 =	veq.f32 v49, v20;
	v1 =	vsel vm11, v2, v1  }
0x15e: {  	v53 =	vadd.s32 v11, v0;
	v1 =	vsel vm12, v18, v1;
	v18 =	vld.idx.msk [tilespmem:v19+s29+$0x0], $0xffff  }
0x15f: {  	v54 =	vadd.s32 v10, v0;
	_ =	sdelay $0x1  }
0x160: {  	v61 =	vadd.s32 v58, v0;
	v21 =	vand.u32 $0x7F, v46;
	vm13 =	veq.f32 v50, v20  }
0x161: {  	v60 =	vand.u32 $0x7F, v48;
	v59 =	vld.idx.msk [tilespmem:v51+s29+$0x0], $0xffff;
	vm14 =	veq.f32 v52, v20;
	v1 =	vsel vm13, v21, v1  }
0x162: {  	v35 =	vld.idx.msk [tilespmem:v53+s29+$0x0], $0xffff;
	v1 =	vsel vm14, v60, v1;
	vm15 =	veq.f32 v18, v20;
	v18 =	vand.u32 $0x7F, v19  }
0x163: {  	v19 =	vadd.s32 v56, v0;
	v1 =	vsel vm15, v18, v1;
	v18 =	vld.idx.msk [tilespmem:v54+s29+$0x0], $0xffff  }
0x164: {  	v37 =	vadd.s32 v57, v0  }
0x165: {  	v40 =	vadd.s32 v7, v0  }
0x166: {  	v42 =	vadd.s32 v8, v0;
	v36 =	vand.u32 $0x7F, v51;
	v38 =	vld.idx.msk [tilespmem:v61+s29+$0x0], $0xffff;
	vm4 =	veq.f32 v59, v20  }
0x167: {  	v39 =	vand.u32 $0x7F, v53;
	vm5 =	veq.f32 v35, v20;
	v1 =	vsel vm4, v36, v1  }
0x168: {  	v1 =	vsel vm5, v39, v1;
	v41 =	vld.idx.msk [tilespmem:v19+s29+$0x0], $0xffff;
	vm6 =	veq.f32 v18, v20;
	v18 =	vand.u32 $0x7F, v54  }
0x169: {  	v1 =	vsel vm6, v18, v1;
	v18 =	vld.idx.msk [tilespmem:v37+s29+$0x0], $0xffff  }
0x16a: {  	v44 =	vadd.s32 v63, v0;
	v46 =	vmul.f32 $1.500000000e+01, v20  }
0x16b: {  	v43 =	vand.u32 $0x7F, v61;
	vm7 =	veq.f32 v38, v20  }
0x16c: {  	v45 =	vld.idx.msk [tilespmem:v40+s29+$0x0], $0xffff;
	v0 =	vadd.s32 v62, v0;
	v47 =	vand.u32 $0x7F, v19;
	v19 =	vtrunc.f32 v46  }
0x16d: {  	v48 =	vld.idx.msk [tilespmem:v42+s29+$0x0], $0xffff;
	v19 =	vcvt.f32.s32 v19;
	v1 =	vsel vm7, v43, v1;
	vm8 =	veq.f32 v41, v20  }
0x16e: {  	v50 =	vld [tilespmem:$0x1FFE0];
	v1 =	vsel vm8, v47, v1;
	vm9 =	veq.f32 v18, v20;
	v18 =	vand.u32 $0x7F, v37  }
0x16f: {  	v1 =	vsel vm9, v18, v1;
	v18 =	vld.idx.msk [tilespmem:v44+s29+$0x0], $0xffff  }
0x170: {  	v3 =	vimm.f32 $0.0e+00;
	v4 =	vlaneseq.u32;
	v53 =	vld [tilespmem:$0x1FFF0];
	vm1 =	vlt.s32 v19, $0xE  }
0x171: {  	v49 =	vand.u32 $0x7F, v40;
	v52 =	vand.u32 $0x7F, v42;
	v51 =	vld.idx.msk [tilespmem:v0+s29+$0x0], $0xffff;
	v19 =	vnsel vm1, $0xE, v19  }
0x172: {  	vm10 =	veq.f32 v45, v20;
	vm11 =	veq.f32 v48, v20;
	v19 =	vshll.u32 v19, $0x4  }
0x173: {  	v54 =	vld [tilespmem:s28+$0x0];
	v59 =	vor.u32 v4, v19;
	v60 =	vadd.s32 v50, v19;
	v1 =	vsel vm10, v49, v1  }
0x174: {  	v1 =	vsel vm11, v52, v1;
	vm12 =	veq.f32 v18, v20;
	v18 =	vand.u32 $0x7F, v44  }
0x175: {  	p0 =	sne.s32 s26, $0x1E000;
	vm13 =	vgt.f32 v20, $0.0e+00;
	v1 =	vsel vm12, v18, v1;
	v18 =	vadd.s32 v53, v19  }
.Ltmp2:
0x176: {  	v0 =	vand.u32 $0x7F, v0;
	vm14 =	veq.f32 v51, v20;
	v19 =	vsel vm13, $0x3F800000, v3;
	(pc) =	sbr.rel @p0 .LBB2_3-.Ltmp2, $4  }
0x177: {  	v0 =	vsel vm14, v0, v1;
	v61 =	vmul.f32 v19, v20  }
0x178: {  	[tilespmem:v59+s18+$0x0] =	vst.idx.add.f32.msk $0xffff, v19;
	vm15 =	veq.s32 v0, v54  }
0x179: {  	v34 =	vmov v55;
	[tilespmem:v60+s18+$0x0] =	vst.idx.add.f32.msk $0xffff, v61;
	v0 =	vnsel vm15, $0x0, v19  }
0x17a: {  	s26 =	sadd.s32 $0x2000, s26;
	v33 =	vmovc v11;
	v30 =	vmovc v56;
	v32 =	vmov v10;
	v31 =	vmov v58;
	v29 =	vmov v57;
	s28 =	sadd.s32 $0x10, s28;
	[tilespmem:v18+s18+$0x0] =	vst.idx.add.f32.msk $0xffff, v0  }
0x17b: {  	s26 =	sshll.u32 s25, $0x9;
	p0 =	seq.s32 s25, $0x26  }
0x17c: {  	s28 =	sadd.s32 @!p0 s26, s9  }
0x17d: {  	s29 =	sshll.u32 @!p0 s28, $0x4  }
0x17e: {  	s29 =	sand.u32 @!p0 $0x1FFFE000, s29  }
0x17f: {  	s30 =	simm.s32 @!p0 $0x0;
	s28 =	sshrl.u32 @!p0 s28, $0x3;
	s29 =	sadd.s32 @!p0 s0, s29  }
0x180: {  	[tilespmem:s30], [sflag:$0x1] =	stream.linear.gather @!p0 [hbm4b:s29+s30], $0x8000, $0x38;
	[tilespmem:$0x10500] =	vst v63  }
0x181: {  	s28 =	sadd.s32 @!p0 s1, s28;
	s29 =	simm.s32 @!p0 $0x10000  }
0x182: {  	[tilespmem:s29], [sflag:$0x3] =	stream.linear.gather @!p0 [hbm4b:s28+s30], $0x100, $0x38;
	[tilespmem:$0x10500] =	vst v63  }
0x183: {  	_ =	swait.ge [sflag:s19], $0x8000  }
0x184: {  	[sflag:s19] =	ssyncset.done $0x0  }
0x185: {  	[sflag:s19] =	ssyncadd.s32 $0xFFFF8000  }
0x186: {  	_ =	swait.ge [sflag:s20], $0x100  }
0x187: {  	[sflag:s20] =	ssyncset.done $0x0  }
0x188: {  	s28 =	simm.s32 $0x0;
	s29 =	simm.s32 $0x10100;
	[sflag:s20] =	ssyncadd.s32 $0xFFFFFF00  }
.LBB2_5:
0x189: {  	s30 =	sshra.s32 s28, $0x2  }
0x18a: {  	v2 =	vld.idx.msk [tilespmem:v62+s30+$0x8000], $0xffff  }
0x18b: {  	v20 =	vld.idx.msk [tilespmem:v63+s30+$0x8000], $0xffff  }
0x18c: {  	v21 =	vld.idx.msk [tilespmem:v8+s30+$0x8000], $0xffff  }
0x18d: {  	v25 =	vld.idx.msk [tilespmem:v7+s30+$0x8000], $0xffff  }
0x18e: {  	v26 =	vld.idx.msk [tilespmem:v29+s30+$0x8000], $0xffff  }
0x18f: {  	v27 =	vld.idx.msk [tilespmem:v30+s30+$0x8000], $0xffff  }
0x190: {  	v28 =	vld.idx.msk [tilespmem:v31+s30+$0x8000], $0xffff  }
0x191: {  	v29 =	vld.idx.msk [tilespmem:v32+s30+$0x8000], $0xffff  }
0x192: {  	v32 =	vld.idx.msk [tilespmem:v33+s30+$0x8000], $0xffff  }
0x193: {  	v33 =	vld.idx.msk [tilespmem:v34+s30+$0x8000], $0xffff  }
0x194: {  	v36 =	vld.idx.msk [tilespmem:v12+s30+$0x8000], $0xffff  }
0x195: {  	v0 =	vld.idx.msk [tilespmem:v13+s30+$0x8000], $0xffff  }
0x196: {  	v52 =	vld.idx.msk [tilespmem:v14+s30+$0x8000], $0xffff  }
0x197: {  	v53 =	vld.idx.msk [tilespmem:v15+s30+$0x8000], $0xffff  }
0x198: {  	v54 =	vld.idx.msk [tilespmem:v16+s30+$0x8000], $0xffff  }
0x199: {  	v59 =	vld.idx.msk [tilespmem:v17+s30+$0x8000], $0xffff  }
0x19a: {  	v30 =	vld.idx.msk [tilespmem:v62+s30+$0x8010], $0xffff  }
0x19b: {  	v31 =	vld.idx.msk [tilespmem:v63+s30+$0x8010], $0xffff  }
0x19c: {  	v34 =	vld.idx.msk [tilespmem:v8+s30+$0x8010], $0xffff  }
0x19d: {  	v35 =	vld.idx.msk [tilespmem:v7+s30+$0x8010], $0xffff  }
0x19e: {  	v42 =	vld.idx.msk [tilespmem:v57+s30+$0x8010], $0xffff  }
0x19f: {  	v39 =	vld.idx.msk [tilespmem:v55+s30+$0x8020], $0xffff  }
0x1a0: {  	v43 =	vld.idx.msk [tilespmem:v56+s30+$0x8010], $0xffff  }
0x1a1: {  	v44 =	vld.idx.msk [tilespmem:v58+s30+$0x8010], $0xffff  }
0x1a2: {  	v45 =	vld.idx.msk [tilespmem:v10+s30+$0x8010], $0xffff  }
0x1a3: {  	v46 =	vld.idx.msk [tilespmem:v11+s30+$0x8010], $0xffff  }
0x1a4: {  	[tilespmem:$0x1FBD0] =	vst v39;
	v39 =	vld.idx.msk [tilespmem:v55+s30+$0x8030], $0xffff  }
0x1a5: {  	v47 =	vld.idx.msk [tilespmem:v55+s30+$0x8010], $0xffff  }
0x1a6: {  	v48 =	vld.idx.msk [tilespmem:v12+s30+$0x8010], $0xffff  }
0x1a7: {  	v49 =	vld.idx.msk [tilespmem:v13+s30+$0x8010], $0xffff  }
0x1a8: {  	v50 =	vld.idx.msk [tilespmem:v14+s30+$0x8010], $0xffff  }
0x1a9: {  	[tilespmem:$0x1FC00] =	vst v39;
	v39 =	vld.idx.msk [tilespmem:v13+s30+$0x8040], $0xffff  }
0x1aa: {  	v51 =	vld.idx.msk [tilespmem:v15+s30+$0x8010], $0xffff  }
0x1ab: {  	v24 =	vld.idx.msk [tilespmem:v63+s30+$0x8020], $0xffff  }
0x1ac: {  	v41 =	vld.idx.msk [tilespmem:v8+s30+$0x8020], $0xffff  }
0x1ad: {  	v60 =	vld.idx.msk [tilespmem:v7+s30+$0x8020], $0xffff  }
0x1ae: {  	[tilespmem:$0x1FC50] =	vst v39;
	v39 =	vld.idx.msk [tilespmem:v14+s30+$0x8040], $0xffff  }
0x1af: {  	v61 =	vld.idx.msk [tilespmem:v57+s30+$0x8020], $0xffff  }
0x1b0: {  	v22 =	vld.idx.msk [tilespmem:v56+s30+$0x8020], $0xffff  }
0x1b1: {  	v23 =	vld.idx.msk [tilespmem:v58+s30+$0x8020], $0xffff  }
0x1b2: {  	v37 =	vld.idx.msk [tilespmem:v10+s30+$0x8020], $0xffff  }
0x1b3: {  	[tilespmem:$0x1FC80] =	vst v39;
	v39 =	vld.idx.msk [tilespmem:v15+s30+$0x8040], $0xffff  }
0x1b4: {  	v38 =	vld.idx.msk [tilespmem:v11+s30+$0x8020], $0xffff  }
0x1b5: {  	v40 =	vld.idx.msk [tilespmem:v12+s30+$0x8020], $0xffff  }
0x1b6: {  	v1 =	vld.idx.msk [tilespmem:v63+s30+$0x8030], $0xffff  }
0x1b7: {  	v9 =	vmov v7;
	v7 =	vld.idx.msk [tilespmem:v8+s30+$0x8030], $0xffff  }
0x1b8: {  	[tilespmem:$0x1FCB0] =	vst v39;
	v39 =	vld.idx.msk [tilespmem:v16+s30+$0x8040], $0xffff  }
0x1b9: {  	v3 =	vld.idx.msk [tilespmem:v58+s30+$0x8030], $0xffff  }
0x1ba: {  	v5 =	vld.idx.msk [tilespmem:v62+s30+$0x8040], $0xffff  }
0x1bb: {  	v6 =	vld.idx.msk [tilespmem:v63+s30+$0x8040], $0xffff  }
0x1bc: {  	v4 =	vld.idx.msk [tilespmem:v56+s30+$0x8040], $0xffff  }
0x1bd: {  	[tilespmem:$0x1FCE0] =	vst v39;
	v39 =	vld.idx.msk [tilespmem:v17+s30+$0x8040], $0xffff  }
0x1be: {  	v19 =	vld.idx.msk [tilespmem:v11+s30+$0x8040], $0xffff  }
0x1bf: {  	v18 =	vld.idx.msk [tilespmem:v9+s30+$0x8030], $0xffff  }
0x1c0: {  	[tilespmem:$0x1FB10] =	vst v52;
	v52 =	vld.idx.msk [tilespmem:v16+s30+$0x8010], $0xffff  }
0x1c1: {  	[tilespmem:$0x1FB20] =	vst v53;
	v53 =	vld.idx.msk [tilespmem:v17+s30+$0x8010], $0xffff  }
0x1c2: {  	[tilespmem:$0x1FD00] =	vst v39;
	v39 =	vld.idx.msk [tilespmem:v62+s30+$0x8050], $0xffff  }
0x1c3: {  	[tilespmem:$0x1FB30] =	vst v54;
	v54 =	vld.idx.msk [tilespmem:v62+s30+$0x8020], $0xffff  }
0x1c4: {  	[tilespmem:$0x1FB40] =	vst v59;
	v59 =	vld.idx.msk [tilespmem:v13+s30+$0x8020], $0xffff  }
0x1c5: {  	[tilespmem:$0x1FB50] =	vst v60;
	v60 =	vld.idx.msk [tilespmem:v14+s30+$0x8020], $0xffff  }
0x1c6: {  	[tilespmem:$0x1FB60] =	vst v61;
	v61 =	vld.idx.msk [tilespmem:v15+s30+$0x8020], $0xffff  }
0x1c7: {  	[tilespmem:$0x1FD10] =	vst v39;
	v39 =	vld.idx.msk [tilespmem:v63+s30+$0x8050], $0xffff  }
0x1c8: {  	[tilespmem:$0x1FB70] =	vst v22;
	v22 =	vld.idx.msk [tilespmem:v16+s30+$0x8020], $0xffff  }
0x1c9: {  	[tilespmem:$0x1FB80] =	vst v23;
	v23 =	vld.idx.msk [tilespmem:v17+s30+$0x8020], $0xffff  }
0x1ca: {  	[tilespmem:$0x1FB00] =	vst v0;
	v0 =	vld.idx.msk [tilespmem:v62+s30+$0x8030], $0xffff  }
0x1cb: {  	[tilespmem:$0x1FBF0] =	vst v40;
	v40 =	vld.idx.msk [tilespmem:v56+s30+$0x8030], $0xffff  }
0x1cc: {  	[tilespmem:$0x1FD20] =	vst v39;
	v39 =	vld.idx.msk [tilespmem:v8+s30+$0x8050], $0xffff  }
0x1cd: {  	[tilespmem:$0x1FB90] =	vst v37;
	v37 =	vld.idx.msk [tilespmem:v10+s30+$0x8030], $0xffff  }
0x1ce: {  	[tilespmem:$0x1FBB0] =	vst v38;
	v38 =	vld.idx.msk [tilespmem:v11+s30+$0x8030], $0xffff;
	v2 =	vmax.f32 v2, $-1.000000000e+00  }
0x1cf: {  	[tilespmem:$0x1FBA0] =	vst v3;
	v3 =	vld.idx.msk [tilespmem:v8+s30+$0x8040], $0xffff;
	v2 =	vmax.f32 v2, v20  }
0x1d0: {  	v21 =	vmax.f32 v2, v21;
	v2 =	vld.idx.msk [tilespmem:v10+s30+$0x8050], $0xffff  }
0x1d1: {  	v21 =	vmax.f32 v21, v25;
	[tilespmem:$0x1FD30] =	vst v39;
	v39 =	vld.idx.msk [tilespmem:v9+s30+$0x8050], $0xffff  }
0x1d2: {  	v21 =	vmax.f32 v21, v26;
	v26 =	vld.idx.msk [tilespmem:v14+s30+$0x8050], $0xffff  }
0x1d3: {  	[tilespmem:$0x1FC90] =	vst v22;
	v22 =	vld.idx.msk [tilespmem:v57+s30+$0x8030], $0xffff  }
0x1d4: {  	[tilespmem:$0x1FC10] =	vst v59;
	v59 =	vld.idx.msk [tilespmem:v12+s30+$0x8030], $0xffff  }
0x1d5: {  	[tilespmem:$0x1FC30] =	vst v60;
	v60 =	vld.idx.msk [tilespmem:v13+s30+$0x8030], $0xffff  }
0x1d6: {  	[tilespmem:$0x1FD40] =	vst v39;
	v39 =	vld.idx.msk [tilespmem:v57+s30+$0x8050], $0xffff  }
0x1d7: {  	[tilespmem:$0x1FC60] =	vst v61;
	v61 =	vld.idx.msk [tilespmem:v14+s30+$0x8030], $0xffff  }
0x1d8: {  	[tilespmem:$0x1FCC0] =	vst v23;
	v23 =	vld.idx.msk [tilespmem:v15+s30+$0x8030], $0xffff  }
0x1d9: {  	[tilespmem:$0x1FBC0] =	vst v37;
	v37 =	vld.idx.msk [tilespmem:v16+s30+$0x8030], $0xffff  }
0x1da: {  	[tilespmem:$0x1FBE0] =	vst v38;
	v38 =	vld.idx.msk [tilespmem:v17+s30+$0x8030], $0xffff  }
0x1db: {  	[tilespmem:$0x1FD50] =	vst v39;
	v39 =	vld.idx.msk [tilespmem:v56+s30+$0x8050], $0xffff  }
0x1dc: {  	v21 =	vmax.f32 v21, v27;
	v27 =	vld.idx.msk [tilespmem:v15+s30+$0x8050], $0xffff  }
0x1dd: {  	v0 =	vmax.f32 v0, $-1.000000000e+00;
	v21 =	vmax.f32 v21, v28;
	v28 =	vld.idx.msk [tilespmem:v16+s30+$0x8050], $0xffff  }
0x1de: {  	v0 =	vmax.f32 v0, v1;
	v21 =	vmax.f32 v21, v29;
	v29 =	vld.idx.msk [tilespmem:v17+s30+$0x8050], $0xffff  }
0x1df: {  	v30 =	vmax.f32 v30, $-1.000000000e+00;
	v0 =	vmax.f32 v0, v7;
	v7 =	vld [tilespmem:$0x1FB60]  }
0x1e0: {  	v21 =	vmax.f32 v21, v32;
	v32 =	vld.idx.msk [tilespmem:v62+s30+$0x8060], $0xffff;
	[tilespmem:$0x1FD60] =	vst v39;
	v39 =	vmax.f32 v30, v31  }
0x1e1: {  	v0 =	vmax.f32 v0, v18;
	v18 =	vld.idx.msk [tilespmem:v55+s30+$0x8060], $0xffff;
	v20 =	vmax.f32 v39, v34  }
0x1e2: {  	v21 =	vmax.f32 v21, v33;
	v33 =	vld.idx.msk [tilespmem:v63+s30+$0x8060], $0xffff;
	v20 =	vmax.f32 v20, v35  }
0x1e3: {  	[tilespmem:$0x1FC40] =	vst v60;
	v60 =	vld.idx.msk [tilespmem:v9+s30+$0x8040], $0xffff;
	v20 =	vmax.f32 v20, v42  }
0x1e4: {  	[tilespmem:$0x1FC70] =	vst v61;
	v61 =	vld.idx.msk [tilespmem:v57+s30+$0x8040], $0xffff;
	v20 =	vmax.f32 v20, v43  }
0x1e5: {  	[tilespmem:$0x1FC20] =	vst v59;
	v59 =	vld.idx.msk [tilespmem:v58+s30+$0x8040], $0xffff;
	v44 =	vmax.f32 v20, v44  }
0x1e6: {  	v25 =	vmax.f32 v44, v45;
	v45 =	vld [tilespmem:$0x1FB00]  }
0x1e7: {  	v25 =	vmax.f32 v25, v46;
	v46 =	vld [tilespmem:$0x1FB10]  }
0x1e8: {  	v25 =	vmax.f32 v25, v47;
	v47 =	vld [tilespmem:$0x1FB20]  }
0x1e9: {  	v25 =	vmax.f32 v25, v48;
	v48 =	vld [tilespmem:$0x1FB30]  }
0x1ea: {  	v21 =	vmax.f32 v21, v36;
	v25 =	vmax.f32 v25, v49;
	v49 =	vld [tilespmem:$0x1FB40]  }
0x1eb: {  	v5 =	vmax.f32 v5, $-1.000000000e+00;
	[tilespmem:$0x1FCF0] =	vst v38;
	v38 =	vld.idx.msk [tilespmem:v10+s30+$0x8040], $0xffff;
	v21 =	vmax.f32 v21, v45;
	v25 =	vmax.f32 v25, v50  }
0x1ec: {  	v21 =	vmax.f32 v21, v46;
	v25 =	vmax.f32 v25, v51;
	v51 =	vmax.f32 v5, v6;
	v6 =	vld [tilespmem:$0x1FB50]  }
0x1ed: {  	[tilespmem:$0x1FCA0] =	vst v23;
	v23 =	vld.idx.msk [tilespmem:v55+s30+$0x8040], $0xffff;
	v21 =	vmax.f32 v21, v47  }
0x1ee: {  	[tilespmem:$0x1FCD0] =	vst v37;
	v37 =	vld.idx.msk [tilespmem:v12+s30+$0x8040], $0xffff;
	v50 =	vmax.f32 v54, $-1.000000000e+00;
	v25 =	vmax.f32 v25, v52;
	v21 =	vmax.f32 v21, v48  }
0x1ef: {  	v36 =	vld.idx.msk [tilespmem:v8+s30+$0x8060], $0xffff;
	v42 =	vmax.f32 v21, v49;
	v21 =	vmax.f32 v25, v53;
	v25 =	vmax.f32 v50, v24  }
0x1f0: {  	v0 =	vmax.f32 v0, v22;
	v22 =	vld.idx.msk [tilespmem:v13+s30+$0x8060], $0xffff;
	v25 =	vmax.f32 v25, v41  }
0x1f1: {  	v0 =	vmax.f32 v0, v40;
	v40 =	vld [tilespmem:$0x1FC60];
	v6 =	vmax.f32 v25, v6  }
0x1f2: {  	v6 =	vmax.f32 v6, v7;
	v7 =	vld [tilespmem:$0x1FB70]  }
0x1f3: {  	v30 =	vld.idx.msk [tilespmem:v58+s30+$0x8050], $0xffff  }
0x1f4: {  	v31 =	vld.idx.msk [tilespmem:v12+s30+$0x8050], $0xffff  }
0x1f5: {  	v34 =	vld.idx.msk [tilespmem:v55+s30+$0x8050], $0xffff  }
0x1f6: {  	v39 =	vld.idx.msk [tilespmem:v9+s30+$0x8060], $0xffff  }
0x1f7: {  	v6 =	vmax.f32 v6, v7;
	v7 =	vld [tilespmem:$0x1FB80]  }
0x1f8: {  	v35 =	vld.idx.msk [tilespmem:v11+s30+$0x8050], $0xffff  }
0x1f9: {  	v43 =	vld.idx.msk [tilespmem:v57+s30+$0x8060], $0xffff  }
0x1fa: {  	v20 =	vld.idx.msk [tilespmem:v13+s30+$0x8050], $0xffff  }
0x1fb: {  	v44 =	vld.idx.msk [tilespmem:v56+s30+$0x8060], $0xffff  }
0x1fc: {  	v6 =	vmax.f32 v6, v7;
	v7 =	vld [tilespmem:$0x1FB90]  }
0x1fd: {  	v54 =	vld [tilespmem:$0x1FC30]  }
0x1fe: {  	v45 =	vld [tilespmem:$0x1FC80]  }
0x1ff: {  	v5 =	vld.idx.msk [tilespmem:v58+s30+$0x8060], $0xffff  }
0x200: {  	v46 =	vld [tilespmem:$0x1FC90]  }
0x201: {  	v6 =	vmax.f32 v6, v7;
	v7 =	vld [tilespmem:$0x1FBA0]  }
0x202: {  	v1 =	vmax.f32 v51, v3;
	v3 =	vld.idx.msk [tilespmem:v10+s30+$0x8060], $0xffff  }
0x203: {  	v52 =	vld [tilespmem:$0x1FC10]  }
0x204: {  	v47 =	vld [tilespmem:$0x1FCA0]  }
0x205: {  	v51 =	vld [tilespmem:$0x1FCD0]  }
0x206: {  	v0 =	vmax.f32 v0, v7;
	v7 =	vld [tilespmem:$0x1FBB0]  }
0x207: {  	v1 =	vmax.f32 v1, v60;
	v60 =	vld [tilespmem:$0x1FC50]  }
0x208: {  	v24 =	vld.idx.msk [tilespmem:v14+s30+$0x8060], $0xffff  }
0x209: {  	v53 =	vld [tilespmem:$0x1FC20]  }
0x20a: {  	v1 =	vmax.f32 v1, v61;
	v61 =	vld.idx.msk [tilespmem:v62+s30+$0x8070], $0xffff  }
0x20b: {  	v6 =	vmax.f32 v6, v7;
	v7 =	vld [tilespmem:$0x1FBC0]  }
0x20c: {  	v49 =	vld [tilespmem:$0x1FCB0]  }
0x20d: {  	v50 =	vld [tilespmem:$0x1FCC0]  }
0x20e: {  	v1 =	vmax.f32 v1, v4;
	v4 =	vld.idx.msk [tilespmem:v12+s30+$0x8060], $0xffff  }
0x20f: {  	v41 =	vld [tilespmem:$0x1FC70];
	v1 =	vmax.f32 v1, v59  }
0x210: {  	v1 =	vmax.f32 v1, v38;
	v0 =	vmax.f32 v0, v7;
	v7 =	vld [tilespmem:$0x1FBD0]  }
0x211: {  	v1 =	vmax.f32 v1, v19;
	v19 =	vld [tilespmem:$0x1FBF0]  }
0x212: {  	v25 =	vld.idx.msk [tilespmem:v11+s30+$0x8060], $0xffff  }
0x213: {  	v59 =	vld [tilespmem:$0x1FC40]  }
0x214: {  	v38 =	vld.idx.msk [tilespmem:v63+s30+$0x8070], $0xffff  }
0x215: {  	v6 =	vmax.f32 v6, v7;
	v7 =	vld [tilespmem:$0x1FBE0]  }
0x216: {  	v6 =	vmax.f32 v6, v19;
	v19 =	vld [tilespmem:$0x1FC00]  }
0x217: {  	v1 =	vmax.f32 v1, v23;
	v23 =	vld.idx.msk [tilespmem:v17+s30+$0x8060], $0xffff  }
0x218: {  	v1 =	vmax.f32 v1, v37;
	v37 =	vmax.f32 v61, $-1.000000000e+00;
	v61 =	vld [tilespmem:$0x1FD30]  }
0x219: {  	v1 =	vmax.f32 v1, v60;
	v60 =	vld [tilespmem:$0x1FD20]  }
0x21a: {  	v6 =	vmax.f32 v6, v52;
	v52 =	vld [tilespmem:$0x1FCE0];
	v0 =	vmax.f32 v0, v7  }
0x21b: {  	v1 =	vmax.f32 v1, v45;
	v6 =	vmax.f32 v6, v54;
	v54 =	vld [tilespmem:$0x1FD00];
	v0 =	vmax.f32 v0, v19  }
0x21c: {  	v1 =	vmax.f32 v1, v49;
	v49 =	vld.idx.msk [tilespmem:v55+s30+$0x8070], $0xffff;
	v0 =	vmax.f32 v0, v53  }
0x21d: {  	v0 =	vmax.f32 v0, v59;
	v59 =	vld [tilespmem:$0x1FD10]  }
0x21e: {  	v6 =	vmax.f32 v6, v40;
	v40 =	vld.idx.msk [tilespmem:v8+s30+$0x8070], $0xffff  }
0x21f: {  	v7 =	vld.idx.msk [tilespmem:v15+s30+$0x8060], $0xffff;
	v1 =	vmax.f32 v1, v52  }
0x220: {  	v1 =	vmax.f32 v1, v54;
	v54 =	vld [tilespmem:$0x1FD40]  }
0x221: {  	v6 =	vmax.f32 v6, v46;
	v46 =	vld.idx.msk [tilespmem:v57+s30+$0x8070], $0xffff  }
0x222: {  	v53 =	vld [tilespmem:$0x1FCF0];
	v45 =	vmax.f32 v59, $-1.000000000e+00  }
0x223: {  	v32 =	vmax.f32 v32, $-1.000000000e+00;
	v0 =	vmax.f32 v0, v41;
	v41 =	vld.idx.msk [tilespmem:v9+s30+$0x8070], $0xffff;
	v45 =	vmax.f32 v45, v60  }
0x224: {  	v32 =	vmax.f32 v32, v33;
	v60 =	vld [tilespmem:$0x1FD50];
	v45 =	vmax.f32 v45, v61  }
0x225: {  	v52 =	vmax.f32 v37, v38;
	v0 =	vmax.f32 v0, v47;
	v38 =	vmax.f32 v45, v54;
	v45 =	vld [tilespmem:$0x1FD60]  }
0x226: {  	v32 =	vmax.f32 v32, v36;
	v47 =	vld.idx.msk [tilespmem:v56+s30+$0x8070], $0xffff;
	v0 =	vmax.f32 v0, v51  }
0x227: {  	v32 =	vmax.f32 v32, v39;
	v0 =	vmax.f32 v0, v53;
	v53 =	vld.idx.msk [tilespmem:v58+s30+$0x8070], $0xffff  }
0x228: {  	v32 =	vmax.f32 v32, v43;
	v33 =	vmax.f32 v52, v40;
	v59 =	vld.idx.msk [tilespmem:v10+s30+$0x8070], $0xffff  }
0x229: {  	v32 =	vmax.f32 v32, v44;
	v33 =	vmax.f32 v33, v41;
	v61 =	vld.idx.msk [tilespmem:v11+s30+$0x8070], $0xffff;
	v38 =	vmax.f32 v38, v60  }
0x22a: {  	v5 =	vmax.f32 v32, v5;
	v19 =	vld.idx.msk [tilespmem:v16+s30+$0x8060], $0xffff;
	v33 =	vmax.f32 v33, v46;
	v38 =	vmax.f32 v38, v45  }
0x22b: {  	v6 =	vmax.f32 v6, v50;
	v50 =	vld.idx.msk [tilespmem:v12+s30+$0x8070], $0xffff;
	v33 =	vmax.f32 v33, v47;
	v30 =	vmax.f32 v38, v30  }
0x22c: {  	v3 =	vmax.f32 v5, v3;
	v51 =	vld.idx.msk [tilespmem:v13+s30+$0x8070], $0xffff;
	v2 =	vmax.f32 v30, v2;
	v30 =	vmax.f32 v33, v53  }
0x22d: {  	v3 =	vmax.f32 v3, v25;
	v5 =	vmax.f32 v30, v59;
	v30 =	vld.idx.msk [tilespmem:v14+s30+$0x8070], $0xffff  }
0x22e: {  	v3 =	vmax.f32 v3, v18;
	v52 =	vld.idx.msk [tilespmem:v15+s30+$0x8070], $0xffff;
	v2 =	vmax.f32 v2, v35;
	v5 =	vmax.f32 v5, v61  }
0x22f: {  	v18 =	vld.idx.msk [tilespmem:v16+s30+$0x8070], $0xffff;
	v3 =	vmax.f32 v3, v4;
	v2 =	vmax.f32 v2, v34;
	v5 =	vmax.f32 v5, v49  }
0x230: {  	v3 =	vmax.f32 v3, v22;
	v2 =	vmax.f32 v2, v31;
	v4 =	vmax.f32 v5, v50;
	v5 =	vld.idx.msk [tilespmem:v17+s30+$0x8070], $0xffff  }
0x231: {  	v3 =	vmax.f32 v3, v24;
	v2 =	vmax.f32 v2, v20;
	v4 =	vmax.f32 v4, v51  }
0x232: {  	v3 =	vmax.f32 v3, v7;
	v2 =	vmax.f32 v2, v26;
	v4 =	vmax.f32 v4, v30  }
0x233: {  	v3 =	vmax.f32 v3, v19;
	v2 =	vmax.f32 v2, v27;
	v4 =	vmax.f32 v4, v52  }
0x234: {  	v3 =	vmax.f32 v3, v23;
	v2 =	vmax.f32 v2, v28;
	v4 =	vmax.f32 v4, v18  }
0x235: {  	v7 =	vmax.f32 v6, v0;
	v2 =	vmax.f32 v2, v29;
	v4 =	vmax.f32 v4, v5  }
0x236: {  	v5 =	vmax.f32 v42, v21;
	v18 =	vmax.f32 v1, v2;
	v19 =	vmax.f32 v3, v4  }
0x237: {  	v5 =	vmax.f32 v5, v7;
	v7 =	vmax.f32 v18, v19  }
0x238: {  	v5 =	vmax.f32 v5, v7  }
0x239: {  	v53 =	vimm.s32 $0x0;
	vm0 =	veq.f32 v4, v5  }
0x23a: {  	vm4 =	veq.f32 v3, v5;
	v4 =	vsel vm0, $0x70, v53  }
0x23b: {  	vm5 =	veq.f32 v2, v5;
	v3 =	vsel vm4, $0x60, v4  }
0x23c: {  	vm6 =	veq.f32 v1, v5;
	v2 =	vsel vm5, $0x50, v3  }
0x23d: {  	vm7 =	veq.f32 v0, v5;
	v1 =	vsel vm6, $0x40, v2  }
0x23e: {  	vm8 =	veq.f32 v6, v5;
	v0 =	vsel vm7, $0x30, v1  }
0x23f: {  	vm9 =	veq.f32 v21, v5;
	v0 =	vsel vm8, $0x20, v0  }
0x240: {  	v0 =	vsel vm9, $0x10, v0  }
0x241: {  	v54 =	vadd.s32 v17, v0  }
0x242: {  	v59 =	vadd.s32 v16, v0;
	_ =	sdelay $0x2  }
0x243: {  	v60 =	vadd.s32 v15, v0  }
0x244: {  	v6 =	vadd.s32 v14, v0;
	v4 =	vld.idx.msk [tilespmem:v54+s30+$0x8000], $0xffff  }
0x245: {  	v7 =	vld.idx.msk [tilespmem:v59+s30+$0x8000], $0xffff;
	_ =	sdelay $0x2  }
0x246: {  	v18 =	vadd.s32 v13, v0;
	v19 =	vld.idx.msk [tilespmem:v60+s30+$0x8000], $0xffff  }
0x247: {  	v61 =	vld.idx.msk [tilespmem:v6+s30+$0x8000], $0xffff;
	vm10 =	veq.f32 v4, v5;
	v4 =	vadd.s32 v12, v0  }
0x248: {  	vm11 =	veq.f32 v7, v5;
	v7 =	vadd.s32 v55, v0  }
0x249: {  	v1 =	vand.u32 $0x7F, v54  }
0x24a: {  	v2 =	vand.u32 $0x7F, v59;
	v3 =	vand.u32 $0x7F, v60;
	v1 =	vsel vm10, v1, v0  }
0x24b: {  	v26 =	vld.idx.msk [tilespmem:v18+s30+$0x8000], $0xffff;
	v6 =	vand.u32 $0x7F, v6;
	vm12 =	veq.f32 v19, v5;
	v1 =	vsel vm11, v2, v1  }
0x24c: {  	v19 =	vadd.s32 v11, v0;
	vm13 =	veq.f32 v61, v5;
	v1 =	vsel vm12, v3, v1;
	v36 =	vld.idx.msk [tilespmem:v4+s30+$0x8000], $0xffff  }
0x24d: {  	v37 =	vadd.s32 v10, v0;
	v1 =	vsel vm13, v6, v1;
	v6 =	vld.idx.msk [tilespmem:v7+s30+$0x8000], $0xffff  }
0x24e: {  	v38 =	vand.u32 $0x7F, v18;
	v18 =	vadd.s32 v58, v0;
	_ =	sdelay $0x1  }
0x24f: {  	vm14 =	veq.f32 v26, v5;
	v40 =	vand.u32 $0x7F, v4  }
0x250: {  	v1 =	vsel vm14, v38, v1;
	v39 =	vld.idx.msk [tilespmem:v19+s30+$0x8000], $0xffff;
	v4 =	vadd.s32 v56, v0;
	vm15 =	veq.f32 v36, v5  }
0x251: {  	v41 =	vld.idx.msk [tilespmem:v37+s30+$0x8000], $0xffff;
	vm4 =	veq.f32 v6, v5;
	v6 =	vand.u32 $0x7F, v7;
	v1 =	vsel vm15, v40, v1  }
0x252: {  	v7 =	vadd.s32 v57, v0;
	v1 =	vsel vm4, v6, v1;
	v6 =	vld.idx.msk [tilespmem:v18+s30+$0x8000], $0xffff  }
0x253: {  	v42 =	vand.u32 $0x7F, v19;
	v19 =	vadd.s32 v9, v0;
	_ =	sdelay $0x1  }
0x254: {  	v47 =	vmul.f32 $1.500000000e+01, v5;
	v45 =	vadd.s32 v8, v0;
	vm5 =	veq.f32 v39, v5  }
0x255: {  	v44 =	vand.u32 $0x7F, v37;
	vm6 =	veq.f32 v41, v5;
	v43 =	vld.idx.msk [tilespmem:v4+s30+$0x8000], $0xffff;
	v1 =	vsel vm5, v42, v1  }
0x256: {  	v1 =	vsel vm6, v44, v1;
	v46 =	vld.idx.msk [tilespmem:v7+s30+$0x8000], $0xffff;
	vm7 =	veq.f32 v6, v5;
	v6 =	vand.u32 $0x7F, v18  }
0x257: {  	v18 =	vadd.s32 v63, v0;
	v1 =	vsel vm7, v6, v1;
	v6 =	vld.idx.msk [tilespmem:v19+s30+$0x8000], $0xffff  }
0x258: {  	v49 =	vand.u32 $0x7F, v4;
	v4 =	vtrunc.f32 v47;
	v0 =	vadd.s32 v62, v0  }
0x259: {  	v25 =	vld [tilespmem:$0x1FFF0];
	v4 =	vcvt.f32.s32 v4  }
0x25a: {  	v50 =	vld.idx.msk [tilespmem:v45+s30+$0x8000], $0xffff;
	v51 =	vand.u32 $0x7F, v7;
	vm8 =	veq.f32 v43, v5  }
0x25b: {  	v24 =	vld [tilespmem:$0x1FFE0];
	vm1 =	vlt.s32 v4, $0xE;
	v1 =	vsel vm8, v49, v1;
	vm9 =	veq.f32 v46, v5  }
0x25c: {  	v1 =	vsel vm9, v51, v1;
	v52 =	vld.idx.msk [tilespmem:v18+s30+$0x8000], $0xffff;
	vm10 =	veq.f32 v6, v5;
	v6 =	vand.u32 $0x7F, v19  }
0x25d: {  	v48 =	vimm.f32 $0.0e+00;
	v4 =	vnsel vm1, $0xE, v4;
	v1 =	vsel vm10, v6, v1;
	v6 =	vld.idx.msk [tilespmem:v0+s30+$0x8000], $0xffff  }
0x25e: {  	v35 =	vlaneseq.u32;
	v53 =	vand.u32 $0x7F, v45;
	v4 =	vshll.u32 v4, $0x4  }
0x25f: {  	v54 =	vld [tilespmem:s29+$0x0];
	vm11 =	veq.f32 v50, v5;
	vm13 =	vgt.f32 v5, $0.0e+00;
	v7 =	vor.u32 v35, v4  }
0x260: {  	v60 =	vadd.s32 v25, v4;
	v59 =	vand.u32 $0x7F, v18;
	v18 =	vadd.s32 v24, v4  }
0x261: {  	p1 =	sne.s32 s28, $0x1E000;
	v4 =	vsel vm13, $0x3F800000, v48;
	v1 =	vsel vm11, v53, v1;
	vm12 =	veq.f32 v52, v5  }
.Ltmp3:
0x262: {  	v0 =	vand.u32 $0x7F, v0;
	v1 =	vsel vm12, v59, v1;
	vm14 =	veq.f32 v6, v5;
	(pc) =	sbr.rel @p1 .LBB2_5-.Ltmp3, $4  }
0x263: {  	v61 =	vmul.f32 v4, v5;
	v0 =	vsel vm14, v0, v1  }
0x264: {  	[tilespmem:v7+s18+$0x0] =	vst.idx.add.f32.msk $0xffff, v4;
	vm15 =	veq.s32 v0, v54  }
0x265: {  	v32 =	vmov v10;
	v33 =	vmov v11;
	[tilespmem:v18+s18+$0x0] =	vst.idx.add.f32.msk $0xffff, v61;
	v0 =	vnsel vm15, $0x0, v4  }
0x266: {  	s28 =	sadd.s32 $0x2000, s28;
	v34 =	vmovc v55;
	v31 =	vmovc v58;
	v30 =	vmov v56;
	v29 =	vmov v57;
	s29 =	sadd.s32 $0x10, s29;
	v7 =	vmov v9;
	[tilespmem:v60+s18+$0x0] =	vst.idx.add.f32.msk $0xffff, v0  }
.Ltmp4:
0x267: {  	(pc) =	sbr.rel @p0 .LBB2_8-.Ltmp4, $1  }
0x268: {  	_ =	sdelay $0x3  }
0x269: {  	s26 =	sadd.s32 s26, s10  }
0x26a: {  	s28 =	sshll.u32 s26, $0x4  }
.Ltmp5:
0x26b: {  	s28 =	sand.u32 $0x1FFFF000, s28;
	(pc) =	sbr.rel .LBB2_2-.Ltmp5, $4  }
0x26c: {  	s26 =	sshrl.u32 s26, $0x3;
	s28 =	sadd.s32 s0, s28  }
0x26d: {  	[tilespmem:s14], [sflag:$0x2] =	stream.linear.gather [hbm4b:s28+s4], $0x8000, $0x38;
	[tilespmem:$0x10500] =	vst v63  }
0x26e: {  	s25 =	sadd.s32 $0x1, s25;
	s26 =	sadd.s32 s1, s26  }
0x26f: {  	[tilespmem:s15], [sflag:$0x4] =	stream.linear.gather [hbm4b:s26+s4], $0x100, $0x38;
	[tilespmem:$0x10500] =	vst v63  }
.LBB2_9:
0x270: {  	_ =	sfence.sel $0x180000  }
0x271: {  	[bflag:$0x0] =	sbarrier.arrive $0xFFFF  }
0x272: {  	p0 =	sne.s32 s2, $0x0;
	_ =	strace $0x90000047  }
0x273: {  	s0 =	sadd.s32 @!p0 $0x100000, s3;
	[bflag:$0x2] =	sbarrier.arrive $0xFFFF  }
0x274: {  	[sflag:s0] =	ssyncadd.tile.s32 @!p0 $0x1;
	_ =	shalt  }
.Lfunc_end2:
_tile_overlayer_lowered:
.L_overlay_start_2:
0x275: {  	(tag) =	ssettag $0x2  }
0x276: {  	s0 =	rddreg [dreg:$0x0];
	s2 =	stileid.u32  }
0x277: {  	s1 =	rddreg [dreg:$0x1];
	p0 =	sne.s32 s2, $0x0  }
0x278: {  	s3 =	rddreg [dreg:$0x2];
	[bflag:$0x3] =	sbarrier.arrive $0xFFFF;
	s2 =	simm.s32 @!p0 $0x1C05  }
0x279: {  	[timem:s3], [sflag:s2] =	dma.local @!p0 [hbm:s0], s1  }
0x27a: {  	s0 =	simm.s32 @!p0 $0x5  }
0x27b: {  	_ =	swait.ge @!p0 [sflag:s0], s1  }
0x27c: {  	s1 =	ssub.s32 @!p0 $0x0, s1;
	[sflag:s0] =	ssyncset.done @!p0 $0x0  }
0x27d: {  	[sflag:s0] =	ssyncadd.s32 @!p0 s1  }
0x27e: {  	[bflag:$0x3] =	sbarrier.arrive $0xFFFF  }
0x27f: {  	_ =	shalt  }

</sc_bundles>
